<compile_context>
chip_gen: v7x
topology: tpu7x:2x2x1
jax: 0.10.2.dev20260603
libtpu: 0.0.44.dev20260713+nightly
codegen_flags: <defaults>
</compile_context>

<pallas_src>
import jax
import jax.numpy as jnp
from jax import lax
from jax.experimental import pallas as pl
from jax.experimental.pallas import tpu as pltpu
from jax.experimental.pallas import tpu_sc as plsc

N = 10000
E = 320000
C = 128
NC, NS = 2, 16
NW = NC * NS
CH = 64
NCHUNK = E // CH
RB = 1000
SB = 1000
SBP = 1008
VL = 16
PIECE = 2000
NPIECE = E // NW // PIECE


def _mesh():
    return plsc.VectorSubcoreMesh(core_axis_name="c", subcore_axis_name="s")


_SC_PARAMS = pltpu.CompilerParams(needs_layout_passes=False)


def _reduce_hists(hist, hist_sh, tmp, acc, out_hbm, c, s):
    pltpu.sync_copy(hist, hist_sh.at[pl.ds(s * N, N)])
    plsc.subcore_barrier()

    @pl.when(s < N // SB)
    def _():
        off = s * SB
        zpad = jnp.zeros((VL,), jnp.float32)
        tmp[pl.ds(SBP - VL, VL)] = zpad
        acc[pl.ds(SBP - VL, VL)] = zpad
        pltpu.sync_copy(hist_sh.at[pl.ds(off, SB)], acc.at[pl.ds(0, SB)])

        @pl.loop(1, NS)
        def _(k):
            pltpu.sync_copy(hist_sh.at[pl.ds(k * N + off, SB)],
                            tmp.at[pl.ds(0, SB)])

            @pl.loop(0, SBP // VL)
            def _(v):
                sl = pl.ds(v * VL, VL)
                acc[sl] = acc[sl] + tmp[sl]

        pltpu.sync_copy(acc.at[pl.ds(0, SB)],
                        out_hbm.at[pl.ds(c * N + off, SB)])


def _deg_body(dst_hbm, zeros_hbm, deg_out, piece0, piece1, hist, tmp, acc,
              hist_sh, semp0, semp1):
    c = lax.axis_index("c")
    s = lax.axis_index("s")
    wid = s * NC + c
    base_w = wid * (E // NW)
    piece = (piece0, piece1)
    semp = (semp0, semp1)

    pltpu.sync_copy(zeros_hbm, hist)
    ones16 = jnp.full((VL,), 1.0, jnp.float32)

    def piece_src(p):
        return dst_hbm.at[pl.ds(base_w + p * PIECE, PIECE)]

    pltpu.async_copy(piece_src(0), piece[0], semp[0])
    for p in range(NPIECE):
        b = p % 2
        if p + 1 < NPIECE:
            pltpu.async_copy(piece_src(p + 1), piece[1 - b], semp[1 - b])
        pltpu.make_async_copy(piece_src(p), piece[b], semp[b]).wait()

        @pl.loop(0, PIECE // VL)
        def _(v):
            iv = piece[b][pl.ds(v * VL, VL)]
            plsc.addupdate_scatter(hist, [iv], ones16)

    _reduce_hists(hist, hist_sh, tmp, acc, deg_out, c, s)


def _degrees(dst_idx, zeros_n):
    return pl.kernel(
        _deg_body,
        out_type=jax.ShapeDtypeStruct((NC * N,), jnp.float32),
        mesh=_mesh(),
        compiler_params=_SC_PARAMS,
        scratch_types=[
            pltpu.VMEM((PIECE,), jnp.int32),
            pltpu.VMEM((PIECE,), jnp.int32),
            pltpu.VMEM((N,), jnp.float32),
            pltpu.VMEM((SBP,), jnp.float32),
            pltpu.VMEM((SBP,), jnp.float32),
            pltpu.VMEM_SHARED((NS * N,), jnp.float32),
            pltpu.SemaphoreType.DMA,
            pltpu.SemaphoreType.DMA,
        ],
    )(dst_idx, zeros_n)


def _mm_body(x_ref, w_ref, dis_ref, y_ref):
    xw = jnp.dot(x_ref[...], w_ref[...], preferred_element_type=jnp.float32)
    y_ref[...] = xw * dis_ref[...]


def _scaled_xw(x, w1, dis2):
    grid = 10
    blk = N // grid
    return pl.pallas_call(
        _mm_body,
        grid=(grid,),
        in_specs=[
            pl.BlockSpec((blk, C), lambda i: (i, 0)),
            pl.BlockSpec((C, C), lambda i: (0, 0)),
            pl.BlockSpec((blk, 1), lambda i: (i, 0)),
        ],
        out_specs=pl.BlockSpec((blk, C), lambda i: (i, 0)),
        out_shape=jax.ShapeDtypeStruct((N, C), jnp.float32),
    )(x, w1, dis2)


def _agg_body(edge_hbm, y_hbm, dis_hbm, zbig_hbm, zeros_hbm,
              agg_out, s_out,
              idx0, idx1, idx2, idx3, rows0, rows1, dis_v, s_hist, tmp, acc,
              agg_sh, s_sh,
              semi0, semi1, semi2, semi3, semg0, semg1, semsc0, semsc1):
    c = lax.axis_index("c")
    s = lax.axis_index("s")
    wid = s * NC + c
    idx = (idx0, idx1, idx2, idx3)
    rows = (rows0, rows1)
    semi = (semi0, semi1, semi2, semi3)
    semg = (semg0, semg1)
    semsc = (semsc0, semsc1)
    nk = (NCHUNK - 1 - wid) // NW + 1

    def fireidx(k, bi):
        ci = wid + k * NW
        pltpu.async_copy(edge_hbm.at[:, ci], idx[bi], semi[bi])

    def firegather(br, bi):
        pltpu.make_async_copy(edge_hbm.at[:, 0], idx[bi], semi[bi]).wait()
        pltpu.async_copy(y_hbm.at[idx[bi].at[0]], rows[br], semg[br])

    def waitgather(br, bi):
        pltpu.make_async_copy(y_hbm.at[idx[bi].at[0]], rows[br],
                              semg[br]).wait()

    def shist(bi):
        for j in range(CH // VL):
            sl = pl.ds(j * VL, VL)
            dv = plsc.load_gather(dis_v, [idx[bi][1, sl]])
            plsc.addupdate_scatter(s_hist, [idx[bi][0, sl]], dv)

    def firescatter(br, bi):
        pltpu.async_copy(rows[br], agg_sh.at[idx[bi].at[1]], semsc[br],
                         add=True)

    def waitscatter(br):
        pltpu.make_async_copy(rows[br], agg_sh.at[idx[br].at[1]],
                              semsc[br]).wait()

    @pl.when(s < N // RB)
    def _():
        pltpu.sync_copy(zbig_hbm.at[pl.ds(s * RB, RB)],
                        agg_sh.at[pl.ds(s * RB, RB)])

    pltpu.sync_copy(dis_hbm, dis_v)
    pltpu.sync_copy(zeros_hbm, s_hist)

    fireidx(0, 0)
    fireidx(1, 1)
    firegather(0, 0)
    plsc.subcore_barrier()

    @pl.loop(0, nk, step=4)
    def _(k):
        for j in range(4):
            br, bi = j % 2, j % 4
            kj = k + j

            @pl.when(kj < nk)
            def _():
                @pl.when(kj + 2 < nk)
                def _():
                    fireidx(kj + 2, (j + 2) % 4)

                shist(bi)
                waitgather(br, bi)
                firescatter(br, bi)

                @pl.when(kj + 1 < nk)
                def _():
                    @pl.when(kj >= 1)
                    def _():
                        waitscatter((j + 1) % 2)
                    firegather((j + 1) % 2, (j + 1) % 4)

    waitscatter(0)
    waitscatter(1)
    plsc.subcore_barrier()

    @pl.when(s < N // RB)
    def _():
        pltpu.sync_copy(agg_sh.at[pl.ds(s * RB, RB)],
                        agg_out.at[c, pl.ds(s * RB, RB)])

    _reduce_hists(s_hist, s_sh, tmp, acc, s_out, c, s)


def _aggregate(edge3, y, dis1, zbig, zeros_n):
    return pl.kernel(
        _agg_body,
        out_type=(
            jax.ShapeDtypeStruct((NC, N, C), jnp.float32),
            jax.ShapeDtypeStruct((NC * N,), jnp.float32),
        ),
        mesh=_mesh(),
        compiler_params=_SC_PARAMS,
        scratch_types=[
            pltpu.VMEM((2, CH), jnp.int32),
            pltpu.VMEM((2, CH), jnp.int32),
            pltpu.VMEM((2, CH), jnp.int32),
            pltpu.VMEM((2, CH), jnp.int32),
            pltpu.VMEM((CH, C), jnp.float32),
            pltpu.VMEM((CH, C), jnp.float32),
            pltpu.VMEM((N,), jnp.float32),
            pltpu.VMEM((N,), jnp.float32),
            pltpu.VMEM((SBP,), jnp.float32),
            pltpu.VMEM((SBP,), jnp.float32),
            pltpu.VMEM_SHARED((N, C), jnp.float32),
            pltpu.VMEM_SHARED((NS * N,), jnp.float32),
            pltpu.SemaphoreType.DMA,
            pltpu.SemaphoreType.DMA,
            pltpu.SemaphoreType.DMA,
            pltpu.SemaphoreType.DMA,
            pltpu.SemaphoreType.DMA,
            pltpu.SemaphoreType.DMA,
            pltpu.SemaphoreType.DMA,
            pltpu.SemaphoreType.DMA,
        ],
    )(edge3, y, dis1, zbig, zeros_n)


def _final_body(agg0_ref, agg1_ref, y_ref, dis_ref, s0_ref, s1_ref,
                b1_ref, w2_ref, b2_ref, out_ref, vacc):
    i = pl.program_id(0)
    ng = pl.num_programs(0)

    @pl.when(i == 0)
    def _():
        vacc[...] = jnp.zeros_like(vacc)

    dis = dis_ref[...]
    a = agg0_ref[...] + agg1_ref[...] + y_ref[...]
    h = jnp.maximum(a * dis + b1_ref[...], 0.0)
    cw = dis * (s0_ref[...] + s1_ref[...]) + dis * dis
    vacc[...] += jnp.sum(cw * h, axis=0, keepdims=True)

    @pl.when(i == ng - 1)
    def _():
        t = jnp.dot(vacc[...] * (1.0 / N), w2_ref[...],
                    preferred_element_type=jnp.float32,
                    precision=lax.Precision.HIGHEST) + b2_ref[...]
        m = jnp.max(t, axis=1, keepdims=True)
        lse = jnp.log(jnp.sum(jnp.exp(t - m), axis=1, keepdims=True)) + m
        out_ref[...] = t - lse


def _head(agg0, agg1, y, dis2, s0, s1, b1r, w2, b2r):
    grid = 10
    blk = N // grid
    return pl.pallas_call(
        _final_body,
        grid=(grid,),
        in_specs=[
            pl.BlockSpec((blk, C), lambda i: (i, 0)),
            pl.BlockSpec((blk, C), lambda i: (i, 0)),
            pl.BlockSpec((blk, C), lambda i: (i, 0)),
            pl.BlockSpec((blk, 1), lambda i: (i, 0)),
            pl.BlockSpec((blk, 1), lambda i: (i, 0)),
            pl.BlockSpec((blk, 1), lambda i: (i, 0)),
            pl.BlockSpec((1, C), lambda i: (0, 0)),
            pl.BlockSpec((C, C), lambda i: (0, 0)),
            pl.BlockSpec((1, C), lambda i: (0, 0)),
        ],
        out_specs=pl.BlockSpec((1, C), lambda i: (0, 0)),
        out_shape=jax.ShapeDtypeStruct((1, C), jnp.float32),
        scratch_shapes=[pltpu.VMEM((1, C), jnp.float32)],
    )(agg0, agg1, y, dis2, s0, s1, b1r, w2, b2r)


@jax.jit
def kernel(x, edge_index, Wf, bf, W1, b1, W2, b2):
    del Wf, bf
    dst_idx = edge_index[1]
    edge3 = edge_index.reshape(2, NCHUNK, CH)

    zbig = jnp.zeros((N, C), jnp.float32)
    zeros_n = jnp.zeros((N,), jnp.float32)

    deg_flat = _degrees(dst_idx, zeros_n)
    dis1 = lax.rsqrt(deg_flat[:N] + deg_flat[N:] + 1.0)
    dis2 = dis1.reshape(N, 1)

    y = _scaled_xw(x, W1, dis2)

    agg2, s_flat = _aggregate(edge3, y, dis1, zbig, zeros_n)

    return _head(agg2[0], agg2[1], y, dis2,
                 s_flat[:N].reshape(N, 1), s_flat[N:].reshape(N, 1),
                 b1.reshape(1, C), W2, b2.reshape(1, C))

# --- scband reference (transcript-rebuilt; emitter-appended) ---
"""Pipeline reference for scband-gnnmodel-71399536328787 (READ-ONLY COPY).

The authoritative reference and input builder live on the scoring server;
editing this copy changes nothing except your own understanding.
"""

import jax, jax.numpy as jnp
import numpy as np


def gcn_conv(x, edge_index, W, b):
    n = x.shape[0]
    loop = jnp.arange(n, dtype=edge_index.dtype)
    src = jnp.concatenate([edge_index[0], loop])
    dst = jnp.concatenate([edge_index[1], loop])
    deg = jnp.zeros((n,), dtype=x.dtype).at[dst].add(1.0)
    dis = jnp.where(deg > 0, jax.lax.rsqrt(deg), 0.0)
    norm = dis[src] * dis[dst]
    xw = x @ W
    msgs = xw[src] * norm[:, None]
    out = jax.ops.segment_sum(msgs, dst, num_segments=n)
    return out + b


def setup_inputs(seed: int = 0):
    key = jax.random.key(seed)
    ks = jax.random.split(key, 8)
    n_nodes, n_edges = 10000, 320000
    in_c, hid_c, out_c = 128, 128, 128
    x = jax.random.normal(ks[0], (n_nodes, in_c), dtype=jnp.float32)
    edge_index = jax.random.randint(ks[1], (2, n_edges), 0, n_nodes, dtype=jnp.int32)
    s_f = 1.0 / np.sqrt(in_c - 1)
    s1 = 1.0 / np.sqrt(in_c)
    s2 = 1.0 / np.sqrt(hid_c)
    Wf = jax.random.normal(ks[2], (in_c - 1, hid_c), dtype=jnp.float32) * s_f
    bf = jnp.zeros((hid_c,), dtype=jnp.float32)
    W1 = jax.random.normal(ks[3], (in_c, hid_c), dtype=jnp.float32) * s1
    b1 = jnp.zeros((hid_c,), dtype=jnp.float32)
    W2 = jax.random.normal(ks[4], (hid_c, out_c), dtype=jnp.float32) * s2
    b2 = jnp.zeros((out_c,), dtype=jnp.float32)
    return {"x": x, "edge_index": edge_index, "Wf": Wf, "bf": bf, "W1": W1, "b1": b1, "W2": W2, "b2": b2}


def reference(x, edge_index, Wf, bf, W1, b1, W2, b2):
    # linear_features on x[:, 1:] (computed in the original forward, result unused)
    x_features = x[:, 1:] @ Wf + bf
    h = gcn_conv(x, edge_index, W1, b1)
    h = jax.nn.relu(h)
    h = gcn_conv(h, edge_index, W2, b2)
    h = jnp.mean(h, axis=0, keepdims=True)
    return jax.nn.log_softmax(h, axis=1)

if __name__ == "__main__":
    import jax
    _d = setup_inputs()
    print(jax.jit(kernel)(*tuple(_d.values())))

</pallas_src>

<mosaic_0001>
#map = affine_map<(d0, d1) -> (0)>
module attributes {stable_mosaic.version = 14 : i64} {
  func.func @_deg_body(%arg0: i32, %arg1: i32, %arg2: memref<320000xi32, #tpu.memory_space<hbm>>, %arg3: memref<10000xf32, #tpu.memory_space<hbm>>, %arg4: memref<20000xf32, #tpu.memory_space<hbm>>, %arg5: memref<2000xi32, #tpu.memory_space<vmem>>, %arg6: memref<2000xi32, #tpu.memory_space<vmem>>, %arg7: memref<10000xf32, #tpu.memory_space<vmem>>, %arg8: memref<1008xf32, #tpu.memory_space<vmem>>, %arg9: memref<1008xf32, #tpu.memory_space<vmem>>, %arg10: memref<160000xf32, #tpu.memory_space<vmem_shared>>, %arg11: memref<!tpu.dma_semaphore, #tpu.memory_space<semaphore_mem>>, %arg12: memref<!tpu.dma_semaphore, #tpu.memory_space<semaphore_mem>>) attributes {dimension_semantics = [#tpu.dimension_semantics<core_parallel>, #tpu.dimension_semantics<subcore_parallel>], iteration_bounds = array<i64: 2, 16>, scalar_prefetch = 0 : i64, scratch_operands = 8 : i64, tpu.core_type = #tpu.core_type<sc_vector_subcore>, window_params = [{transform_indices = #map}, {transform_indices = #map}, {transform_indices = #map}]} {
    %mul3A = arith.constant 2 : i32
    %mul3A_0 = arith.muli %arg1, %mul3A : i32
    %add3A = arith.addi %mul3A_0, %arg0 : i32
    %mul3A_1 = arith.constant 10000 : i32
    %mul3A_2 = arith.muli %add3A, %mul3A_1 : i32
    "tpu.region"() ({
      %run_scoped3A = tpu.sem_alloc : memref<!tpu.dma_semaphore, #tpu.memory_space<semaphore_mem>>
      tpu.enqueue_dma source(%arg3 : memref<10000xf32, #tpu.memory_space<hbm>>) target(%arg7 : memref<10000xf32, #tpu.memory_space<vmem>>) target_semaphore(%run_scoped3A : memref<!tpu.dma_semaphore, #tpu.memory_space<semaphore_mem>>)
      tpu.wait_dma2 semaphore(%run_scoped3A : memref<!tpu.dma_semaphore, #tpu.memory_space<semaphore_mem>>) src(%arg3 : memref<10000xf32, #tpu.memory_space<hbm>>) dst(%arg7 : memref<10000xf32, #tpu.memory_space<vmem>>)
      tpu.yield
    }) : () -> ()
    %broadcast_in_dim3A = arith.constant 1.000000e+00 : f32
    %broadcast_in_dim3A_3 = vector.broadcast %broadcast_in_dim3A : f32 to vector<16xf32>
    %add3A_4 = arith.constant 0 : i32
    %add3A_5 = arith.addi %mul3A_2, %add3A_4 : i32
    %dma_start3A = tpu.memref_slice %arg2[%add3A_5] : memref<320000xi32, #tpu.memory_space<hbm>> -> memref<2000xi32, #tpu.memory_space<hbm>>
    %dma_start3A_6 = tpu.memref_slice %arg2[%add3A_5] : memref<320000xi32, #tpu.memory_space<hbm>> -> memref<2000xi32, #tpu.memory_space<hbm>>
    tpu.enqueue_dma source(%dma_start3A_6 : memref<2000xi32, #tpu.memory_space<hbm>>) target(%arg5 : memref<2000xi32, #tpu.memory_space<vmem>>) target_semaphore(%arg11 : memref<!tpu.dma_semaphore, #tpu.memory_space<semaphore_mem>>)
    %add3A_7 = arith.constant 2000 : i32
    %add3A_8 = arith.addi %mul3A_2, %add3A_7 : i32
    %dma_start3A_9 = tpu.memref_slice %arg2[%add3A_8] : memref<320000xi32, #tpu.memory_space<hbm>> -> memref<2000xi32, #tpu.memory_space<hbm>>
    %dma_start3A_10 = tpu.memref_slice %arg2[%add3A_8] : memref<320000xi32, #tpu.memory_space<hbm>> -> memref<2000xi32, #tpu.memory_space<hbm>>
    tpu.enqueue_dma source(%dma_start3A_10 : memref<2000xi32, #tpu.memory_space<hbm>>) target(%arg6 : memref<2000xi32, #tpu.memory_space<vmem>>) target_semaphore(%arg12 : memref<!tpu.dma_semaphore, #tpu.memory_space<semaphore_mem>>)
    %add3A_11 = arith.constant 0 : i32
    %add3A_12 = arith.addi %mul3A_2, %add3A_11 : i32
    %dma_wait3A = tpu.memref_slice %arg2[%add3A_12] : memref<320000xi32, #tpu.memory_space<hbm>> -> memref<2000xi32, #tpu.memory_space<hbm>>
    %dma_wait3A_13 = tpu.memref_slice %arg2[%add3A_12] : memref<320000xi32, #tpu.memory_space<hbm>> -> memref<2000xi32, #tpu.memory_space<hbm>>
    tpu.wait_dma2 semaphore(%arg11 : memref<!tpu.dma_semaphore, #tpu.memory_space<semaphore_mem>>) src(%dma_wait3A_13 : memref<2000xi32, #tpu.memory_space<hbm>>) dst(%arg5 : memref<2000xi32, #tpu.memory_space<vmem>>)
    %scan3A = arith.constant 0 : i32
    %scan3A_14 = arith.constant 125 : i32
    %scan3A_15 = arith.addi %scan3A, %scan3A_14 : i32
    %scan3A_16 = arith.constant 1 : i32
    scf.for %scan3A_70 = %scan3A to %scan3A_15 step %scan3A_16  : i32 {
      %mul3A_71 = arith.constant 1 : i32
      %mul3A_72 = arith.muli %scan3A_70, %mul3A_71 : i32
      %add3A_73 = arith.constant 0 : i32
      %add3A_74 = arith.addi %add3A_73, %mul3A_72 : i32
      %mul3A_75 = arith.constant 16 : i32
      %mul3A_76 = arith.muli %add3A_74, %mul3A_75 : i32
      %get3A = arith.index_cast %mul3A_76 : i32 to index
      %get3A_77 = tpu.vector_load %arg5[%get3A] {strides = array<i32>} : memref<2000xi32, #tpu.memory_space<vmem>>, vector<16xi32>,
      tpu.vector_store_idx %arg7[%get3A_77], %broadcast_in_dim3A_3 {add = true} : memref<10000xf32, #tpu.memory_space<vmem>>[vector<16xi32>], vector<16xf32>,
    }
    %scan3A_17 = arith.constant 125 : i32
    %add3A_18 = arith.constant 4000 : i32
    %add3A_19 = arith.addi %mul3A_2, %add3A_18 : i32
    %dma_start3A_20 = tpu.memref_slice %arg2[%add3A_19] : memref<320000xi32, #tpu.memory_space<hbm>> -> memref<2000xi32, #tpu.memory_space<hbm>>
    %dma_start3A_21 = tpu.memref_slice %arg2[%add3A_19] : memref<320000xi32, #tpu.memory_space<hbm>> -> memref<2000xi32, #tpu.memory_space<hbm>>
    tpu.enqueue_dma source(%dma_start3A_21 : memref<2000xi32, #tpu.memory_space<hbm>>) target(%arg5 : memref<2000xi32, #tpu.memory_space<vmem>>) target_semaphore(%arg11 : memref<!tpu.dma_semaphore, #tpu.memory_space<semaphore_mem>>)
    %add3A_22 = arith.constant 2000 : i32
    %add3A_23 = arith.addi %mul3A_2, %add3A_22 : i32
    %dma_wait3A_24 = tpu.memref_slice %arg2[%add3A_23] : memref<320000xi32, #tpu.memory_space<hbm>> -> memref<2000xi32, #tpu.memory_space<hbm>>
    %dma_wait3A_25 = tpu.memref_slice %arg2[%add3A_23] : memref<320000xi32, #tpu.memory_space<hbm>> -> memref<2000xi32, #tpu.memory_space<hbm>>
    tpu.wait_dma2 semaphore(%arg12 : memref<!tpu.dma_semaphore, #tpu.memory_space<semaphore_mem>>) src(%dma_wait3A_25 : memref<2000xi32, #tpu.memory_space<hbm>>) dst(%arg6 : memref<2000xi32, #tpu.memory_space<vmem>>)
    %scan3A_26 = arith.constant 0 : i32
    %scan3A_27 = arith.constant 125 : i32
    %scan3A_28 = arith.addi %scan3A_26, %scan3A_27 : i32
    %scan3A_29 = arith.constant 1 : i32
    scf.for %scan3A_70 = %scan3A_26 to %scan3A_28 step %scan3A_29  : i32 {
      %mul3A_71 = arith.constant 1 : i32
      %mul3A_72 = arith.muli %scan3A_70, %mul3A_71 : i32
      %add3A_73 = arith.constant 0 : i32
      %add3A_74 = arith.addi %add3A_73, %mul3A_72 : i32
      %mul3A_75 = arith.constant 16 : i32
      %mul3A_76 = arith.muli %add3A_74, %mul3A_75 : i32
      %get3A = arith.index_cast %mul3A_76 : i32 to index
      %get3A_77 = tpu.vector_load %arg6[%get3A] {strides = array<i32>} : memref<2000xi32, #tpu.memory_space<vmem>>, vector<16xi32>,
      tpu.vector_store_idx %arg7[%get3A_77], %broadcast_in_dim3A_3 {add = true} : memref<10000xf32, #tpu.memory_space<vmem>>[vector<16xi32>], vector<16xf32>,
    }
    %scan3A_30 = arith.constant 125 : i32
    %add3A_31 = arith.constant 6000 : i32
    %add3A_32 = arith.addi %mul3A_2, %add3A_31 : i32
    %dma_start3A_33 = tpu.memref_slice %arg2[%add3A_32] : memref<320000xi32, #tpu.memory_space<hbm>> -> memref<2000xi32, #tpu.memory_space<hbm>>
    %dma_start3A_34 = tpu.memref_slice %arg2[%add3A_32] : memref<320000xi32, #tpu.memory_space<hbm>> -> memref<2000xi32, #tpu.memory_space<hbm>>
    tpu.enqueue_dma source(%dma_start3A_34 : memref<2000xi32, #tpu.memory_space<hbm>>) target(%arg6 : memref<2000xi32, #tpu.memory_space<vmem>>) target_semaphore(%arg12 : memref<!tpu.dma_semaphore, #tpu.memory_space<semaphore_mem>>)
    %add3A_35 = arith.constant 4000 : i32
    %add3A_36 = arith.addi %mul3A_2, %add3A_35 : i32
    %dma_wait3A_37 = tpu.memref_slice %arg2[%add3A_36] : memref<320000xi32, #tpu.memory_space<hbm>> -> memref<2000xi32, #tpu.memory_space<hbm>>
    %dma_wait3A_38 = tpu.memref_slice %arg2[%add3A_36] : memref<320000xi32, #tpu.memory_space<hbm>> -> memref<2000xi32, #tpu.memory_space<hbm>>
    tpu.wait_dma2 semaphore(%arg11 : memref<!tpu.dma_semaphore, #tpu.memory_space<semaphore_mem>>) src(%dma_wait3A_38 : memref<2000xi32, #tpu.memory_space<hbm>>) dst(%arg5 : memref<2000xi32, #tpu.memory_space<vmem>>)
    %scan3A_39 = arith.constant 0 : i32
    %scan3A_40 = arith.constant 125 : i32
    %scan3A_41 = arith.addi %scan3A_39, %scan3A_40 : i32
    %scan3A_42 = arith.constant 1 : i32
    scf.for %scan3A_70 = %scan3A_39 to %scan3A_41 step %scan3A_42  : i32 {
      %mul3A_71 = arith.constant 1 : i32
      %mul3A_72 = arith.muli %scan3A_70, %mul3A_71 : i32
      %add3A_73 = arith.constant 0 : i32
      %add3A_74 = arith.addi %add3A_73, %mul3A_72 : i32
      %mul3A_75 = arith.constant 16 : i32
      %mul3A_76 = arith.muli %add3A_74, %mul3A_75 : i32
      %get3A = arith.index_cast %mul3A_76 : i32 to index
      %get3A_77 = tpu.vector_load %arg5[%get3A] {strides = array<i32>} : memref<2000xi32, #tpu.memory_space<vmem>>, vector<16xi32>,
      tpu.vector_store_idx %arg7[%get3A_77], %broadcast_in_dim3A_3 {add = true} : memref<10000xf32, #tpu.memory_space<vmem>>[vector<16xi32>], vector<16xf32>,
    }
    %scan3A_43 = arith.constant 125 : i32
    %add3A_44 = arith.constant 8000 : i32
    %add3A_45 = arith.addi %mul3A_2, %add3A_44 : i32
    %dma_start3A_46 = tpu.memref_slice %arg2[%add3A_45] : memref<320000xi32, #tpu.memory_space<hbm>> -> memref<2000xi32, #tpu.memory_space<hbm>>
    %dma_start3A_47 = tpu.memref_slice %arg2[%add3A_45] : memref<320000xi32, #tpu.memory_space<hbm>> -> memref<2000xi32, #tpu.memory_space<hbm>>
    tpu.enqueue_dma source(%dma_start3A_47 : memref<2000xi32, #tpu.memory_space<hbm>>) target(%arg5 : memref<2000xi32, #tpu.memory_space<vmem>>) target_semaphore(%arg11 : memref<!tpu.dma_semaphore, #tpu.memory_space<semaphore_mem>>)
    %add3A_48 = arith.constant 6000 : i32
    %add3A_49 = arith.addi %mul3A_2, %add3A_48 : i32
    %dma_wait3A_50 = tpu.memref_slice %arg2[%add3A_49] : memref<320000xi32, #tpu.memory_space<hbm>> -> memref<2000xi32, #tpu.memory_space<hbm>>
    %dma_wait3A_51 = tpu.memref_slice %arg2[%add3A_49] : memref<320000xi32, #tpu.memory_space<hbm>> -> memref<2000xi32, #tpu.memory_space<hbm>>
    tpu.wait_dma2 semaphore(%arg12 : memref<!tpu.dma_semaphore, #tpu.memory_space<semaphore_mem>>) src(%dma_wait3A_51 : memref<2000xi32, #tpu.memory_space<hbm>>) dst(%arg6 : memref<2000xi32, #tpu.memory_space<vmem>>)
    %scan3A_52 = arith.constant 0 : i32
    %scan3A_53 = arith.constant 125 : i32
    %scan3A_54 = arith.addi %scan3A_52, %scan3A_53 : i32
    %scan3A_55 = arith.constant 1 : i32
    scf.for %scan3A_70 = %scan3A_52 to %scan3A_54 step %scan3A_55  : i32 {
      %mul3A_71 = arith.constant 1 : i32
      %mul3A_72 = arith.muli %scan3A_70, %mul3A_71 : i32
      %add3A_73 = arith.constant 0 : i32
      %add3A_74 = arith.addi %add3A_73, %mul3A_72 : i32
      %mul3A_75 = arith.constant 16 : i32
      %mul3A_76 = arith.muli %add3A_74, %mul3A_75 : i32
      %get3A = arith.index_cast %mul3A_76 : i32 to index
      %get3A_77 = tpu.vector_load %arg6[%get3A] {strides = array<i32>} : memref<2000xi32, #tpu.memory_space<vmem>>, vector<16xi32>,
      tpu.vector_store_idx %arg7[%get3A_77], %broadcast_in_dim3A_3 {add = true} : memref<10000xf32, #tpu.memory_space<vmem>>[vector<16xi32>], vector<16xf32>,
    }
    %scan3A_56 = arith.constant 125 : i32
    %add3A_57 = arith.constant 8000 : i32
    %add3A_58 = arith.addi %mul3A_2, %add3A_57 : i32
    %dma_wait3A_59 = tpu.memref_slice %arg2[%add3A_58] : memref<320000xi32, #tpu.memory_space<hbm>> -> memref<2000xi32, #tpu.memory_space<hbm>>
    %dma_wait3A_60 = tpu.memref_slice %arg2[%add3A_58] : memref<320000xi32, #tpu.memory_space<hbm>> -> memref<2000xi32, #tpu.memory_space<hbm>>
    tpu.wait_dma2 semaphore(%arg11 : memref<!tpu.dma_semaphore, #tpu.memory_space<semaphore_mem>>) src(%dma_wait3A_60 : memref<2000xi32, #tpu.memory_space<hbm>>) dst(%arg5 : memref<2000xi32, #tpu.memory_space<vmem>>)
    %scan3A_61 = arith.constant 0 : i32
    %scan3A_62 = arith.constant 125 : i32
    %scan3A_63 = arith.addi %scan3A_61, %scan3A_62 : i32
    %scan3A_64 = arith.constant 1 : i32
    scf.for %scan3A_70 = %scan3A_61 to %scan3A_63 step %scan3A_64  : i32 {
      %mul3A_71 = arith.constant 1 : i32
      %mul3A_72 = arith.muli %scan3A_70, %mul3A_71 : i32
      %add3A_73 = arith.constant 0 : i32
      %add3A_74 = arith.addi %add3A_73, %mul3A_72 : i32
      %mul3A_75 = arith.constant 16 : i32
      %mul3A_76 = arith.muli %add3A_74, %mul3A_75 : i32
      %get3A = arith.index_cast %mul3A_76 : i32 to index
      %get3A_77 = tpu.vector_load %arg5[%get3A] {strides = array<i32>} : memref<2000xi32, #tpu.memory_space<vmem>>, vector<16xi32>,
      tpu.vector_store_idx %arg7[%get3A_77], %broadcast_in_dim3A_3 {add = true} : memref<10000xf32, #tpu.memory_space<vmem>>[vector<16xi32>], vector<16xf32>,
    }
    %scan3A_65 = arith.constant 125 : i32
    %mul3A_66 = arith.constant 10000 : i32
    %mul3A_67 = arith.muli %arg1, %mul3A_66 : i32
    "tpu.region"() ({
      %run_scoped3A = tpu.sem_alloc : memref<!tpu.dma_semaphore, #tpu.memory_space<semaphore_mem>>
      %dma_start3A_70 = tpu.memref_slice %arg10[%mul3A_67] : memref<160000xf32, #tpu.memory_space<vmem_shared>> -> memref<10000xf32, #tpu.memory_space<vmem_shared>>
      %dma_start3A_71 = tpu.memref_slice %arg10[%mul3A_67] : memref<160000xf32, #tpu.memory_space<vmem_shared>> -> memref<10000xf32, #tpu.memory_space<vmem_shared>>
      tpu.enqueue_dma source(%arg7 : memref<10000xf32, #tpu.memory_space<vmem>>) target(%dma_start3A_71 : memref<10000xf32, #tpu.memory_space<vmem_shared>>) target_semaphore(%run_scoped3A : memref<!tpu.dma_semaphore, #tpu.memory_space<semaphore_mem>>)
      %dma_wait3A_72 = tpu.memref_slice %arg10[%mul3A_67] : memref<160000xf32, #tpu.memory_space<vmem_shared>> -> memref<10000xf32, #tpu.memory_space<vmem_shared>>
      %dma_wait3A_73 = tpu.memref_slice %arg10[%mul3A_67] : memref<160000xf32, #tpu.memory_space<vmem_shared>> -> memref<10000xf32, #tpu.memory_space<vmem_shared>>
      tpu.wait_dma2 semaphore(%run_scoped3A : memref<!tpu.dma_semaphore, #tpu.memory_space<semaphore_mem>>) src(%arg7 : memref<10000xf32, #tpu.memory_space<vmem>>) dst(%dma_wait3A_73 : memref<10000xf32, #tpu.memory_space<vmem_shared>>)
      tpu.yield
    }) : () -> ()
    %barrier3A = arith.constant 0 : index
    tpu.barrier barrier_id(%barrier3A)
    %lt3A = arith.constant 10 : i32
    %lt3A_68 = arith.cmpi slt, %arg1, %lt3A : i32
    %convert_element_type3A = arith.extui %lt3A_68 : i1 to i32
    %cond3A = arith.constant 0 : i32
    %cond3A_69 = arith.cmpi ne, %convert_element_type3A, %cond3A : i32
    scf.if %cond3A_69 {
      %mul3A_70 = arith.constant 1000 : i32
      %mul3A_71 = arith.muli %arg1, %mul3A_70 : i32
      %broadcast_in_dim3A_72 = arith.constant 0.000000e+00 : f32
      %broadcast_in_dim3A_73 = vector.broadcast %broadcast_in_dim3A_72 : f32 to vector<16xf32>
      %swap3A = arith.constant 992 : index
      %swap3A_74 = tpu.vector_load %arg8[%swap3A] {strides = array<i32>} : memref<1008xf32, #tpu.memory_space<vmem>>, vector<16xf32>,
      tpu.vector_store %arg8[%swap3A], %broadcast_in_dim3A_73 {strides = array<i32>} : memref<1008xf32, #tpu.memory_space<vmem>>, vector<16xf32>,
      %swap3A_75 = arith.constant 992 : index
      %swap3A_76 = tpu.vector_load %arg9[%swap3A_75] {strides = array<i32>} : memref<1008xf32, #tpu.memory_space<vmem>>, vector<16xf32>,
      tpu.vector_store %arg9[%swap3A_75], %broadcast_in_dim3A_73 {strides = array<i32>} : memref<1008xf32, #tpu.memory_space<vmem>>, vector<16xf32>,
      "tpu.region"() ({
        %run_scoped3A = tpu.sem_alloc : memref<!tpu.dma_semaphore, #tpu.memory_space<semaphore_mem>>
        %dma_start3A_85 = arith.constant 0 : i32
        %dma_start3A_86 = tpu.memref_slice %arg9[%dma_start3A_85] : memref<1008xf32, #tpu.memory_space<vmem>> -> memref<1000xf32, #tpu.memory_space<vmem>>
        %dma_start3A_87 = tpu.memref_slice %arg10[%mul3A_71] : memref<160000xf32, #tpu.memory_space<vmem_shared>> -> memref<1000xf32, #tpu.memory_space<vmem_shared>>
        %dma_start3A_88 = arith.constant 0 : i32
        %dma_start3A_89 = tpu.memref_slice %arg9[%dma_start3A_88] : memref<1008xf32, #tpu.memory_space<vmem>> -> memref<1000xf32, #tpu.memory_space<vmem>>
        %dma_start3A_90 = tpu.memref_slice %arg10[%mul3A_71] : memref<160000xf32, #tpu.memory_space<vmem_shared>> -> memref<1000xf32, #tpu.memory_space<vmem_shared>>
        tpu.enqueue_dma source(%dma_start3A_90 : memref<1000xf32, #tpu.memory_space<vmem_shared>>) target(%dma_start3A_89 : memref<1000xf32, #tpu.memory_space<vmem>>) target_semaphore(%run_scoped3A : memref<!tpu.dma_semaphore, #tpu.memory_space<semaphore_mem>>)
        %dma_wait3A_91 = arith.constant 0 : i32
        %dma_wait3A_92 = tpu.memref_slice %arg9[%dma_wait3A_91] : memref<1008xf32, #tpu.memory_space<vmem>> -> memref<1000xf32, #tpu.memory_space<vmem>>
        %dma_wait3A_93 = tpu.memref_slice %arg10[%mul3A_71] : memref<160000xf32, #tpu.memory_space<vmem_shared>> -> memref<1000xf32, #tpu.memory_space<vmem_shared>>
        %dma_wait3A_94 = arith.constant 0 : i32
        %dma_wait3A_95 = tpu.memref_slice %arg9[%dma_wait3A_94] : memref<1008xf32, #tpu.memory_space<vmem>> -> memref<1000xf32, #tpu.memory_space<vmem>>
        %dma_wait3A_96 = tpu.memref_slice %arg10[%mul3A_71] : memref<160000xf32, #tpu.memory_space<vmem_shared>> -> memref<1000xf32, #tpu.memory_space<vmem_shared>>
        tpu.wait_dma2 semaphore(%run_scoped3A : memref<!tpu.dma_semaphore, #tpu.memory_space<semaphore_mem>>) src(%dma_wait3A_96 : memref<1000xf32, #tpu.memory_space<vmem_shared>>) dst(%dma_wait3A_95 : memref<1000xf32, #tpu.memory_space<vmem>>)
        tpu.yield
      }) : () -> ()
      %scan3A_77 = arith.constant 0 : i32
      %scan3A_78 = arith.constant 15 : i32
      %scan3A_79 = arith.addi %scan3A_77, %scan3A_78 : i32
      %scan3A_80 = arith.constant 1 : i32
      scf.for %scan3A_85 = %scan3A_77 to %scan3A_79 step %scan3A_80  : i32 {
        %mul3A_86 = arith.constant 1 : i32
        %mul3A_87 = arith.muli %scan3A_85, %mul3A_86 : i32
        %add3A_88 = arith.constant 1 : i32
        %add3A_89 = arith.addi %add3A_88, %mul3A_87 : i32
        %mul3A_90 = arith.constant 10000 : i32
        %mul3A_91 = arith.muli %add3A_89, %mul3A_90 : i32
        %add3A_92 = arith.addi %mul3A_91, %mul3A_71 : i32
        "tpu.region"() ({
          %run_scoped3A = tpu.sem_alloc : memref<!tpu.dma_semaphore, #tpu.memory_space<semaphore_mem>>
          %dma_start3A_98 = arith.constant 0 : i32
          %dma_start3A_99 = tpu.memref_slice %arg8[%dma_start3A_98] : memref<1008xf32, #tpu.memory_space<vmem>> -> memref<1000xf32, #tpu.memory_space<vmem>>
          %dma_start3A_100 = tpu.memref_slice %arg10[%add3A_92] : memref<160000xf32, #tpu.memory_space<vmem_shared>> -> memref<1000xf32, #tpu.memory_space<vmem_shared>>
          %dma_start3A_101 = arith.constant 0 : i32
          %dma_start3A_102 = tpu.memref_slice %arg8[%dma_start3A_101] : memref<1008xf32, #tpu.memory_space<vmem>> -> memref<1000xf32, #tpu.memory_space<vmem>>
          %dma_start3A_103 = tpu.memref_slice %arg10[%add3A_92] : memref<160000xf32, #tpu.memory_space<vmem_shared>> -> memref<1000xf32, #tpu.memory_space<vmem_shared>>
          tpu.enqueue_dma source(%dma_start3A_103 : memref<1000xf32, #tpu.memory_space<vmem_shared>>) target(%dma_start3A_102 : memref<1000xf32, #tpu.memory_space<vmem>>) target_semaphore(%run_scoped3A : memref<!tpu.dma_semaphore, #tpu.memory_space<semaphore_mem>>)
          %dma_wait3A_104 = arith.constant 0 : i32
          %dma_wait3A_105 = tpu.memref_slice %arg8[%dma_wait3A_104] : memref<1008xf32, #tpu.memory_space<vmem>> -> memref<1000xf32, #tpu.memory_space<vmem>>
          %dma_wait3A_106 = tpu.memref_slice %arg10[%add3A_92] : memref<160000xf32, #tpu.memory_space<vmem_shared>> -> memref<1000xf32, #tpu.memory_space<vmem_shared>>
          %dma_wait3A_107 = arith.constant 0 : i32
          %dma_wait3A_108 = tpu.memref_slice %arg8[%dma_wait3A_107] : memref<1008xf32, #tpu.memory_space<vmem>> -> memref<1000xf32, #tpu.memory_space<vmem>>
          %dma_wait3A_109 = tpu.memref_slice %arg10[%add3A_92] : memref<160000xf32, #tpu.memory_space<vmem_shared>> -> memref<1000xf32, #tpu.memory_space<vmem_shared>>
          tpu.wait_dma2 semaphore(%run_scoped3A : memref<!tpu.dma_semaphore, #tpu.memory_space<semaphore_mem>>) src(%dma_wait3A_109 : memref<1000xf32, #tpu.memory_space<vmem_shared>>) dst(%dma_wait3A_108 : memref<1000xf32, #tpu.memory_space<vmem>>)
          tpu.yield
        }) : () -> ()
        %scan3A_93 = arith.constant 0 : i32
        %scan3A_94 = arith.constant 63 : i32
        %scan3A_95 = arith.addi %scan3A_93, %scan3A_94 : i32
        %scan3A_96 = arith.constant 1 : i32
        scf.for %scan3A_98 = %scan3A_93 to %scan3A_95 step %scan3A_96  : i32 {
          %mul3A_99 = arith.constant 1 : i32
          %mul3A_100 = arith.muli %scan3A_98, %mul3A_99 : i32
          %add3A_101 = arith.constant 0 : i32
          %add3A_102 = arith.addi %add3A_101, %mul3A_100 : i32
          %mul3A_103 = arith.constant 16 : i32
          %mul3A_104 = arith.muli %add3A_102, %mul3A_103 : i32
          %get3A = arith.index_cast %mul3A_104 : i32 to index
          %get3A_105 = tpu.vector_load %arg9[%get3A] {strides = array<i32>} : memref<1008xf32, #tpu.memory_space<vmem>>, vector<16xf32>,
          %get3A_106 = arith.index_cast %mul3A_104 : i32 to index
          %get3A_107 = tpu.vector_load %arg8[%get3A_106] {strides = array<i32>} : memref<1008xf32, #tpu.memory_space<vmem>>, vector<16xf32>,
          %add3A_108 = arith.addf %get3A_105, %get3A_107 : vector<16xf32>
          %swap3A_109 = arith.index_cast %mul3A_104 : i32 to index
          %swap3A_110 = tpu.vector_load %arg9[%swap3A_109] {strides = array<i32>} : memref<1008xf32, #tpu.memory_space<vmem>>, vector<16xf32>,
          tpu.vector_store %arg9[%swap3A_109], %add3A_108 {strides = array<i32>} : memref<1008xf32, #tpu.memory_space<vmem>>, vector<16xf32>,
        }
        %scan3A_97 = arith.constant 63 : i32
      }
      %scan3A_81 = arith.constant 15 : i32
      %mul3A_82 = arith.constant 10000 : i32
      %mul3A_83 = arith.muli %arg0, %mul3A_82 : i32
      %add3A_84 = arith.addi %mul3A_83, %mul3A_71 : i32
      "tpu.region"() ({
        %run_scoped3A = tpu.sem_alloc : memref<!tpu.dma_semaphore, #tpu.memory_space<semaphore_mem>>
        %dma_start3A_85 = arith.constant 0 : i32
        %dma_start3A_86 = tpu.memref_slice %arg9[%dma_start3A_85] : memref<1008xf32, #tpu.memory_space<vmem>> -> memref<1000xf32, #tpu.memory_space<vmem>>
        %dma_start3A_87 = tpu.memref_slice %arg4[%add3A_84] : memref<20000xf32, #tpu.memory_space<hbm>> -> memref<1000xf32, #tpu.memory_space<hbm>>
        %dma_start3A_88 = tpu.memref_slice %arg4[%add3A_84] : memref<20000xf32, #tpu.memory_space<hbm>> -> memref<1000xf32, #tpu.memory_space<hbm>>
        %dma_start3A_89 = arith.constant 0 : i32
        %dma_start3A_90 = tpu.memref_slice %arg9[%dma_start3A_89] : memref<1008xf32, #tpu.memory_space<vmem>> -> memref<1000xf32, #tpu.memory_space<vmem>>
        tpu.enqueue_dma source(%dma_start3A_90 : memref<1000xf32, #tpu.memory_space<vmem>>) target(%dma_start3A_88 : memref<1000xf32, #tpu.memory_space<hbm>>) target_semaphore(%run_scoped3A : memref<!tpu.dma_semaphore, #tpu.memory_space<semaphore_mem>>)
        %dma_wait3A_91 = arith.constant 0 : i32
        %dma_wait3A_92 = tpu.memref_slice %arg9[%dma_wait3A_91] : memref<1008xf32, #tpu.memory_space<vmem>> -> memref<1000xf32, #tpu.memory_space<vmem>>
        %dma_wait3A_93 = tpu.memref_slice %arg4[%add3A_84] : memref<20000xf32, #tpu.memory_space<hbm>> -> memref<1000xf32, #tpu.memory_space<hbm>>
        %dma_wait3A_94 = tpu.memref_slice %arg4[%add3A_84] : memref<20000xf32, #tpu.memory_space<hbm>> -> memref<1000xf32, #tpu.memory_space<hbm>>
        %dma_wait3A_95 = arith.constant 0 : i32
        %dma_wait3A_96 = tpu.memref_slice %arg9[%dma_wait3A_95] : memref<1008xf32, #tpu.memory_space<vmem>> -> memref<1000xf32, #tpu.memory_space<vmem>>
        tpu.wait_dma2 semaphore(%run_scoped3A : memref<!tpu.dma_semaphore, #tpu.memory_space<semaphore_mem>>) src(%dma_wait3A_96 : memref<1000xf32, #tpu.memory_space<vmem>>) dst(%dma_wait3A_94 : memref<1000xf32, #tpu.memory_space<hbm>>)
        tpu.yield
      }) : () -> ()
    } else {
    }
    return
  }
}

#map = affine_map<(d0, d1) -> (0, 0, 0)>
#map1 = affine_map<(d0, d1) -> (0, 0)>
#map2 = affine_map<(d0, d1) -> (0)>
module attributes {stable_mosaic.version = 14 : i64} {
  func.func @_agg_body(%arg0: i32, %arg1: i32, %arg2: memref<2x5000x64xi32, #tpu.memory_space<hbm>>, %arg3: memref<10000x128xf32, #tpu.memory_space<hbm>>, %arg4: memref<10000xf32, #tpu.memory_space<hbm>>, %arg5: memref<10000x128xf32, #tpu.memory_space<hbm>>, %arg6: memref<10000xf32, #tpu.memory_space<hbm>>, %arg7: memref<2x10000x128xf32, #tpu.memory_space<hbm>>, %arg8: memref<20000xf32, #tpu.memory_space<hbm>>, %arg9: memref<2x64xi32, #tpu.memory_space<vmem>>, %arg10: memref<2x64xi32, #tpu.memory_space<vmem>>, %arg11: memref<2x64xi32, #tpu.memory_space<vmem>>, %arg12: memref<2x64xi32, #tpu.memory_space<vmem>>, %arg13: memref<64x128xf32, #tpu.memory_space<vmem>>, %arg14: memref<64x128xf32, #tpu.memory_space<vmem>>, %arg15: memref<10000xf32, #tpu.memory_space<vmem>>, %arg16: memref<10000xf32, #tpu.memory_space<vmem>>, %arg17: memref<1008xf32, #tpu.memory_space<vmem>>, %arg18: memref<1008xf32, #tpu.memory_space<vmem>>, %arg19: memref<10000x128xf32, #tpu.memory_space<vmem_shared>>, %arg20: memref<160000xf32, #tpu.memory_space<vmem_shared>>, %arg21: memref<!tpu.dma_semaphore, #tpu.memory_space<semaphore_mem>>, %arg22: memref<!tpu.dma_semaphore, #tpu.memory_space<semaphore_mem>>, %arg23: memref<!tpu.dma_semaphore, #tpu.memory_space<semaphore_mem>>, %arg24: memref<!tpu.dma_semaphore, #tpu.memory_space<semaphore_mem>>, %arg25: memref<!tpu.dma_semaphore, #tpu.memory_space<semaphore_mem>>, %arg26: memref<!tpu.dma_semaphore, #tpu.memory_space<semaphore_mem>>, %arg27: memref<!tpu.dma_semaphore, #tpu.memory_space<semaphore_mem>>, %arg28: memref<!tpu.dma_semaphore, #tpu.memory_space<semaphore_mem>>) attributes {dimension_semantics = [#tpu.dimension_semantics<core_parallel>, #tpu.dimension_semantics<subcore_parallel>], iteration_bounds = array<i64: 2, 16>, scalar_prefetch = 0 : i64, scratch_operands = 20 : i64, tpu.core_type = #tpu.core_type<sc_vector_subcore>, window_params = [{transform_indices = #map}, {transform_indices = #map1}, {transform_indices = #map2}, {transform_indices = #map1}, {transform_indices = #map2}, {transform_indices = #map}, {transform_indices = #map2}]} {
    %mul3A = arith.constant 2 : i32
    %mul3A_0 = arith.muli %arg1, %mul3A : i32
    %add3A = arith.addi %mul3A_0, %arg0 : i32
    %sub3A = arith.constant 4999 : i32
    %sub3A_1 = arith.subi %sub3A, %add3A : i32
    %jit3A = arith.constant 32 : i32
    %div3A = arith.divsi %sub3A_1, %jit3A : i32
    %sign3A = arith.constant 0 : i32
    %sign3A_2 = arith.cmpi sgt, %sub3A_1, %sign3A : i32
    %sign3A_3 = arith.extui %sign3A_2 : i1 to i32
    %sign3A_4 = arith.constant 0 : i32
    %sign3A_5 = arith.cmpi slt, %sub3A_1, %sign3A_4 : i32
    %sign3A_6 = arith.extui %sign3A_5 : i1 to i32
    %sign3A_7 = arith.subi %sign3A_3, %sign3A_6 : i32
    %sign3A_8 = arith.constant 0 : i32
    %sign3A_9 = arith.cmpi sgt, %jit3A, %sign3A_8 : i32
    %sign3A_10 = arith.extui %sign3A_9 : i1 to i32
    %sign3A_11 = arith.constant 0 : i32
    %sign3A_12 = arith.cmpi slt, %jit3A, %sign3A_11 : i32
    %sign3A_13 = arith.extui %sign3A_12 : i1 to i32
    %sign3A_14 = arith.subi %sign3A_10, %sign3A_13 : i32
    %ne3A = arith.cmpi ne, %sign3A_7, %sign3A_14 : i32
    %rem3A = arith.remsi %sub3A_1, %jit3A : i32
    %ne3A_15 = arith.constant 0 : i32
    %ne3A_16 = arith.cmpi ne, %rem3A, %ne3A_15 : i32
    %and3A = arith.andi %ne3A, %ne3A_16 : i1
    %sub3A_17 = arith.constant 1 : i32
    %sub3A_18 = arith.subi %div3A, %sub3A_17 : i32
    %select_n3A = arith.select %and3A, %sub3A_18, %div3A : i32
    %add3A_19 = arith.constant 1 : i32
    %add3A_20 = arith.addi %select_n3A, %add3A_19 : i32
    %lt3A = arith.constant 10 : i32
    %lt3A_21 = arith.cmpi slt, %arg1, %lt3A : i32
    %convert_element_type3A = arith.extui %lt3A_21 : i1 to i32
    %cond3A = arith.constant 0 : i32
    %cond3A_22 = arith.cmpi ne, %convert_element_type3A, %cond3A : i32
    scf.if %cond3A_22 {
      %mul3A_103 = arith.constant 1000 : i32
      %mul3A_104 = arith.muli %arg1, %mul3A_103 : i32
      %mul3A_105 = arith.constant 1000 : i32
      %mul3A_106 = arith.muli %arg1, %mul3A_105 : i32
      "tpu.region"() ({
        %run_scoped3A = tpu.sem_alloc : memref<!tpu.dma_semaphore, #tpu.memory_space<semaphore_mem>>
        %dma_start3A_107 = arith.constant 0 : i32
        %dma_start3A_108 = tpu.memref_slice %arg19[%mul3A_106, %dma_start3A_107] : memref<10000x128xf32, #tpu.memory_space<vmem_shared>> -> memref<1000x128xf32, #tpu.memory_space<vmem_shared>>
        %dma_start3A_109 = arith.constant 0 : i32
        %dma_start3A_110 = tpu.memref_slice %arg5[%mul3A_104, %dma_start3A_109] : memref<10000x128xf32, #tpu.memory_space<hbm>> -> memref<1000x128xf32, #tpu.memory_space<hbm>>
        tpu.enqueue_dma source(%dma_start3A_110 : memref<1000x128xf32, #tpu.memory_space<hbm>>) target(%dma_start3A_108 : memref<1000x128xf32, #tpu.memory_space<vmem_shared>>) target_semaphore(%run_scoped3A : memref<!tpu.dma_semaphore, #tpu.memory_space<semaphore_mem>>)
        %dma_wait3A_111 = arith.constant 0 : i32
        %dma_wait3A_112 = tpu.memref_slice %arg19[%mul3A_106, %dma_wait3A_111] : memref<10000x128xf32, #tpu.memory_space<vmem_shared>> -> memref<1000x128xf32, #tpu.memory_space<vmem_shared>>
        %dma_wait3A_113 = arith.constant 0 : i32
        %dma_wait3A_114 = tpu.memref_slice %arg5[%mul3A_104, %dma_wait3A_113] : memref<10000x128xf32, #tpu.memory_space<hbm>> -> memref<1000x128xf32, #tpu.memory_space<hbm>>
        tpu.wait_dma2 semaphore(%run_scoped3A : memref<!tpu.dma_semaphore, #tpu.memory_space<semaphore_mem>>) src(%dma_wait3A_114 : memref<1000x128xf32, #tpu.memory_space<hbm>>) dst(%dma_wait3A_112 : memref<1000x128xf32, #tpu.memory_space<vmem_shared>>)
        tpu.yield
      }) : () -> ()
    } else {
    }
    "tpu.region"() ({
      %run_scoped3A = tpu.sem_alloc : memref<!tpu.dma_semaphore, #tpu.memory_space<semaphore_mem>>
      tpu.enqueue_dma source(%arg4 : memref<10000xf32, #tpu.memory_space<hbm>>) target(%arg15 : memref<10000xf32, #tpu.memory_space<vmem>>) target_semaphore(%run_scoped3A : memref<!tpu.dma_semaphore, #tpu.memory_space<semaphore_mem>>)
      tpu.wait_dma2 semaphore(%run_scoped3A : memref<!tpu.dma_semaphore, #tpu.memory_space<semaphore_mem>>) src(%arg4 : memref<10000xf32, #tpu.memory_space<hbm>>) dst(%arg15 : memref<10000xf32, #tpu.memory_space<vmem>>)
      tpu.yield
    }) : () -> ()
    "tpu.region"() ({
      %run_scoped3A = tpu.sem_alloc : memref<!tpu.dma_semaphore, #tpu.memory_space<semaphore_mem>>
      tpu.enqueue_dma source(%arg6 : memref<10000xf32, #tpu.memory_space<hbm>>) target(%arg16 : memref<10000xf32, #tpu.memory_space<vmem>>) target_semaphore(%run_scoped3A : memref<!tpu.dma_semaphore, #tpu.memory_space<semaphore_mem>>)
      tpu.wait_dma2 semaphore(%run_scoped3A : memref<!tpu.dma_semaphore, #tpu.memory_space<semaphore_mem>>) src(%arg6 : memref<10000xf32, #tpu.memory_space<hbm>>) dst(%arg16 : memref<10000xf32, #tpu.memory_space<vmem>>)
      tpu.yield
    }) : () -> ()
    %add3A_23 = arith.constant 0 : i32
    %add3A_24 = arith.addi %add3A, %add3A_23 : i32
    %dma_start3A = arith.constant 0 : i32
    %dma_start3A_25 = arith.constant 0 : i32
    %dma_start3A_26 = tpu.memref_slice %arg2[%dma_start3A, %add3A_24, %dma_start3A_25] : memref<2x5000x64xi32, #tpu.memory_space<hbm>> -> memref<2x1x64xi32, #tpu.memory_space<hbm>>
    %dma_start3A_27 = tpu.memref_squeeze %dma_start3A_26 : memref<2x1x64xi32, #tpu.memory_space<hbm>> -> memref<2x64xi32, #tpu.memory_space<hbm>>
    %dma_start3A_28 = arith.constant 0 : i32
    %dma_start3A_29 = arith.constant 0 : i32
    %dma_start3A_30 = tpu.memref_slice %arg2[%dma_start3A_28, %add3A_24, %dma_start3A_29] : memref<2x5000x64xi32, #tpu.memory_space<hbm>> -> memref<2x1x64xi32, #tpu.memory_space<hbm>>
    %dma_start3A_31 = tpu.memref_squeeze %dma_start3A_30 : memref<2x1x64xi32, #tpu.memory_space<hbm>> -> memref<2x64xi32, #tpu.memory_space<hbm>>
    tpu.enqueue_dma source(%dma_start3A_31 : memref<2x64xi32, #tpu.memory_space<hbm>>) target(%arg9 : memref<2x64xi32, #tpu.memory_space<vmem>>) target_semaphore(%arg21 : memref<!tpu.dma_semaphore, #tpu.memory_space<semaphore_mem>>)
    %add3A_32 = arith.constant 32 : i32
    %add3A_33 = arith.addi %add3A, %add3A_32 : i32
    %dma_start3A_34 = arith.constant 0 : i32
    %dma_start3A_35 = arith.constant 0 : i32
    %dma_start3A_36 = tpu.memref_slice %arg2[%dma_start3A_34, %add3A_33, %dma_start3A_35] : memref<2x5000x64xi32, #tpu.memory_space<hbm>> -> memref<2x1x64xi32, #tpu.memory_space<hbm>>
    %dma_start3A_37 = tpu.memref_squeeze %dma_start3A_36 : memref<2x1x64xi32, #tpu.memory_space<hbm>> -> memref<2x64xi32, #tpu.memory_space<hbm>>
    %dma_start3A_38 = arith.constant 0 : i32
    %dma_start3A_39 = arith.constant 0 : i32
    %dma_start3A_40 = tpu.memref_slice %arg2[%dma_start3A_38, %add3A_33, %dma_start3A_39] : memref<2x5000x64xi32, #tpu.memory_space<hbm>> -> memref<2x1x64xi32, #tpu.memory_space<hbm>>
    %dma_start3A_41 = tpu.memref_squeeze %dma_start3A_40 : memref<2x1x64xi32, #tpu.memory_space<hbm>> -> memref<2x64xi32, #tpu.memory_space<hbm>>
    tpu.enqueue_dma source(%dma_start3A_41 : memref<2x64xi32, #tpu.memory_space<hbm>>) target(%arg10 : memref<2x64xi32, #tpu.memory_space<vmem>>) target_semaphore(%arg22 : memref<!tpu.dma_semaphore, #tpu.memory_space<semaphore_mem>>)
    %dma_wait3A = arith.constant 0 : i32
    %dma_wait3A_42 = arith.constant 0 : i32
    %dma_wait3A_43 = arith.constant 0 : i32
    %dma_wait3A_44 = tpu.memref_slice %arg2[%dma_wait3A_42, %dma_wait3A, %dma_wait3A_43] : memref<2x5000x64xi32, #tpu.memory_space<hbm>> -> memref<2x1x64xi32, #tpu.memory_space<hbm>>
    %dma_wait3A_45 = tpu.memref_squeeze %dma_wait3A_44 : memref<2x1x64xi32, #tpu.memory_space<hbm>> -> memref<2x64xi32, #tpu.memory_space<hbm>>
    %dma_wait3A_46 = arith.constant 0 : i32
    %dma_wait3A_47 = arith.constant 0 : i32
    %dma_wait3A_48 = tpu.memref_slice %arg2[%dma_wait3A_46, %dma_wait3A, %dma_wait3A_47] : memref<2x5000x64xi32, #tpu.memory_space<hbm>> -> memref<2x1x64xi32, #tpu.memory_space<hbm>>
    %dma_wait3A_49 = tpu.memref_squeeze %dma_wait3A_48 : memref<2x1x64xi32, #tpu.memory_space<hbm>> -> memref<2x64xi32, #tpu.memory_space<hbm>>
    tpu.wait_dma2 semaphore(%arg21 : memref<!tpu.dma_semaphore, #tpu.memory_space<semaphore_mem>>) src(%dma_wait3A_49 : memref<2x64xi32, #tpu.memory_space<hbm>>) dst(%arg9 : memref<2x64xi32, #tpu.memory_space<vmem>>)
    %dma_start3A_50 = arith.constant 0 : i32
    %dma_start3A_51 = arith.constant 0 : i32
    %dma_start3A_52 = tpu.memref_slice %arg9[%dma_start3A_50, %dma_start3A_51] : memref<2x64xi32, #tpu.memory_space<vmem>> -> memref<1x64xi32, #tpu.memory_space<vmem>>
    %dma_start3A_53 = tpu.memref_squeeze %dma_start3A_52 : memref<1x64xi32, #tpu.memory_space<vmem>> -> memref<64xi32, #tpu.memory_space<vmem>>
    %dma_start3A_54 = arith.constant 0 : i32
    %dma_start3A_55 = arith.constant 0 : i32
    %dma_start3A_56 = tpu.memref_slice %arg3[%dma_start3A_54, %dma_start3A_55] : memref<10000x128xf32, #tpu.memory_space<hbm>> -> memref<10000x128xf32, #tpu.memory_space<hbm>>
    tpu.enqueue_indirect_dma source(%dma_start3A_56 : memref<10000x128xf32, #tpu.memory_space<hbm>>) target(%arg13 : memref<64x128xf32, #tpu.memory_space<vmem>>) offsets(%dma_start3A_53 : memref<64xi32, #tpu.memory_space<vmem>>) semaphore(%arg25 : memref<!tpu.dma_semaphore, #tpu.memory_space<semaphore_mem>>)
    %barrier3A = arith.constant 0 : index
    tpu.barrier barrier_id(%barrier3A)
    %sub3A_57 = arith.constant 0 : i32
    %sub3A_58 = arith.subi %add3A_20, %sub3A_57 : i32
    %sub3A_59 = arith.constant 4 : i32
    %sub3A_60 = arith.constant 1 : i32
    %sub3A_61 = arith.subi %sub3A_59, %sub3A_60 : i32
    %add3A_62 = arith.addi %sub3A_58, %sub3A_61 : i32
    %div3A_63 = arith.constant 4 : i32
    %div3A_64 = arith.divsi %add3A_62, %div3A_63 : i32
    %while3A = arith.constant 4 : i32
    %while3A_65 = arith.constant 0 : i32
    %while3A_66 = arith.constant 0 : i32
    %while3A_67 = arith.subi %div3A_64, %while3A_66 : i32
    %while3A_68 = arith.addi %while3A_66, %while3A_67 : i32
    %while3A_69 = arith.constant 1 : i32
    %while3A_70 = arith.divsi %while3A_67, %while3A_69 : i32
    %while3A_71 = arith.muli %while3A_70, %while3A_69 : i32
    %while3A_72 = arith.addi %while3A_66, %while3A_71 : i32
    %while3A_73 = arith.constant 1 : i32
    scf.for %while3A_103 = %while3A_66 to %while3A_72 step %while3A_73  : i32 {
      %mul3A_104 = arith.muli %while3A_103, %while3A : i32
      %add3A_105 = arith.addi %while3A_65, %mul3A_104 : i32
      %add3A_106 = arith.constant 0 : i32
      %add3A_107 = arith.addi %add3A_105, %add3A_106 : i32
      %lt3A_108 = arith.cmpi slt, %add3A_107, %add3A_20 : i32
      %convert_element_type3A_109 = arith.extui %lt3A_108 : i1 to i32
      %cond3A_110 = arith.constant 0 : i32
      %cond3A_111 = arith.cmpi ne, %convert_element_type3A_109, %cond3A_110 : i32
      scf.if %cond3A_111 {
        %add3A_130 = arith.constant 2 : i32
        %add3A_131 = arith.addi %add3A_107, %add3A_130 : i32
        %lt3A_132 = arith.cmpi slt, %add3A_131, %add3A_20 : i32
        %convert_element_type3A_133 = arith.extui %lt3A_132 : i1 to i32
        %cond3A_134 = arith.constant 0 : i32
        %cond3A_135 = arith.cmpi ne, %convert_element_type3A_133, %cond3A_134 : i32
        scf.if %cond3A_135 {
          %add3A_190 = arith.constant 2 : i32
          %add3A_191 = arith.addi %add3A_107, %add3A_190 : i32
          %mul3A_192 = arith.constant 32 : i32
          %mul3A_193 = arith.muli %add3A_191, %mul3A_192 : i32
          %add3A_194 = arith.addi %add3A, %mul3A_193 : i32
          %dma_start3A_195 = arith.constant 0 : i32
          %dma_start3A_196 = arith.constant 0 : i32
          %dma_start3A_197 = tpu.memref_slice %arg2[%dma_start3A_195, %add3A_194, %dma_start3A_196] : memref<2x5000x64xi32, #tpu.memory_space<hbm>> -> memref<2x1x64xi32, #tpu.memory_space<hbm>>
          %dma_start3A_198 = tpu.memref_squeeze %dma_start3A_197 : memref<2x1x64xi32, #tpu.memory_space<hbm>> -> memref<2x64xi32, #tpu.memory_space<hbm>>
          %dma_start3A_199 = arith.constant 0 : i32
          %dma_start3A_200 = arith.constant 0 : i32
          %dma_start3A_201 = tpu.memref_slice %arg2[%dma_start3A_199, %add3A_194, %dma_start3A_200] : memref<2x5000x64xi32, #tpu.memory_space<hbm>> -> memref<2x1x64xi32, #tpu.memory_space<hbm>>
          %dma_start3A_202 = tpu.memref_squeeze %dma_start3A_201 : memref<2x1x64xi32, #tpu.memory_space<hbm>> -> memref<2x64xi32, #tpu.memory_space<hbm>>
          tpu.enqueue_dma source(%dma_start3A_202 : memref<2x64xi32, #tpu.memory_space<hbm>>) target(%arg11 : memref<2x64xi32, #tpu.memory_space<vmem>>) target_semaphore(%arg23 : memref<!tpu.dma_semaphore, #tpu.memory_space<semaphore_mem>>)
        } else {
        }
        %get3A = arith.constant 1 : i32
        %get3A_136 = arith.index_cast %get3A : i32 to index
        %get3A_137 = arith.constant 0 : index
        %get3A_138 = tpu.vector_load %arg9[%get3A_136, %get3A_137] {strides = array<i32>} : memref<2x64xi32, #tpu.memory_space<vmem>>, vector<16xi32>,
        %gather3A = tpu.vector_load_idx %arg15[%get3A_138] : memref<10000xf32, #tpu.memory_space<vmem>>[vector<16xi32>], vector<16xf32>,
        %get3A_139 = arith.constant 0 : i32
        %get3A_140 = arith.index_cast %get3A_139 : i32 to index
        %get3A_141 = arith.constant 0 : index
        %get3A_142 = tpu.vector_load %arg9[%get3A_140, %get3A_141] {strides = array<i32>} : memref<2x64xi32, #tpu.memory_space<vmem>>, vector<16xi32>,
        tpu.vector_store_idx %arg16[%get3A_142], %gather3A {add = true} : memref<10000xf32, #tpu.memory_space<vmem>>[vector<16xi32>], vector<16xf32>,
        %get3A_143 = arith.constant 1 : i32
        %get3A_144 = arith.index_cast %get3A_143 : i32 to index
        %get3A_145 = arith.constant 16 : index
        %get3A_146 = tpu.vector_load %arg9[%get3A_144, %get3A_145] {strides = array<i32>} : memref<2x64xi32, #tpu.memory_space<vmem>>, vector<16xi32>,
        %gather3A_147 = tpu.vector_load_idx %arg15[%get3A_146] : memref<10000xf32, #tpu.memory_space<vmem>>[vector<16xi32>], vector<16xf32>,
        %get3A_148 = arith.constant 0 : i32
        %get3A_149 = arith.index_cast %get3A_148 : i32 to index
        %get3A_150 = arith.constant 16 : index
        %get3A_151 = tpu.vector_load %arg9[%get3A_149, %get3A_150] {strides = array<i32>} : memref<2x64xi32, #tpu.memory_space<vmem>>, vector<16xi32>,
        tpu.vector_store_idx %arg16[%get3A_151], %gather3A_147 {add = true} : memref<10000xf32, #tpu.memory_space<vmem>>[vector<16xi32>], vector<16xf32>,
        %get3A_152 = arith.constant 1 : i32
        %get3A_153 = arith.index_cast %get3A_152 : i32 to index
        %get3A_154 = arith.constant 32 : index
        %get3A_155 = tpu.vector_load %arg9[%get3A_153, %get3A_154] {strides = array<i32>} : memref<2x64xi32, #tpu.memory_space<vmem>>, vector<16xi32>,
        %gather3A_156 = tpu.vector_load_idx %arg15[%get3A_155] : memref<10000xf32, #tpu.memory_space<vmem>>[vector<16xi32>], vector<16xf32>,
        %get3A_157 = arith.constant 0 : i32
        %get3A_158 = arith.index_cast %get3A_157 : i32 to index
        %get3A_159 = arith.constant 32 : index
        %get3A_160 = tpu.vector_load %arg9[%get3A_158, %get3A_159] {strides = array<i32>} : memref<2x64xi32, #tpu.memory_space<vmem>>, vector<16xi32>,
        tpu.vector_store_idx %arg16[%get3A_160], %gather3A_156 {add = true} : memref<10000xf32, #tpu.memory_space<vmem>>[vector<16xi32>], vector<16xf32>,
        %get3A_161 = arith.constant 1 : i32
        %get3A_162 = arith.index_cast %get3A_161 : i32 to index
        %get3A_163 = arith.constant 48 : index
        %get3A_164 = tpu.vector_load %arg9[%get3A_162, %get3A_163] {strides = array<i32>} : memref<2x64xi32, #tpu.memory_space<vmem>>, vector<16xi32>,
        %gather3A_165 = tpu.vector_load_idx %arg15[%get3A_164] : memref<10000xf32, #tpu.memory_space<vmem>>[vector<16xi32>], vector<16xf32>,
        %get3A_166 = arith.constant 0 : i32
        %get3A_167 = arith.index_cast %get3A_166 : i32 to index
        %get3A_168 = arith.constant 48 : index
        %get3A_169 = tpu.vector_load %arg9[%get3A_167, %get3A_168] {strides = array<i32>} : memref<2x64xi32, #tpu.memory_space<vmem>>, vector<16xi32>,
        tpu.vector_store_idx %arg16[%get3A_169], %gather3A_165 {add = true} : memref<10000xf32, #tpu.memory_space<vmem>>[vector<16xi32>], vector<16xf32>,
        %dma_wait3A_170 = arith.constant 0 : i32
        %dma_wait3A_171 = arith.constant 0 : i32
        %dma_wait3A_172 = tpu.memref_slice %arg9[%dma_wait3A_170, %dma_wait3A_171] : memref<2x64xi32, #tpu.memory_space<vmem>> -> memref<1x64xi32, #tpu.memory_space<vmem>>
        %dma_wait3A_173 = tpu.memref_squeeze %dma_wait3A_172 : memref<1x64xi32, #tpu.memory_space<vmem>> -> memref<64xi32, #tpu.memory_space<vmem>>
        %dma_wait3A_174 = arith.constant 0 : i32
        %dma_wait3A_175 = arith.constant 0 : i32
        %dma_wait3A_176 = tpu.memref_slice %arg3[%dma_wait3A_174, %dma_wait3A_175] : memref<10000x128xf32, #tpu.memory_space<hbm>> -> memref<10000x128xf32, #tpu.memory_space<hbm>>
        tpu.wait_indirect_dma semaphore(%arg25 : memref<!tpu.dma_semaphore, #tpu.memory_space<semaphore_mem>>) src(%dma_wait3A_176 : memref<10000x128xf32, #tpu.memory_space<hbm>>) dst(%arg13 : memref<64x128xf32, #tpu.memory_space<vmem>>)
        %dma_start3A_177 = arith.constant 1 : i32
        %dma_start3A_178 = arith.constant 0 : i32
        %dma_start3A_179 = tpu.memref_slice %arg9[%dma_start3A_177, %dma_start3A_178] : memref<2x64xi32, #tpu.memory_space<vmem>> -> memref<1x64xi32, #tpu.memory_space<vmem>>
        %dma_start3A_180 = tpu.memref_squeeze %dma_start3A_179 : memref<1x64xi32, #tpu.memory_space<vmem>> -> memref<64xi32, #tpu.memory_space<vmem>>
        %dma_start3A_181 = arith.constant 0 : i32
        %dma_start3A_182 = arith.constant 0 : i32
        %dma_start3A_183 = tpu.memref_slice %arg19[%dma_start3A_181, %dma_start3A_182] : memref<10000x128xf32, #tpu.memory_space<vmem_shared>> -> memref<10000x128xf32, #tpu.memory_space<vmem_shared>>
        tpu.enqueue_indirect_dma source(%arg13 : memref<64x128xf32, #tpu.memory_space<vmem>>) target(%dma_start3A_183 : memref<10000x128xf32, #tpu.memory_space<vmem_shared>>) offsets(%dma_start3A_180 : memref<64xi32, #tpu.memory_space<vmem>>) semaphore(%arg27 : memref<!tpu.dma_semaphore, #tpu.memory_space<semaphore_mem>>) {add = true}
        %add3A_184 = arith.constant 1 : i32
        %add3A_185 = arith.addi %add3A_107, %add3A_184 : i32
        %lt3A_186 = arith.cmpi slt, %add3A_185, %add3A_20 : i32
        %convert_element_type3A_187 = arith.extui %lt3A_186 : i1 to i32
        %cond3A_188 = arith.constant 0 : i32
        %cond3A_189 = arith.cmpi ne, %convert_element_type3A_187, %cond3A_188 : i32
        scf.if %cond3A_189 {
          %ge3A = arith.constant 1 : i32
          %ge3A_190 = arith.cmpi sge, %add3A_107, %ge3A : i32
          %convert_element_type3A_191 = arith.extui %ge3A_190 : i1 to i32
          %cond3A_192 = arith.constant 0 : i32
          %cond3A_193 = arith.cmpi ne, %convert_element_type3A_191, %cond3A_192 : i32
          scf.if %cond3A_193 {
            %dma_wait3A_210 = arith.constant 1 : i32
            %dma_wait3A_211 = arith.constant 0 : i32
            %dma_wait3A_212 = tpu.memref_slice %arg10[%dma_wait3A_210, %dma_wait3A_211] : memref<2x64xi32, #tpu.memory_space<vmem>> -> memref<1x64xi32, #tpu.memory_space<vmem>>
            %dma_wait3A_213 = tpu.memref_squeeze %dma_wait3A_212 : memref<1x64xi32, #tpu.memory_space<vmem>> -> memref<64xi32, #tpu.memory_space<vmem>>
            %dma_wait3A_214 = arith.constant 0 : i32
            %dma_wait3A_215 = arith.constant 0 : i32
            %dma_wait3A_216 = tpu.memref_slice %arg19[%dma_wait3A_214, %dma_wait3A_215] : memref<10000x128xf32, #tpu.memory_space<vmem_shared>> -> memref<10000x128xf32, #tpu.memory_space<vmem_shared>>
            tpu.wait_indirect_dma semaphore(%arg28 : memref<!tpu.dma_semaphore, #tpu.memory_space<semaphore_mem>>) src(%arg14 : memref<64x128xf32, #tpu.memory_space<vmem>>) dst(%dma_wait3A_216 : memref<10000x128xf32, #tpu.memory_space<vmem_shared>>)
          } else {
          }
          %dma_wait3A_194 = arith.constant 0 : i32
          %dma_wait3A_195 = arith.constant 0 : i32
          %dma_wait3A_196 = arith.constant 0 : i32
          %dma_wait3A_197 = tpu.memref_slice %arg2[%dma_wait3A_195, %dma_wait3A_194, %dma_wait3A_196] : memref<2x5000x64xi32, #tpu.memory_space<hbm>> -> memref<2x1x64xi32, #tpu.memory_space<hbm>>
          %dma_wait3A_198 = tpu.memref_squeeze %dma_wait3A_197 : memref<2x1x64xi32, #tpu.memory_space<hbm>> -> memref<2x64xi32, #tpu.memory_space<hbm>>
          %dma_wait3A_199 = arith.constant 0 : i32
          %dma_wait3A_200 = arith.constant 0 : i32
          %dma_wait3A_201 = tpu.memref_slice %arg2[%dma_wait3A_199, %dma_wait3A_194, %dma_wait3A_200] : memref<2x5000x64xi32, #tpu.memory_space<hbm>> -> memref<2x1x64xi32, #tpu.memory_space<hbm>>
          %dma_wait3A_202 = tpu.memref_squeeze %dma_wait3A_201 : memref<2x1x64xi32, #tpu.memory_space<hbm>> -> memref<2x64xi32, #tpu.memory_space<hbm>>
          tpu.wait_dma2 semaphore(%arg22 : memref<!tpu.dma_semaphore, #tpu.memory_space<semaphore_mem>>) src(%dma_wait3A_202 : memref<2x64xi32, #tpu.memory_space<hbm>>) dst(%arg10 : memref<2x64xi32, #tpu.memory_space<vmem>>)
          %dma_start3A_203 = arith.constant 0 : i32
          %dma_start3A_204 = arith.constant 0 : i32
          %dma_start3A_205 = tpu.memref_slice %arg10[%dma_start3A_203, %dma_start3A_204] : memref<2x64xi32, #tpu.memory_space<vmem>> -> memref<1x64xi32, #tpu.memory_space<vmem>>
          %dma_start3A_206 = tpu.memref_squeeze %dma_start3A_205 : memref<1x64xi32, #tpu.memory_space<vmem>> -> memref<64xi32, #tpu.memory_space<vmem>>
          %dma_start3A_207 = arith.constant 0 : i32
          %dma_start3A_208 = arith.constant 0 : i32
          %dma_start3A_209 = tpu.memref_slice %arg3[%dma_start3A_207, %dma_start3A_208] : memref<10000x128xf32, #tpu.memory_space<hbm>> -> memref<10000x128xf32, #tpu.memory_space<hbm>>
          tpu.enqueue_indirect_dma source(%dma_start3A_209 : memref<10000x128xf32, #tpu.memory_space<hbm>>) target(%arg14 : memref<64x128xf32, #tpu.memory_space<vmem>>) offsets(%dma_start3A_206 : memref<64xi32, #tpu.memory_space<vmem>>) semaphore(%arg26 : memref<!tpu.dma_semaphore, #tpu.memory_space<semaphore_mem>>)
        } else {
        }
      } else {
      }
      %add3A_112 = arith.constant 1 : i32
      %add3A_113 = arith.addi %add3A_105, %add3A_112 : i32
      %lt3A_114 = arith.cmpi slt, %add3A_113, %add3A_20 : i32
      %convert_element_type3A_115 = arith.extui %lt3A_114 : i1 to i32
      %cond3A_116 = arith.constant 0 : i32
      %cond3A_117 = arith.cmpi ne, %convert_element_type3A_115, %cond3A_116 : i32
      scf.if %cond3A_117 {
        %add3A_130 = arith.constant 2 : i32
        %add3A_131 = arith.addi %add3A_113, %add3A_130 : i32
        %lt3A_132 = arith.cmpi slt, %add3A_131, %add3A_20 : i32
        %convert_element_type3A_133 = arith.extui %lt3A_132 : i1 to i32
        %cond3A_134 = arith.constant 0 : i32
        %cond3A_135 = arith.cmpi ne, %convert_element_type3A_133, %cond3A_134 : i32
        scf.if %cond3A_135 {
          %add3A_190 = arith.constant 2 : i32
          %add3A_191 = arith.addi %add3A_113, %add3A_190 : i32
          %mul3A_192 = arith.constant 32 : i32
          %mul3A_193 = arith.muli %add3A_191, %mul3A_192 : i32
          %add3A_194 = arith.addi %add3A, %mul3A_193 : i32
          %dma_start3A_195 = arith.constant 0 : i32
          %dma_start3A_196 = arith.constant 0 : i32
          %dma_start3A_197 = tpu.memref_slice %arg2[%dma_start3A_195, %add3A_194, %dma_start3A_196] : memref<2x5000x64xi32, #tpu.memory_space<hbm>> -> memref<2x1x64xi32, #tpu.memory_space<hbm>>
          %dma_start3A_198 = tpu.memref_squeeze %dma_start3A_197 : memref<2x1x64xi32, #tpu.memory_space<hbm>> -> memref<2x64xi32, #tpu.memory_space<hbm>>
          %dma_start3A_199 = arith.constant 0 : i32
          %dma_start3A_200 = arith.constant 0 : i32
          %dma_start3A_201 = tpu.memref_slice %arg2[%dma_start3A_199, %add3A_194, %dma_start3A_200] : memref<2x5000x64xi32, #tpu.memory_space<hbm>> -> memref<2x1x64xi32, #tpu.memory_space<hbm>>
          %dma_start3A_202 = tpu.memref_squeeze %dma_start3A_201 : memref<2x1x64xi32, #tpu.memory_space<hbm>> -> memref<2x64xi32, #tpu.memory_space<hbm>>
          tpu.enqueue_dma source(%dma_start3A_202 : memref<2x64xi32, #tpu.memory_space<hbm>>) target(%arg12 : memref<2x64xi32, #tpu.memory_space<vmem>>) target_semaphore(%arg24 : memref<!tpu.dma_semaphore, #tpu.memory_space<semaphore_mem>>)
        } else {
        }
        %get3A = arith.constant 1 : i32
        %get3A_136 = arith.index_cast %get3A : i32 to index
        %get3A_137 = arith.constant 0 : index
        %get3A_138 = tpu.vector_load %arg10[%get3A_136, %get3A_137] {strides = array<i32>} : memref<2x64xi32, #tpu.memory_space<vmem>>, vector<16xi32>,
        %gather3A = tpu.vector_load_idx %arg15[%get3A_138] : memref<10000xf32, #tpu.memory_space<vmem>>[vector<16xi32>], vector<16xf32>,
        %get3A_139 = arith.constant 0 : i32
        %get3A_140 = arith.index_cast %get3A_139 : i32 to index
        %get3A_141 = arith.constant 0 : index
        %get3A_142 = tpu.vector_load %arg10[%get3A_140, %get3A_141] {strides = array<i32>} : memref<2x64xi32, #tpu.memory_space<vmem>>, vector<16xi32>,
        tpu.vector_store_idx %arg16[%get3A_142], %gather3A {add = true} : memref<10000xf32, #tpu.memory_space<vmem>>[vector<16xi32>], vector<16xf32>,
        %get3A_143 = arith.constant 1 : i32
        %get3A_144 = arith.index_cast %get3A_143 : i32 to index
        %get3A_145 = arith.constant 16 : index
        %get3A_146 = tpu.vector_load %arg10[%get3A_144, %get3A_145] {strides = array<i32>} : memref<2x64xi32, #tpu.memory_space<vmem>>, vector<16xi32>,
        %gather3A_147 = tpu.vector_load_idx %arg15[%get3A_146] : memref<10000xf32, #tpu.memory_space<vmem>>[vector<16xi32>], vector<16xf32>,
        %get3A_148 = arith.constant 0 : i32
        %get3A_149 = arith.index_cast %get3A_148 : i32 to index
        %get3A_150 = arith.constant 16 : index
        %get3A_151 = tpu.vector_load %arg10[%get3A_149, %get3A_150] {strides = array<i32>} : memref<2x64xi32, #tpu.memory_space<vmem>>, vector<16xi32>,
        tpu.vector_store_idx %arg16[%get3A_151], %gather3A_147 {add = true} : memref<10000xf32, #tpu.memory_space<vmem>>[vector<16xi32>], vector<16xf32>,
        %get3A_152 = arith.constant 1 : i32
        %get3A_153 = arith.index_cast %get3A_152 : i32 to index
        %get3A_154 = arith.constant 32 : index
        %get3A_155 = tpu.vector_load %arg10[%get3A_153, %get3A_154] {strides = array<i32>} : memref<2x64xi32, #tpu.memory_space<vmem>>, vector<16xi32>,
        %gather3A_156 = tpu.vector_load_idx %arg15[%get3A_155] : memref<10000xf32, #tpu.memory_space<vmem>>[vector<16xi32>], vector<16xf32>,
        %get3A_157 = arith.constant 0 : i32
        %get3A_158 = arith.index_cast %get3A_157 : i32 to index
        %get3A_159 = arith.constant 32 : index
        %get3A_160 = tpu.vector_load %arg10[%get3A_158, %get3A_159] {strides = array<i32>} : memref<2x64xi32, #tpu.memory_space<vmem>>, vector<16xi32>,
        tpu.vector_store_idx %arg16[%get3A_160], %gather3A_156 {add = true} : memref<10000xf32, #tpu.memory_space<vmem>>[vector<16xi32>], vector<16xf32>,
        %get3A_161 = arith.constant 1 : i32
        %get3A_162 = arith.index_cast %get3A_161 : i32 to index
        %get3A_163 = arith.constant 48 : index
        %get3A_164 = tpu.vector_load %arg10[%get3A_162, %get3A_163] {strides = array<i32>} : memref<2x64xi32, #tpu.memory_space<vmem>>, vector<16xi32>,
        %gather3A_165 = tpu.vector_load_idx %arg15[%get3A_164] : memref<10000xf32, #tpu.memory_space<vmem>>[vector<16xi32>], vector<16xf32>,
        %get3A_166 = arith.constant 0 : i32
        %get3A_167 = arith.index_cast %get3A_166 : i32 to index
        %get3A_168 = arith.constant 48 : index
        %get3A_169 = tpu.vector_load %arg10[%get3A_167, %get3A_168] {strides = array<i32>} : memref<2x64xi32, #tpu.memory_space<vmem>>, vector<16xi32>,
        tpu.vector_store_idx %arg16[%get3A_169], %gather3A_165 {add = true} : memref<10000xf32, #tpu.memory_space<vmem>>[vector<16xi32>], vector<16xf32>,
        %dma_wait3A_170 = arith.constant 0 : i32
        %dma_wait3A_171 = arith.constant 0 : i32
        %dma_wait3A_172 = tpu.memref_slice %arg10[%dma_wait3A_170, %dma_wait3A_171] : memref<2x64xi32, #tpu.memory_space<vmem>> -> memref<1x64xi32, #tpu.memory_space<vmem>>
        %dma_wait3A_173 = tpu.memref_squeeze %dma_wait3A_172 : memref<1x64xi32, #tpu.memory_space<vmem>> -> memref<64xi32, #tpu.memory_space<vmem>>
        %dma_wait3A_174 = arith.constant 0 : i32
        %dma_wait3A_175 = arith.constant 0 : i32
        %dma_wait3A_176 = tpu.memref_slice %arg3[%dma_wait3A_174, %dma_wait3A_175] : memref<10000x128xf32, #tpu.memory_space<hbm>> -> memref<10000x128xf32, #tpu.memory_space<hbm>>
        tpu.wait_indirect_dma semaphore(%arg26 : memref<!tpu.dma_semaphore, #tpu.memory_space<semaphore_mem>>) src(%dma_wait3A_176 : memref<10000x128xf32, #tpu.memory_space<hbm>>) dst(%arg14 : memref<64x128xf32, #tpu.memory_space<vmem>>)
        %dma_start3A_177 = arith.constant 1 : i32
        %dma_start3A_178 = arith.constant 0 : i32
        %dma_start3A_179 = tpu.memref_slice %arg10[%dma_start3A_177, %dma_start3A_178] : memref<2x64xi32, #tpu.memory_space<vmem>> -> memref<1x64xi32, #tpu.memory_space<vmem>>
        %dma_start3A_180 = tpu.memref_squeeze %dma_start3A_179 : memref<1x64xi32, #tpu.memory_space<vmem>> -> memref<64xi32, #tpu.memory_space<vmem>>
        %dma_start3A_181 = arith.constant 0 : i32
        %dma_start3A_182 = arith.constant 0 : i32
        %dma_start3A_183 = tpu.memref_slice %arg19[%dma_start3A_181, %dma_start3A_182] : memref<10000x128xf32, #tpu.memory_space<vmem_shared>> -> memref<10000x128xf32, #tpu.memory_space<vmem_shared>>
        tpu.enqueue_indirect_dma source(%arg14 : memref<64x128xf32, #tpu.memory_space<vmem>>) target(%dma_start3A_183 : memref<10000x128xf32, #tpu.memory_space<vmem_shared>>) offsets(%dma_start3A_180 : memref<64xi32, #tpu.memory_space<vmem>>) semaphore(%arg28 : memref<!tpu.dma_semaphore, #tpu.memory_space<semaphore_mem>>) {add = true}
        %add3A_184 = arith.constant 1 : i32
        %add3A_185 = arith.addi %add3A_113, %add3A_184 : i32
        %lt3A_186 = arith.cmpi slt, %add3A_185, %add3A_20 : i32
        %convert_element_type3A_187 = arith.extui %lt3A_186 : i1 to i32
        %cond3A_188 = arith.constant 0 : i32
        %cond3A_189 = arith.cmpi ne, %convert_element_type3A_187, %cond3A_188 : i32
        scf.if %cond3A_189 {
          %ge3A = arith.constant 1 : i32
          %ge3A_190 = arith.cmpi sge, %add3A_113, %ge3A : i32
          %convert_element_type3A_191 = arith.extui %ge3A_190 : i1 to i32
          %cond3A_192 = arith.constant 0 : i32
          %cond3A_193 = arith.cmpi ne, %convert_element_type3A_191, %cond3A_192 : i32
          scf.if %cond3A_193 {
            %dma_wait3A_210 = arith.constant 1 : i32
            %dma_wait3A_211 = arith.constant 0 : i32
            %dma_wait3A_212 = tpu.memref_slice %arg9[%dma_wait3A_210, %dma_wait3A_211] : memref<2x64xi32, #tpu.memory_space<vmem>> -> memref<1x64xi32, #tpu.memory_space<vmem>>
            %dma_wait3A_213 = tpu.memref_squeeze %dma_wait3A_212 : memref<1x64xi32, #tpu.memory_space<vmem>> -> memref<64xi32, #tpu.memory_space<vmem>>
            %dma_wait3A_214 = arith.constant 0 : i32
            %dma_wait3A_215 = arith.constant 0 : i32
            %dma_wait3A_216 = tpu.memref_slice %arg19[%dma_wait3A_214, %dma_wait3A_215] : memref<10000x128xf32, #tpu.memory_space<vmem_shared>> -> memref<10000x128xf32, #tpu.memory_space<vmem_shared>>
            tpu.wait_indirect_dma semaphore(%arg27 : memref<!tpu.dma_semaphore, #tpu.memory_space<semaphore_mem>>) src(%arg13 : memref<64x128xf32, #tpu.memory_space<vmem>>) dst(%dma_wait3A_216 : memref<10000x128xf32, #tpu.memory_space<vmem_shared>>)
          } else {
          }
          %dma_wait3A_194 = arith.constant 0 : i32
          %dma_wait3A_195 = arith.constant 0 : i32
          %dma_wait3A_196 = arith.constant 0 : i32
          %dma_wait3A_197 = tpu.memref_slice %arg2[%dma_wait3A_195, %dma_wait3A_194, %dma_wait3A_196] : memref<2x5000x64xi32, #tpu.memory_space<hbm>> -> memref<2x1x64xi32, #tpu.memory_space<hbm>>
          %dma_wait3A_198 = tpu.memref_squeeze %dma_wait3A_197 : memref<2x1x64xi32, #tpu.memory_space<hbm>> -> memref<2x64xi32, #tpu.memory_space<hbm>>
          %dma_wait3A_199 = arith.constant 0 : i32
          %dma_wait3A_200 = arith.constant 0 : i32
          %dma_wait3A_201 = tpu.memref_slice %arg2[%dma_wait3A_199, %dma_wait3A_194, %dma_wait3A_200] : memref<2x5000x64xi32, #tpu.memory_space<hbm>> -> memref<2x1x64xi32, #tpu.memory_space<hbm>>
          %dma_wait3A_202 = tpu.memref_squeeze %dma_wait3A_201 : memref<2x1x64xi32, #tpu.memory_space<hbm>> -> memref<2x64xi32, #tpu.memory_space<hbm>>
          tpu.wait_dma2 semaphore(%arg23 : memref<!tpu.dma_semaphore, #tpu.memory_space<semaphore_mem>>) src(%dma_wait3A_202 : memref<2x64xi32, #tpu.memory_space<hbm>>) dst(%arg11 : memref<2x64xi32, #tpu.memory_space<vmem>>)
          %dma_start3A_203 = arith.constant 0 : i32
          %dma_start3A_204 = arith.constant 0 : i32
          %dma_start3A_205 = tpu.memref_slice %arg11[%dma_start3A_203, %dma_start3A_204] : memref<2x64xi32, #tpu.memory_space<vmem>> -> memref<1x64xi32, #tpu.memory_space<vmem>>
          %dma_start3A_206 = tpu.memref_squeeze %dma_start3A_205 : memref<1x64xi32, #tpu.memory_space<vmem>> -> memref<64xi32, #tpu.memory_space<vmem>>
          %dma_start3A_207 = arith.constant 0 : i32
          %dma_start3A_208 = arith.constant 0 : i32
          %dma_start3A_209 = tpu.memref_slice %arg3[%dma_start3A_207, %dma_start3A_208] : memref<10000x128xf32, #tpu.memory_space<hbm>> -> memref<10000x128xf32, #tpu.memory_space<hbm>>
          tpu.enqueue_indirect_dma source(%dma_start3A_209 : memref<10000x128xf32, #tpu.memory_space<hbm>>) target(%arg13 : memref<64x128xf32, #tpu.memory_space<vmem>>) offsets(%dma_start3A_206 : memref<64xi32, #tpu.memory_space<vmem>>) semaphore(%arg25 : memref<!tpu.dma_semaphore, #tpu.memory_space<semaphore_mem>>)
        } else {
        }
      } else {
      }
      %add3A_118 = arith.constant 2 : i32
      %add3A_119 = arith.addi %add3A_105, %add3A_118 : i32
      %lt3A_120 = arith.cmpi slt, %add3A_119, %add3A_20 : i32
      %convert_element_type3A_121 = arith.extui %lt3A_120 : i1 to i32
      %cond3A_122 = arith.constant 0 : i32
      %cond3A_123 = arith.cmpi ne, %convert_element_type3A_121, %cond3A_122 : i32
      scf.if %cond3A_123 {
        %add3A_130 = arith.constant 2 : i32
        %add3A_131 = arith.addi %add3A_119, %add3A_130 : i32
        %lt3A_132 = arith.cmpi slt, %add3A_131, %add3A_20 : i32
        %convert_element_type3A_133 = arith.extui %lt3A_132 : i1 to i32
        %cond3A_134 = arith.constant 0 : i32
        %cond3A_135 = arith.cmpi ne, %convert_element_type3A_133, %cond3A_134 : i32
        scf.if %cond3A_135 {
          %add3A_190 = arith.constant 2 : i32
          %add3A_191 = arith.addi %add3A_119, %add3A_190 : i32
          %mul3A_192 = arith.constant 32 : i32
          %mul3A_193 = arith.muli %add3A_191, %mul3A_192 : i32
          %add3A_194 = arith.addi %add3A, %mul3A_193 : i32
          %dma_start3A_195 = arith.constant 0 : i32
          %dma_start3A_196 = arith.constant 0 : i32
          %dma_start3A_197 = tpu.memref_slice %arg2[%dma_start3A_195, %add3A_194, %dma_start3A_196] : memref<2x5000x64xi32, #tpu.memory_space<hbm>> -> memref<2x1x64xi32, #tpu.memory_space<hbm>>
          %dma_start3A_198 = tpu.memref_squeeze %dma_start3A_197 : memref<2x1x64xi32, #tpu.memory_space<hbm>> -> memref<2x64xi32, #tpu.memory_space<hbm>>
          %dma_start3A_199 = arith.constant 0 : i32
          %dma_start3A_200 = arith.constant 0 : i32
          %dma_start3A_201 = tpu.memref_slice %arg2[%dma_start3A_199, %add3A_194, %dma_start3A_200] : memref<2x5000x64xi32, #tpu.memory_space<hbm>> -> memref<2x1x64xi32, #tpu.memory_space<hbm>>
          %dma_start3A_202 = tpu.memref_squeeze %dma_start3A_201 : memref<2x1x64xi32, #tpu.memory_space<hbm>> -> memref<2x64xi32, #tpu.memory_space<hbm>>
          tpu.enqueue_dma source(%dma_start3A_202 : memref<2x64xi32, #tpu.memory_space<hbm>>) target(%arg9 : memref<2x64xi32, #tpu.memory_space<vmem>>) target_semaphore(%arg21 : memref<!tpu.dma_semaphore, #tpu.memory_space<semaphore_mem>>)
        } else {
        }
        %get3A = arith.constant 1 : i32
        %get3A_136 = arith.index_cast %get3A : i32 to index
        %get3A_137 = arith.constant 0 : index
        %get3A_138 = tpu.vector_load %arg11[%get3A_136, %get3A_137] {strides = array<i32>} : memref<2x64xi32, #tpu.memory_space<vmem>>, vector<16xi32>,
        %gather3A = tpu.vector_load_idx %arg15[%get3A_138] : memref<10000xf32, #tpu.memory_space<vmem>>[vector<16xi32>], vector<16xf32>,
        %get3A_139 = arith.constant 0 : i32
        %get3A_140 = arith.index_cast %get3A_139 : i32 to index
        %get3A_141 = arith.constant 0 : index
        %get3A_142 = tpu.vector_load %arg11[%get3A_140, %get3A_141] {strides = array<i32>} : memref<2x64xi32, #tpu.memory_space<vmem>>, vector<16xi32>,
        tpu.vector_store_idx %arg16[%get3A_142], %gather3A {add = true} : memref<10000xf32, #tpu.memory_space<vmem>>[vector<16xi32>], vector<16xf32>,
        %get3A_143 = arith.constant 1 : i32
        %get3A_144 = arith.index_cast %get3A_143 : i32 to index
        %get3A_145 = arith.constant 16 : index
        %get3A_146 = tpu.vector_load %arg11[%get3A_144, %get3A_145] {strides = array<i32>} : memref<2x64xi32, #tpu.memory_space<vmem>>, vector<16xi32>,
        %gather3A_147 = tpu.vector_load_idx %arg15[%get3A_146] : memref<10000xf32, #tpu.memory_space<vmem>>[vector<16xi32>], vector<16xf32>,
        %get3A_148 = arith.constant 0 : i32
        %get3A_149 = arith.index_cast %get3A_148 : i32 to index
        %get3A_150 = arith.constant 16 : index
        %get3A_151 = tpu.vector_load %arg11[%get3A_149, %get3A_150] {strides = array<i32>} : memref<2x64xi32, #tpu.memory_space<vmem>>, vector<16xi32>,
        tpu.vector_store_idx %arg16[%get3A_151], %gather3A_147 {add = true} : memref<10000xf32, #tpu.memory_space<vmem>>[vector<16xi32>], vector<16xf32>,
        %get3A_152 = arith.constant 1 : i32
        %get3A_153 = arith.index_cast %get3A_152 : i32 to index
        %get3A_154 = arith.constant 32 : index
        %get3A_155 = tpu.vector_load %arg11[%get3A_153, %get3A_154] {strides = array<i32>} : memref<2x64xi32, #tpu.memory_space<vmem>>, vector<16xi32>,
        %gather3A_156 = tpu.vector_load_idx %arg15[%get3A_155] : memref<10000xf32, #tpu.memory_space<vmem>>[vector<16xi32>], vector<16xf32>,
        %get3A_157 = arith.constant 0 : i32
        %get3A_158 = arith.index_cast %get3A_157 : i32 to index
        %get3A_159 = arith.constant 32 : index
        %get3A_160 = tpu.vector_load %arg11[%get3A_158, %get3A_159] {strides = array<i32>} : memref<2x64xi32, #tpu.memory_space<vmem>>, vector<16xi32>,
        tpu.vector_store_idx %arg16[%get3A_160], %gather3A_156 {add = true} : memref<10000xf32, #tpu.memory_space<vmem>>[vector<16xi32>], vector<16xf32>,
        %get3A_161 = arith.constant 1 : i32
        %get3A_162 = arith.index_cast %get3A_161 : i32 to index
        %get3A_163 = arith.constant 48 : index
        %get3A_164 = tpu.vector_load %arg11[%get3A_162, %get3A_163] {strides = array<i32>} : memref<2x64xi32, #tpu.memory_space<vmem>>, vector<16xi32>,
        %gather3A_165 = tpu.vector_load_idx %arg15[%get3A_164] : memref<10000xf32, #tpu.memory_space<vmem>>[vector<16xi32>], vector<16xf32>,
        %get3A_166 = arith.constant 0 : i32
        %get3A_167 = arith.index_cast %get3A_166 : i32 to index
        %get3A_168 = arith.constant 48 : index
        %get3A_169 = tpu.vector_load %arg11[%get3A_167, %get3A_168] {strides = array<i32>} : memref<2x64xi32, #tpu.memory_space<vmem>>, vector<16xi32>,
        tpu.vector_store_idx %arg16[%get3A_169], %gather3A_165 {add = true} : memref<10000xf32, #tpu.memory_space<vmem>>[vector<16xi32>], vector<16xf32>,
        %dma_wait3A_170 = arith.constant 0 : i32
        %dma_wait3A_171 = arith.constant 0 : i32
        %dma_wait3A_172 = tpu.memref_slice %arg11[%dma_wait3A_170, %dma_wait3A_171] : memref<2x64xi32, #tpu.memory_space<vmem>> -> memref<1x64xi32, #tpu.memory_space<vmem>>
        %dma_wait3A_173 = tpu.memref_squeeze %dma_wait3A_172 : memref<1x64xi32, #tpu.memory_space<vmem>> -> memref<64xi32, #tpu.memory_space<vmem>>
        %dma_wait3A_174 = arith.constant 0 : i32
        %dma_wait3A_175 = arith.constant 0 : i32
        %dma_wait3A_176 = tpu.memref_slice %arg3[%dma_wait3A_174, %dma_wait3A_175] : memref<10000x128xf32, #tpu.memory_space<hbm>> -> memref<10000x128xf32, #tpu.memory_space<hbm>>
        tpu.wait_indirect_dma semaphore(%arg25 : memref<!tpu.dma_semaphore, #tpu.memory_space<semaphore_mem>>) src(%dma_wait3A_176 : memref<10000x128xf32, #tpu.memory_space<hbm>>) dst(%arg13 : memref<64x128xf32, #tpu.memory_space<vmem>>)
        %dma_start3A_177 = arith.constant 1 : i32
        %dma_start3A_178 = arith.constant 0 : i32
        %dma_start3A_179 = tpu.memref_slice %arg11[%dma_start3A_177, %dma_start3A_178] : memref<2x64xi32, #tpu.memory_space<vmem>> -> memref<1x64xi32, #tpu.memory_space<vmem>>
        %dma_start3A_180 = tpu.memref_squeeze %dma_start3A_179 : memref<1x64xi32, #tpu.memory_space<vmem>> -> memref<64xi32, #tpu.memory_space<vmem>>
        %dma_start3A_181 = arith.constant 0 : i32
        %dma_start3A_182 = arith.constant 0 : i32
        %dma_start3A_183 = tpu.memref_slice %arg19[%dma_start3A_181, %dma_start3A_182] : memref<10000x128xf32, #tpu.memory_space<vmem_shared>> -> memref<10000x128xf32, #tpu.memory_space<vmem_shared>>
        tpu.enqueue_indirect_dma source(%arg13 : memref<64x128xf32, #tpu.memory_space<vmem>>) target(%dma_start3A_183 : memref<10000x128xf32, #tpu.memory_space<vmem_shared>>) offsets(%dma_start3A_180 : memref<64xi32, #tpu.memory_space<vmem>>) semaphore(%arg27 : memref<!tpu.dma_semaphore, #tpu.memory_space<semaphore_mem>>) {add = true}
        %add3A_184 = arith.constant 1 : i32
        %add3A_185 = arith.addi %add3A_119, %add3A_184 : i32
        %lt3A_186 = arith.cmpi slt, %add3A_185, %add3A_20 : i32
        %convert_element_type3A_187 = arith.extui %lt3A_186 : i1 to i32
        %cond3A_188 = arith.constant 0 : i32
        %cond3A_189 = arith.cmpi ne, %convert_element_type3A_187, %cond3A_188 : i32
        scf.if %cond3A_189 {
          %ge3A = arith.constant 1 : i32
          %ge3A_190 = arith.cmpi sge, %add3A_119, %ge3A : i32
          %convert_element_type3A_191 = arith.extui %ge3A_190 : i1 to i32
          %cond3A_192 = arith.constant 0 : i32
          %cond3A_193 = arith.cmpi ne, %convert_element_type3A_191, %cond3A_192 : i32
          scf.if %cond3A_193 {
            %dma_wait3A_210 = arith.constant 1 : i32
            %dma_wait3A_211 = arith.constant 0 : i32
            %dma_wait3A_212 = tpu.memref_slice %arg10[%dma_wait3A_210, %dma_wait3A_211] : memref<2x64xi32, #tpu.memory_space<vmem>> -> memref<1x64xi32, #tpu.memory_space<vmem>>
            %dma_wait3A_213 = tpu.memref_squeeze %dma_wait3A_212 : memref<1x64xi32, #tpu.memory_space<vmem>> -> memref<64xi32, #tpu.memory_space<vmem>>
            %dma_wait3A_214 = arith.constant 0 : i32
            %dma_wait3A_215 = arith.constant 0 : i32
            %dma_wait3A_216 = tpu.memref_slice %arg19[%dma_wait3A_214, %dma_wait3A_215] : memref<10000x128xf32, #tpu.memory_space<vmem_shared>> -> memref<10000x128xf32, #tpu.memory_space<vmem_shared>>
            tpu.wait_indirect_dma semaphore(%arg28 : memref<!tpu.dma_semaphore, #tpu.memory_space<semaphore_mem>>) src(%arg14 : memref<64x128xf32, #tpu.memory_space<vmem>>) dst(%dma_wait3A_216 : memref<10000x128xf32, #tpu.memory_space<vmem_shared>>)
          } else {
          }
          %dma_wait3A_194 = arith.constant 0 : i32
          %dma_wait3A_195 = arith.constant 0 : i32
          %dma_wait3A_196 = arith.constant 0 : i32
          %dma_wait3A_197 = tpu.memref_slice %arg2[%dma_wait3A_195, %dma_wait3A_194, %dma_wait3A_196] : memref<2x5000x64xi32, #tpu.memory_space<hbm>> -> memref<2x1x64xi32, #tpu.memory_space<hbm>>
          %dma_wait3A_198 = tpu.memref_squeeze %dma_wait3A_197 : memref<2x1x64xi32, #tpu.memory_space<hbm>> -> memref<2x64xi32, #tpu.memory_space<hbm>>
          %dma_wait3A_199 = arith.constant 0 : i32
          %dma_wait3A_200 = arith.constant 0 : i32
          %dma_wait3A_201 = tpu.memref_slice %arg2[%dma_wait3A_199, %dma_wait3A_194, %dma_wait3A_200] : memref<2x5000x64xi32, #tpu.memory_space<hbm>> -> memref<2x1x64xi32, #tpu.memory_space<hbm>>
          %dma_wait3A_202 = tpu.memref_squeeze %dma_wait3A_201 : memref<2x1x64xi32, #tpu.memory_space<hbm>> -> memref<2x64xi32, #tpu.memory_space<hbm>>
          tpu.wait_dma2 semaphore(%arg24 : memref<!tpu.dma_semaphore, #tpu.memory_space<semaphore_mem>>) src(%dma_wait3A_202 : memref<2x64xi32, #tpu.memory_space<hbm>>) dst(%arg12 : memref<2x64xi32, #tpu.memory_space<vmem>>)
          %dma_start3A_203 = arith.constant 0 : i32
          %dma_start3A_204 = arith.constant 0 : i32
          %dma_start3A_205 = tpu.memref_slice %arg12[%dma_start3A_203, %dma_start3A_204] : memref<2x64xi32, #tpu.memory_space<vmem>> -> memref<1x64xi32, #tpu.memory_space<vmem>>
          %dma_start3A_206 = tpu.memref_squeeze %dma_start3A_205 : memref<1x64xi32, #tpu.memory_space<vmem>> -> memref<64xi32, #tpu.memory_space<vmem>>
          %dma_start3A_207 = arith.constant 0 : i32
          %dma_start3A_208 = arith.constant 0 : i32
          %dma_start3A_209 = tpu.memref_slice %arg3[%dma_start3A_207, %dma_start3A_208] : memref<10000x128xf32, #tpu.memory_space<hbm>> -> memref<10000x128xf32, #tpu.memory_space<hbm>>
          tpu.enqueue_indirect_dma source(%dma_start3A_209 : memref<10000x128xf32, #tpu.memory_space<hbm>>) target(%arg14 : memref<64x128xf32, #tpu.memory_space<vmem>>) offsets(%dma_start3A_206 : memref<64xi32, #tpu.memory_space<vmem>>) semaphore(%arg26 : memref<!tpu.dma_semaphore, #tpu.memory_space<semaphore_mem>>)
        } else {
        }
      } else {
      }
      %add3A_124 = arith.constant 3 : i32
      %add3A_125 = arith.addi %add3A_105, %add3A_124 : i32
      %lt3A_126 = arith.cmpi slt, %add3A_125, %add3A_20 : i32
      %convert_element_type3A_127 = arith.extui %lt3A_126 : i1 to i32
      %cond3A_128 = arith.constant 0 : i32
      %cond3A_129 = arith.cmpi ne, %convert_element_type3A_127, %cond3A_128 : i32
      scf.if %cond3A_129 {
        %add3A_130 = arith.constant 2 : i32
        %add3A_131 = arith.addi %add3A_125, %add3A_130 : i32
        %lt3A_132 = arith.cmpi slt, %add3A_131, %add3A_20 : i32
        %convert_element_type3A_133 = arith.extui %lt3A_132 : i1 to i32
        %cond3A_134 = arith.constant 0 : i32
        %cond3A_135 = arith.cmpi ne, %convert_element_type3A_133, %cond3A_134 : i32
        scf.if %cond3A_135 {
          %add3A_190 = arith.constant 2 : i32
          %add3A_191 = arith.addi %add3A_125, %add3A_190 : i32
          %mul3A_192 = arith.constant 32 : i32
          %mul3A_193 = arith.muli %add3A_191, %mul3A_192 : i32
          %add3A_194 = arith.addi %add3A, %mul3A_193 : i32
          %dma_start3A_195 = arith.constant 0 : i32
          %dma_start3A_196 = arith.constant 0 : i32
          %dma_start3A_197 = tpu.memref_slice %arg2[%dma_start3A_195, %add3A_194, %dma_start3A_196] : memref<2x5000x64xi32, #tpu.memory_space<hbm>> -> memref<2x1x64xi32, #tpu.memory_space<hbm>>
          %dma_start3A_198 = tpu.memref_squeeze %dma_start3A_197 : memref<2x1x64xi32, #tpu.memory_space<hbm>> -> memref<2x64xi32, #tpu.memory_space<hbm>>
          %dma_start3A_199 = arith.constant 0 : i32
          %dma_start3A_200 = arith.constant 0 : i32
          %dma_start3A_201 = tpu.memref_slice %arg2[%dma_start3A_199, %add3A_194, %dma_start3A_200] : memref<2x5000x64xi32, #tpu.memory_space<hbm>> -> memref<2x1x64xi32, #tpu.memory_space<hbm>>
          %dma_start3A_202 = tpu.memref_squeeze %dma_start3A_201 : memref<2x1x64xi32, #tpu.memory_space<hbm>> -> memref<2x64xi32, #tpu.memory_space<hbm>>
          tpu.enqueue_dma source(%dma_start3A_202 : memref<2x64xi32, #tpu.memory_space<hbm>>) target(%arg10 : memref<2x64xi32, #tpu.memory_space<vmem>>) target_semaphore(%arg22 : memref<!tpu.dma_semaphore, #tpu.memory_space<semaphore_mem>>)
        } else {
        }
        %get3A = arith.constant 1 : i32
        %get3A_136 = arith.index_cast %get3A : i32 to index
        %get3A_137 = arith.constant 0 : index
        %get3A_138 = tpu.vector_load %arg12[%get3A_136, %get3A_137] {strides = array<i32>} : memref<2x64xi32, #tpu.memory_space<vmem>>, vector<16xi32>,
        %gather3A = tpu.vector_load_idx %arg15[%get3A_138] : memref<10000xf32, #tpu.memory_space<vmem>>[vector<16xi32>], vector<16xf32>,
        %get3A_139 = arith.constant 0 : i32
        %get3A_140 = arith.index_cast %get3A_139 : i32 to index
        %get3A_141 = arith.constant 0 : index
        %get3A_142 = tpu.vector_load %arg12[%get3A_140, %get3A_141] {strides = array<i32>} : memref<2x64xi32, #tpu.memory_space<vmem>>, vector<16xi32>,
        tpu.vector_store_idx %arg16[%get3A_142], %gather3A {add = true} : memref<10000xf32, #tpu.memory_space<vmem>>[vector<16xi32>], vector<16xf32>,
        %get3A_143 = arith.constant 1 : i32
        %get3A_144 = arith.index_cast %get3A_143 : i32 to index
        %get3A_145 = arith.constant 16 : index
        %get3A_146 = tpu.vector_load %arg12[%get3A_144, %get3A_145] {strides = array<i32>} : memref<2x64xi32, #tpu.memory_space<vmem>>, vector<16xi32>,
        %gather3A_147 = tpu.vector_load_idx %arg15[%get3A_146] : memref<10000xf32, #tpu.memory_space<vmem>>[vector<16xi32>], vector<16xf32>,
        %get3A_148 = arith.constant 0 : i32
        %get3A_149 = arith.index_cast %get3A_148 : i32 to index
        %get3A_150 = arith.constant 16 : index
        %get3A_151 = tpu.vector_load %arg12[%get3A_149, %get3A_150] {strides = array<i32>} : memref<2x64xi32, #tpu.memory_space<vmem>>, vector<16xi32>,
        tpu.vector_store_idx %arg16[%get3A_151], %gather3A_147 {add = true} : memref<10000xf32, #tpu.memory_space<vmem>>[vector<16xi32>], vector<16xf32>,
        %get3A_152 = arith.constant 1 : i32
        %get3A_153 = arith.index_cast %get3A_152 : i32 to index
        %get3A_154 = arith.constant 32 : index
        %get3A_155 = tpu.vector_load %arg12[%get3A_153, %get3A_154] {strides = array<i32>} : memref<2x64xi32, #tpu.memory_space<vmem>>, vector<16xi32>,
        %gather3A_156 = tpu.vector_load_idx %arg15[%get3A_155] : memref<10000xf32, #tpu.memory_space<vmem>>[vector<16xi32>], vector<16xf32>,
        %get3A_157 = arith.constant 0 : i32
        %get3A_158 = arith.index_cast %get3A_157 : i32 to index
        %get3A_159 = arith.constant 32 : index
        %get3A_160 = tpu.vector_load %arg12[%get3A_158, %get3A_159] {strides = array<i32>} : memref<2x64xi32, #tpu.memory_space<vmem>>, vector<16xi32>,
        tpu.vector_store_idx %arg16[%get3A_160], %gather3A_156 {add = true} : memref<10000xf32, #tpu.memory_space<vmem>>[vector<16xi32>], vector<16xf32>,
        %get3A_161 = arith.constant 1 : i32
        %get3A_162 = arith.index_cast %get3A_161 : i32 to index
        %get3A_163 = arith.constant 48 : index
        %get3A_164 = tpu.vector_load %arg12[%get3A_162, %get3A_163] {strides = array<i32>} : memref<2x64xi32, #tpu.memory_space<vmem>>, vector<16xi32>,
        %gather3A_165 = tpu.vector_load_idx %arg15[%get3A_164] : memref<10000xf32, #tpu.memory_space<vmem>>[vector<16xi32>], vector<16xf32>,
        %get3A_166 = arith.constant 0 : i32
        %get3A_167 = arith.index_cast %get3A_166 : i32 to index
        %get3A_168 = arith.constant 48 : index
        %get3A_169 = tpu.vector_load %arg12[%get3A_167, %get3A_168] {strides = array<i32>} : memref<2x64xi32, #tpu.memory_space<vmem>>, vector<16xi32>,
        tpu.vector_store_idx %arg16[%get3A_169], %gather3A_165 {add = true} : memref<10000xf32, #tpu.memory_space<vmem>>[vector<16xi32>], vector<16xf32>,
        %dma_wait3A_170 = arith.constant 0 : i32
        %dma_wait3A_171 = arith.constant 0 : i32
        %dma_wait3A_172 = tpu.memref_slice %arg12[%dma_wait3A_170, %dma_wait3A_171] : memref<2x64xi32, #tpu.memory_space<vmem>> -> memref<1x64xi32, #tpu.memory_space<vmem>>
        %dma_wait3A_173 = tpu.memref_squeeze %dma_wait3A_172 : memref<1x64xi32, #tpu.memory_space<vmem>> -> memref<64xi32, #tpu.memory_space<vmem>>
        %dma_wait3A_174 = arith.constant 0 : i32
        %dma_wait3A_175 = arith.constant 0 : i32
        %dma_wait3A_176 = tpu.memref_slice %arg3[%dma_wait3A_174, %dma_wait3A_175] : memref<10000x128xf32, #tpu.memory_space<hbm>> -> memref<10000x128xf32, #tpu.memory_space<hbm>>
        tpu.wait_indirect_dma semaphore(%arg26 : memref<!tpu.dma_semaphore, #tpu.memory_space<semaphore_mem>>) src(%dma_wait3A_176 : memref<10000x128xf32, #tpu.memory_space<hbm>>) dst(%arg14 : memref<64x128xf32, #tpu.memory_space<vmem>>)
        %dma_start3A_177 = arith.constant 1 : i32
        %dma_start3A_178 = arith.constant 0 : i32
        %dma_start3A_179 = tpu.memref_slice %arg12[%dma_start3A_177, %dma_start3A_178] : memref<2x64xi32, #tpu.memory_space<vmem>> -> memref<1x64xi32, #tpu.memory_space<vmem>>
        %dma_start3A_180 = tpu.memref_squeeze %dma_start3A_179 : memref<1x64xi32, #tpu.memory_space<vmem>> -> memref<64xi32, #tpu.memory_space<vmem>>
        %dma_start3A_181 = arith.constant 0 : i32
        %dma_start3A_182 = arith.constant 0 : i32
        %dma_start3A_183 = tpu.memref_slice %arg19[%dma_start3A_181, %dma_start3A_182] : memref<10000x128xf32, #tpu.memory_space<vmem_shared>> -> memref<10000x128xf32, #tpu.memory_space<vmem_shared>>
        tpu.enqueue_indirect_dma source(%arg14 : memref<64x128xf32, #tpu.memory_space<vmem>>) target(%dma_start3A_183 : memref<10000x128xf32, #tpu.memory_space<vmem_shared>>) offsets(%dma_start3A_180 : memref<64xi32, #tpu.memory_space<vmem>>) semaphore(%arg28 : memref<!tpu.dma_semaphore, #tpu.memory_space<semaphore_mem>>) {add = true}
        %add3A_184 = arith.constant 1 : i32
        %add3A_185 = arith.addi %add3A_125, %add3A_184 : i32
        %lt3A_186 = arith.cmpi slt, %add3A_185, %add3A_20 : i32
        %convert_element_type3A_187 = arith.extui %lt3A_186 : i1 to i32
        %cond3A_188 = arith.constant 0 : i32
        %cond3A_189 = arith.cmpi ne, %convert_element_type3A_187, %cond3A_188 : i32
        scf.if %cond3A_189 {
          %ge3A = arith.constant 1 : i32
          %ge3A_190 = arith.cmpi sge, %add3A_125, %ge3A : i32
          %convert_element_type3A_191 = arith.extui %ge3A_190 : i1 to i32
          %cond3A_192 = arith.constant 0 : i32
          %cond3A_193 = arith.cmpi ne, %convert_element_type3A_191, %cond3A_192 : i32
          scf.if %cond3A_193 {
            %dma_wait3A_210 = arith.constant 1 : i32
            %dma_wait3A_211 = arith.constant 0 : i32
            %dma_wait3A_212 = tpu.memref_slice %arg9[%dma_wait3A_210, %dma_wait3A_211] : memref<2x64xi32, #tpu.memory_space<vmem>> -> memref<1x64xi32, #tpu.memory_space<vmem>>
            %dma_wait3A_213 = tpu.memref_squeeze %dma_wait3A_212 : memref<1x64xi32, #tpu.memory_space<vmem>> -> memref<64xi32, #tpu.memory_space<vmem>>
            %dma_wait3A_214 = arith.constant 0 : i32
            %dma_wait3A_215 = arith.constant 0 : i32
            %dma_wait3A_216 = tpu.memref_slice %arg19[%dma_wait3A_214, %dma_wait3A_215] : memref<10000x128xf32, #tpu.memory_space<vmem_shared>> -> memref<10000x128xf32, #tpu.memory_space<vmem_shared>>
            tpu.wait_indirect_dma semaphore(%arg27 : memref<!tpu.dma_semaphore, #tpu.memory_space<semaphore_mem>>) src(%arg13 : memref<64x128xf32, #tpu.memory_space<vmem>>) dst(%dma_wait3A_216 : memref<10000x128xf32, #tpu.memory_space<vmem_shared>>)
          } else {
          }
          %dma_wait3A_194 = arith.constant 0 : i32
          %dma_wait3A_195 = arith.constant 0 : i32
          %dma_wait3A_196 = arith.constant 0 : i32
          %dma_wait3A_197 = tpu.memref_slice %arg2[%dma_wait3A_195, %dma_wait3A_194, %dma_wait3A_196] : memref<2x5000x64xi32, #tpu.memory_space<hbm>> -> memref<2x1x64xi32, #tpu.memory_space<hbm>>
          %dma_wait3A_198 = tpu.memref_squeeze %dma_wait3A_197 : memref<2x1x64xi32, #tpu.memory_space<hbm>> -> memref<2x64xi32, #tpu.memory_space<hbm>>
          %dma_wait3A_199 = arith.constant 0 : i32
          %dma_wait3A_200 = arith.constant 0 : i32
          %dma_wait3A_201 = tpu.memref_slice %arg2[%dma_wait3A_199, %dma_wait3A_194, %dma_wait3A_200] : memref<2x5000x64xi32, #tpu.memory_space<hbm>> -> memref<2x1x64xi32, #tpu.memory_space<hbm>>
          %dma_wait3A_202 = tpu.memref_squeeze %dma_wait3A_201 : memref<2x1x64xi32, #tpu.memory_space<hbm>> -> memref<2x64xi32, #tpu.memory_space<hbm>>
          tpu.wait_dma2 semaphore(%arg21 : memref<!tpu.dma_semaphore, #tpu.memory_space<semaphore_mem>>) src(%dma_wait3A_202 : memref<2x64xi32, #tpu.memory_space<hbm>>) dst(%arg9 : memref<2x64xi32, #tpu.memory_space<vmem>>)
          %dma_start3A_203 = arith.constant 0 : i32
          %dma_start3A_204 = arith.constant 0 : i32
          %dma_start3A_205 = tpu.memref_slice %arg9[%dma_start3A_203, %dma_start3A_204] : memref<2x64xi32, #tpu.memory_space<vmem>> -> memref<1x64xi32, #tpu.memory_space<vmem>>
          %dma_start3A_206 = tpu.memref_squeeze %dma_start3A_205 : memref<1x64xi32, #tpu.memory_space<vmem>> -> memref<64xi32, #tpu.memory_space<vmem>>
          %dma_start3A_207 = arith.constant 0 : i32
          %dma_start3A_208 = arith.constant 0 : i32
          %dma_start3A_209 = tpu.memref_slice %arg3[%dma_start3A_207, %dma_start3A_208] : memref<10000x128xf32, #tpu.memory_space<hbm>> -> memref<10000x128xf32, #tpu.memory_space<hbm>>
          tpu.enqueue_indirect_dma source(%dma_start3A_209 : memref<10000x128xf32, #tpu.memory_space<hbm>>) target(%arg13 : memref<64x128xf32, #tpu.memory_space<vmem>>) offsets(%dma_start3A_206 : memref<64xi32, #tpu.memory_space<vmem>>) semaphore(%arg25 : memref<!tpu.dma_semaphore, #tpu.memory_space<semaphore_mem>>)
        } else {
        }
      } else {
      }
    }
    %while3A_74 = arith.constant 1 : i32
    scf.for %while3A_103 = %while3A_72 to %while3A_68 step %while3A_74  : i32 {
      %mul3A_104 = arith.muli %while3A_103, %while3A : i32
      %add3A_105 = arith.addi %while3A_65, %mul3A_104 : i32
      %add3A_106 = arith.constant 0 : i32
      %add3A_107 = arith.addi %add3A_105, %add3A_106 : i32
      %lt3A_108 = arith.cmpi slt, %add3A_107, %add3A_20 : i32
      %convert_element_type3A_109 = arith.extui %lt3A_108 : i1 to i32
      %cond3A_110 = arith.constant 0 : i32
      %cond3A_111 = arith.cmpi ne, %convert_element_type3A_109, %cond3A_110 : i32
      scf.if %cond3A_111 {
        %add3A_130 = arith.constant 2 : i32
        %add3A_131 = arith.addi %add3A_107, %add3A_130 : i32
        %lt3A_132 = arith.cmpi slt, %add3A_131, %add3A_20 : i32
        %convert_element_type3A_133 = arith.extui %lt3A_132 : i1 to i32
        %cond3A_134 = arith.constant 0 : i32
        %cond3A_135 = arith.cmpi ne, %convert_element_type3A_133, %cond3A_134 : i32
        scf.if %cond3A_135 {
          %add3A_190 = arith.constant 2 : i32
          %add3A_191 = arith.addi %add3A_107, %add3A_190 : i32
          %mul3A_192 = arith.constant 32 : i32
          %mul3A_193 = arith.muli %add3A_191, %mul3A_192 : i32
          %add3A_194 = arith.addi %add3A, %mul3A_193 : i32
          %dma_start3A_195 = arith.constant 0 : i32
          %dma_start3A_196 = arith.constant 0 : i32
          %dma_start3A_197 = tpu.memref_slice %arg2[%dma_start3A_195, %add3A_194, %dma_start3A_196] : memref<2x5000x64xi32, #tpu.memory_space<hbm>> -> memref<2x1x64xi32, #tpu.memory_space<hbm>>
          %dma_start3A_198 = tpu.memref_squeeze %dma_start3A_197 : memref<2x1x64xi32, #tpu.memory_space<hbm>> -> memref<2x64xi32, #tpu.memory_space<hbm>>
          %dma_start3A_199 = arith.constant 0 : i32
          %dma_start3A_200 = arith.constant 0 : i32
          %dma_start3A_201 = tpu.memref_slice %arg2[%dma_start3A_199, %add3A_194, %dma_start3A_200] : memref<2x5000x64xi32, #tpu.memory_space<hbm>> -> memref<2x1x64xi32, #tpu.memory_space<hbm>>
          %dma_start3A_202 = tpu.memref_squeeze %dma_start3A_201 : memref<2x1x64xi32, #tpu.memory_space<hbm>> -> memref<2x64xi32, #tpu.memory_space<hbm>>
          tpu.enqueue_dma source(%dma_start3A_202 : memref<2x64xi32, #tpu.memory_space<hbm>>) target(%arg11 : memref<2x64xi32, #tpu.memory_space<vmem>>) target_semaphore(%arg23 : memref<!tpu.dma_semaphore, #tpu.memory_space<semaphore_mem>>)
        } else {
        }
        %get3A = arith.constant 1 : i32
        %get3A_136 = arith.index_cast %get3A : i32 to index
        %get3A_137 = arith.constant 0 : index
        %get3A_138 = tpu.vector_load %arg9[%get3A_136, %get3A_137] {strides = array<i32>} : memref<2x64xi32, #tpu.memory_space<vmem>>, vector<16xi32>,
        %gather3A = tpu.vector_load_idx %arg15[%get3A_138] : memref<10000xf32, #tpu.memory_space<vmem>>[vector<16xi32>], vector<16xf32>,
        %get3A_139 = arith.constant 0 : i32
        %get3A_140 = arith.index_cast %get3A_139 : i32 to index
        %get3A_141 = arith.constant 0 : index
        %get3A_142 = tpu.vector_load %arg9[%get3A_140, %get3A_141] {strides = array<i32>} : memref<2x64xi32, #tpu.memory_space<vmem>>, vector<16xi32>,
        tpu.vector_store_idx %arg16[%get3A_142], %gather3A {add = true} : memref<10000xf32, #tpu.memory_space<vmem>>[vector<16xi32>], vector<16xf32>,
        %get3A_143 = arith.constant 1 : i32
        %get3A_144 = arith.index_cast %get3A_143 : i32 to index
        %get3A_145 = arith.constant 16 : index
        %get3A_146 = tpu.vector_load %arg9[%get3A_144, %get3A_145] {strides = array<i32>} : memref<2x64xi32, #tpu.memory_space<vmem>>, vector<16xi32>,
        %gather3A_147 = tpu.vector_load_idx %arg15[%get3A_146] : memref<10000xf32, #tpu.memory_space<vmem>>[vector<16xi32>], vector<16xf32>,
        %get3A_148 = arith.constant 0 : i32
        %get3A_149 = arith.index_cast %get3A_148 : i32 to index
        %get3A_150 = arith.constant 16 : index
        %get3A_151 = tpu.vector_load %arg9[%get3A_149, %get3A_150] {strides = array<i32>} : memref<2x64xi32, #tpu.memory_space<vmem>>, vector<16xi32>,
        tpu.vector_store_idx %arg16[%get3A_151], %gather3A_147 {add = true} : memref<10000xf32, #tpu.memory_space<vmem>>[vector<16xi32>], vector<16xf32>,
        %get3A_152 = arith.constant 1 : i32
        %get3A_153 = arith.index_cast %get3A_152 : i32 to index
        %get3A_154 = arith.constant 32 : index
        %get3A_155 = tpu.vector_load %arg9[%get3A_153, %get3A_154] {strides = array<i32>} : memref<2x64xi32, #tpu.memory_space<vmem>>, vector<16xi32>,
        %gather3A_156 = tpu.vector_load_idx %arg15[%get3A_155] : memref<10000xf32, #tpu.memory_space<vmem>>[vector<16xi32>], vector<16xf32>,
        %get3A_157 = arith.constant 0 : i32
        %get3A_158 = arith.index_cast %get3A_157 : i32 to index
        %get3A_159 = arith.constant 32 : index
        %get3A_160 = tpu.vector_load %arg9[%get3A_158, %get3A_159] {strides = array<i32>} : memref<2x64xi32, #tpu.memory_space<vmem>>, vector<16xi32>,
        tpu.vector_store_idx %arg16[%get3A_160], %gather3A_156 {add = true} : memref<10000xf32, #tpu.memory_space<vmem>>[vector<16xi32>], vector<16xf32>,
        %get3A_161 = arith.constant 1 : i32
        %get3A_162 = arith.index_cast %get3A_161 : i32 to index
        %get3A_163 = arith.constant 48 : index
        %get3A_164 = tpu.vector_load %arg9[%get3A_162, %get3A_163] {strides = array<i32>} : memref<2x64xi32, #tpu.memory_space<vmem>>, vector<16xi32>,
        %gather3A_165 = tpu.vector_load_idx %arg15[%get3A_164] : memref<10000xf32, #tpu.memory_space<vmem>>[vector<16xi32>], vector<16xf32>,
        %get3A_166 = arith.constant 0 : i32
        %get3A_167 = arith.index_cast %get3A_166 : i32 to index
        %get3A_168 = arith.constant 48 : index
        %get3A_169 = tpu.vector_load %arg9[%get3A_167, %get3A_168] {strides = array<i32>} : memref<2x64xi32, #tpu.memory_space<vmem>>, vector<16xi32>,
        tpu.vector_store_idx %arg16[%get3A_169], %gather3A_165 {add = true} : memref<10000xf32, #tpu.memory_space<vmem>>[vector<16xi32>], vector<16xf32>,
        %dma_wait3A_170 = arith.constant 0 : i32
        %dma_wait3A_171 = arith.constant 0 : i32
        %dma_wait3A_172 = tpu.memref_slice %arg9[%dma_wait3A_170, %dma_wait3A_171] : memref<2x64xi32, #tpu.memory_space<vmem>> -> memref<1x64xi32, #tpu.memory_space<vmem>>
        %dma_wait3A_173 = tpu.memref_squeeze %dma_wait3A_172 : memref<1x64xi32, #tpu.memory_space<vmem>> -> memref<64xi32, #tpu.memory_space<vmem>>
        %dma_wait3A_174 = arith.constant 0 : i32
        %dma_wait3A_175 = arith.constant 0 : i32
        %dma_wait3A_176 = tpu.memref_slice %arg3[%dma_wait3A_174, %dma_wait3A_175] : memref<10000x128xf32, #tpu.memory_space<hbm>> -> memref<10000x128xf32, #tpu.memory_space<hbm>>
        tpu.wait_indirect_dma semaphore(%arg25 : memref<!tpu.dma_semaphore, #tpu.memory_space<semaphore_mem>>) src(%dma_wait3A_176 : memref<10000x128xf32, #tpu.memory_space<hbm>>) dst(%arg13 : memref<64x128xf32, #tpu.memory_space<vmem>>)
        %dma_start3A_177 = arith.constant 1 : i32
        %dma_start3A_178 = arith.constant 0 : i32
        %dma_start3A_179 = tpu.memref_slice %arg9[%dma_start3A_177, %dma_start3A_178] : memref<2x64xi32, #tpu.memory_space<vmem>> -> memref<1x64xi32, #tpu.memory_space<vmem>>
        %dma_start3A_180 = tpu.memref_squeeze %dma_start3A_179 : memref<1x64xi32, #tpu.memory_space<vmem>> -> memref<64xi32, #tpu.memory_space<vmem>>
        %dma_start3A_181 = arith.constant 0 : i32
        %dma_start3A_182 = arith.constant 0 : i32
        %dma_start3A_183 = tpu.memref_slice %arg19[%dma_start3A_181, %dma_start3A_182] : memref<10000x128xf32, #tpu.memory_space<vmem_shared>> -> memref<10000x128xf32, #tpu.memory_space<vmem_shared>>
        tpu.enqueue_indirect_dma source(%arg13 : memref<64x128xf32, #tpu.memory_space<vmem>>) target(%dma_start3A_183 : memref<10000x128xf32, #tpu.memory_space<vmem_shared>>) offsets(%dma_start3A_180 : memref<64xi32, #tpu.memory_space<vmem>>) semaphore(%arg27 : memref<!tpu.dma_semaphore, #tpu.memory_space<semaphore_mem>>) {add = true}
        %add3A_184 = arith.constant 1 : i32
        %add3A_185 = arith.addi %add3A_107, %add3A_184 : i32
        %lt3A_186 = arith.cmpi slt, %add3A_185, %add3A_20 : i32
        %convert_element_type3A_187 = arith.extui %lt3A_186 : i1 to i32
        %cond3A_188 = arith.constant 0 : i32
        %cond3A_189 = arith.cmpi ne, %convert_element_type3A_187, %cond3A_188 : i32
        scf.if %cond3A_189 {
          %ge3A = arith.constant 1 : i32
          %ge3A_190 = arith.cmpi sge, %add3A_107, %ge3A : i32
          %convert_element_type3A_191 = arith.extui %ge3A_190 : i1 to i32
          %cond3A_192 = arith.constant 0 : i32
          %cond3A_193 = arith.cmpi ne, %convert_element_type3A_191, %cond3A_192 : i32
          scf.if %cond3A_193 {
            %dma_wait3A_210 = arith.constant 1 : i32
            %dma_wait3A_211 = arith.constant 0 : i32
            %dma_wait3A_212 = tpu.memref_slice %arg10[%dma_wait3A_210, %dma_wait3A_211] : memref<2x64xi32, #tpu.memory_space<vmem>> -> memref<1x64xi32, #tpu.memory_space<vmem>>
            %dma_wait3A_213 = tpu.memref_squeeze %dma_wait3A_212 : memref<1x64xi32, #tpu.memory_space<vmem>> -> memref<64xi32, #tpu.memory_space<vmem>>
            %dma_wait3A_214 = arith.constant 0 : i32
            %dma_wait3A_215 = arith.constant 0 : i32
            %dma_wait3A_216 = tpu.memref_slice %arg19[%dma_wait3A_214, %dma_wait3A_215] : memref<10000x128xf32, #tpu.memory_space<vmem_shared>> -> memref<10000x128xf32, #tpu.memory_space<vmem_shared>>
            tpu.wait_indirect_dma semaphore(%arg28 : memref<!tpu.dma_semaphore, #tpu.memory_space<semaphore_mem>>) src(%arg14 : memref<64x128xf32, #tpu.memory_space<vmem>>) dst(%dma_wait3A_216 : memref<10000x128xf32, #tpu.memory_space<vmem_shared>>)
          } else {
          }
          %dma_wait3A_194 = arith.constant 0 : i32
          %dma_wait3A_195 = arith.constant 0 : i32
          %dma_wait3A_196 = arith.constant 0 : i32
          %dma_wait3A_197 = tpu.memref_slice %arg2[%dma_wait3A_195, %dma_wait3A_194, %dma_wait3A_196] : memref<2x5000x64xi32, #tpu.memory_space<hbm>> -> memref<2x1x64xi32, #tpu.memory_space<hbm>>
          %dma_wait3A_198 = tpu.memref_squeeze %dma_wait3A_197 : memref<2x1x64xi32, #tpu.memory_space<hbm>> -> memref<2x64xi32, #tpu.memory_space<hbm>>
          %dma_wait3A_199 = arith.constant 0 : i32
          %dma_wait3A_200 = arith.constant 0 : i32
          %dma_wait3A_201 = tpu.memref_slice %arg2[%dma_wait3A_199, %dma_wait3A_194, %dma_wait3A_200] : memref<2x5000x64xi32, #tpu.memory_space<hbm>> -> memref<2x1x64xi32, #tpu.memory_space<hbm>>
          %dma_wait3A_202 = tpu.memref_squeeze %dma_wait3A_201 : memref<2x1x64xi32, #tpu.memory_space<hbm>> -> memref<2x64xi32, #tpu.memory_space<hbm>>
          tpu.wait_dma2 semaphore(%arg22 : memref<!tpu.dma_semaphore, #tpu.memory_space<semaphore_mem>>) src(%dma_wait3A_202 : memref<2x64xi32, #tpu.memory_space<hbm>>) dst(%arg10 : memref<2x64xi32, #tpu.memory_space<vmem>>)
          %dma_start3A_203 = arith.constant 0 : i32
          %dma_start3A_204 = arith.constant 0 : i32
          %dma_start3A_205 = tpu.memref_slice %arg10[%dma_start3A_203, %dma_start3A_204] : memref<2x64xi32, #tpu.memory_space<vmem>> -> memref<1x64xi32, #tpu.memory_space<vmem>>
          %dma_start3A_206 = tpu.memref_squeeze %dma_start3A_205 : memref<1x64xi32, #tpu.memory_space<vmem>> -> memref<64xi32, #tpu.memory_space<vmem>>
          %dma_start3A_207 = arith.constant 0 : i32
          %dma_start3A_208 = arith.constant 0 : i32
          %dma_start3A_209 = tpu.memref_slice %arg3[%dma_start3A_207, %dma_start3A_208] : memref<10000x128xf32, #tpu.memory_space<hbm>> -> memref<10000x128xf32, #tpu.memory_space<hbm>>
          tpu.enqueue_indirect_dma source(%dma_start3A_209 : memref<10000x128xf32, #tpu.memory_space<hbm>>) target(%arg14 : memref<64x128xf32, #tpu.memory_space<vmem>>) offsets(%dma_start3A_206 : memref<64xi32, #tpu.memory_space<vmem>>) semaphore(%arg26 : memref<!tpu.dma_semaphore, #tpu.memory_space<semaphore_mem>>)
        } else {
        }
      } else {
      }
      %add3A_112 = arith.constant 1 : i32
      %add3A_113 = arith.addi %add3A_105, %add3A_112 : i32
      %lt3A_114 = arith.cmpi slt, %add3A_113, %add3A_20 : i32
      %convert_element_type3A_115 = arith.extui %lt3A_114 : i1 to i32
      %cond3A_116 = arith.constant 0 : i32
      %cond3A_117 = arith.cmpi ne, %convert_element_type3A_115, %cond3A_116 : i32
      scf.if %cond3A_117 {
        %add3A_130 = arith.constant 2 : i32
        %add3A_131 = arith.addi %add3A_113, %add3A_130 : i32
        %lt3A_132 = arith.cmpi slt, %add3A_131, %add3A_20 : i32
        %convert_element_type3A_133 = arith.extui %lt3A_132 : i1 to i32
        %cond3A_134 = arith.constant 0 : i32
        %cond3A_135 = arith.cmpi ne, %convert_element_type3A_133, %cond3A_134 : i32
        scf.if %cond3A_135 {
          %add3A_190 = arith.constant 2 : i32
          %add3A_191 = arith.addi %add3A_113, %add3A_190 : i32
          %mul3A_192 = arith.constant 32 : i32
          %mul3A_193 = arith.muli %add3A_191, %mul3A_192 : i32
          %add3A_194 = arith.addi %add3A, %mul3A_193 : i32
          %dma_start3A_195 = arith.constant 0 : i32
          %dma_start3A_196 = arith.constant 0 : i32
          %dma_start3A_197 = tpu.memref_slice %arg2[%dma_start3A_195, %add3A_194, %dma_start3A_196] : memref<2x5000x64xi32, #tpu.memory_space<hbm>> -> memref<2x1x64xi32, #tpu.memory_space<hbm>>
          %dma_start3A_198 = tpu.memref_squeeze %dma_start3A_197 : memref<2x1x64xi32, #tpu.memory_space<hbm>> -> memref<2x64xi32, #tpu.memory_space<hbm>>
          %dma_start3A_199 = arith.constant 0 : i32
          %dma_start3A_200 = arith.constant 0 : i32
          %dma_start3A_201 = tpu.memref_slice %arg2[%dma_start3A_199, %add3A_194, %dma_start3A_200] : memref<2x5000x64xi32, #tpu.memory_space<hbm>> -> memref<2x1x64xi32, #tpu.memory_space<hbm>>
          %dma_start3A_202 = tpu.memref_squeeze %dma_start3A_201 : memref<2x1x64xi32, #tpu.memory_space<hbm>> -> memref<2x64xi32, #tpu.memory_space<hbm>>
          tpu.enqueue_dma source(%dma_start3A_202 : memref<2x64xi32, #tpu.memory_space<hbm>>) target(%arg12 : memref<2x64xi32, #tpu.memory_space<vmem>>) target_semaphore(%arg24 : memref<!tpu.dma_semaphore, #tpu.memory_space<semaphore_mem>>)
        } else {
        }
        %get3A = arith.constant 1 : i32
        %get3A_136 = arith.index_cast %get3A : i32 to index
        %get3A_137 = arith.constant 0 : index
        %get3A_138 = tpu.vector_load %arg10[%get3A_136, %get3A_137] {strides = array<i32>} : memref<2x64xi32, #tpu.memory_space<vmem>>, vector<16xi32>,
        %gather3A = tpu.vector_load_idx %arg15[%get3A_138] : memref<10000xf32, #tpu.memory_space<vmem>>[vector<16xi32>], vector<16xf32>,
        %get3A_139 = arith.constant 0 : i32
        %get3A_140 = arith.index_cast %get3A_139 : i32 to index
        %get3A_141 = arith.constant 0 : index
        %get3A_142 = tpu.vector_load %arg10[%get3A_140, %get3A_141] {strides = array<i32>} : memref<2x64xi32, #tpu.memory_space<vmem>>, vector<16xi32>,
        tpu.vector_store_idx %arg16[%get3A_142], %gather3A {add = true} : memref<10000xf32, #tpu.memory_space<vmem>>[vector<16xi32>], vector<16xf32>,
        %get3A_143 = arith.constant 1 : i32
        %get3A_144 = arith.index_cast %get3A_143 : i32 to index
        %get3A_145 = arith.constant 16 : index
        %get3A_146 = tpu.vector_load %arg10[%get3A_144, %get3A_145] {strides = array<i32>} : memref<2x64xi32, #tpu.memory_space<vmem>>, vector<16xi32>,
        %gather3A_147 = tpu.vector_load_idx %arg15[%get3A_146] : memref<10000xf32, #tpu.memory_space<vmem>>[vector<16xi32>], vector<16xf32>,
        %get3A_148 = arith.constant 0 : i32
        %get3A_149 = arith.index_cast %get3A_148 : i32 to index
        %get3A_150 = arith.constant 16 : index
        %get3A_151 = tpu.vector_load %arg10[%get3A_149, %get3A_150] {strides = array<i32>} : memref<2x64xi32, #tpu.memory_space<vmem>>, vector<16xi32>,
        tpu.vector_store_idx %arg16[%get3A_151], %gather3A_147 {add = true} : memref<10000xf32, #tpu.memory_space<vmem>>[vector<16xi32>], vector<16xf32>,
        %get3A_152 = arith.constant 1 : i32
        %get3A_153 = arith.index_cast %get3A_152 : i32 to index
        %get3A_154 = arith.constant 32 : index
        %get3A_155 = tpu.vector_load %arg10[%get3A_153, %get3A_154] {strides = array<i32>} : memref<2x64xi32, #tpu.memory_space<vmem>>, vector<16xi32>,
        %gather3A_156 = tpu.vector_load_idx %arg15[%get3A_155] : memref<10000xf32, #tpu.memory_space<vmem>>[vector<16xi32>], vector<16xf32>,
        %get3A_157 = arith.constant 0 : i32
        %get3A_158 = arith.index_cast %get3A_157 : i32 to index
        %get3A_159 = arith.constant 32 : index
        %get3A_160 = tpu.vector_load %arg10[%get3A_158, %get3A_159] {strides = array<i32>} : memref<2x64xi32, #tpu.memory_space<vmem>>, vector<16xi32>,
        tpu.vector_store_idx %arg16[%get3A_160], %gather3A_156 {add = true} : memref<10000xf32, #tpu.memory_space<vmem>>[vector<16xi32>], vector<16xf32>,
        %get3A_161 = arith.constant 1 : i32
        %get3A_162 = arith.index_cast %get3A_161 : i32 to index
        %get3A_163 = arith.constant 48 : index
        %get3A_164 = tpu.vector_load %arg10[%get3A_162, %get3A_163] {strides = array<i32>} : memref<2x64xi32, #tpu.memory_space<vmem>>, vector<16xi32>,
        %gather3A_165 = tpu.vector_load_idx %arg15[%get3A_164] : memref<10000xf32, #tpu.memory_space<vmem>>[vector<16xi32>], vector<16xf32>,
        %get3A_166 = arith.constant 0 : i32
        %get3A_167 = arith.index_cast %get3A_166 : i32 to index
        %get3A_168 = arith.constant 48 : index
        %get3A_169 = tpu.vector_load %arg10[%get3A_167, %get3A_168] {strides = array<i32>} : memref<2x64xi32, #tpu.memory_space<vmem>>, vector<16xi32>,
        tpu.vector_store_idx %arg16[%get3A_169], %gather3A_165 {add = true} : memref<10000xf32, #tpu.memory_space<vmem>>[vector<16xi32>], vector<16xf32>,
        %dma_wait3A_170 = arith.constant 0 : i32
        %dma_wait3A_171 = arith.constant 0 : i32
        %dma_wait3A_172 = tpu.memref_slice %arg10[%dma_wait3A_170, %dma_wait3A_171] : memref<2x64xi32, #tpu.memory_space<vmem>> -> memref<1x64xi32, #tpu.memory_space<vmem>>
        %dma_wait3A_173 = tpu.memref_squeeze %dma_wait3A_172 : memref<1x64xi32, #tpu.memory_space<vmem>> -> memref<64xi32, #tpu.memory_space<vmem>>
        %dma_wait3A_174 = arith.constant 0 : i32
        %dma_wait3A_175 = arith.constant 0 : i32
        %dma_wait3A_176 = tpu.memref_slice %arg3[%dma_wait3A_174, %dma_wait3A_175] : memref<10000x128xf32, #tpu.memory_space<hbm>> -> memref<10000x128xf32, #tpu.memory_space<hbm>>
        tpu.wait_indirect_dma semaphore(%arg26 : memref<!tpu.dma_semaphore, #tpu.memory_space<semaphore_mem>>) src(%dma_wait3A_176 : memref<10000x128xf32, #tpu.memory_space<hbm>>) dst(%arg14 : memref<64x128xf32, #tpu.memory_space<vmem>>)
        %dma_start3A_177 = arith.constant 1 : i32
        %dma_start3A_178 = arith.constant 0 : i32
        %dma_start3A_179 = tpu.memref_slice %arg10[%dma_start3A_177, %dma_start3A_178] : memref<2x64xi32, #tpu.memory_space<vmem>> -> memref<1x64xi32, #tpu.memory_space<vmem>>
        %dma_start3A_180 = tpu.memref_squeeze %dma_start3A_179 : memref<1x64xi32, #tpu.memory_space<vmem>> -> memref<64xi32, #tpu.memory_space<vmem>>
        %dma_start3A_181 = arith.constant 0 : i32
        %dma_start3A_182 = arith.constant 0 : i32
        %dma_start3A_183 = tpu.memref_slice %arg19[%dma_start3A_181, %dma_start3A_182] : memref<10000x128xf32, #tpu.memory_space<vmem_shared>> -> memref<10000x128xf32, #tpu.memory_space<vmem_shared>>
        tpu.enqueue_indirect_dma source(%arg14 : memref<64x128xf32, #tpu.memory_space<vmem>>) target(%dma_start3A_183 : memref<10000x128xf32, #tpu.memory_space<vmem_shared>>) offsets(%dma_start3A_180 : memref<64xi32, #tpu.memory_space<vmem>>) semaphore(%arg28 : memref<!tpu.dma_semaphore, #tpu.memory_space<semaphore_mem>>) {add = true}
        %add3A_184 = arith.constant 1 : i32
        %add3A_185 = arith.addi %add3A_113, %add3A_184 : i32
        %lt3A_186 = arith.cmpi slt, %add3A_185, %add3A_20 : i32
        %convert_element_type3A_187 = arith.extui %lt3A_186 : i1 to i32
        %cond3A_188 = arith.constant 0 : i32
        %cond3A_189 = arith.cmpi ne, %convert_element_type3A_187, %cond3A_188 : i32
        scf.if %cond3A_189 {
          %ge3A = arith.constant 1 : i32
          %ge3A_190 = arith.cmpi sge, %add3A_113, %ge3A : i32
          %convert_element_type3A_191 = arith.extui %ge3A_190 : i1 to i32
          %cond3A_192 = arith.constant 0 : i32
          %cond3A_193 = arith.cmpi ne, %convert_element_type3A_191, %cond3A_192 : i32
          scf.if %cond3A_193 {
            %dma_wait3A_210 = arith.constant 1 : i32
            %dma_wait3A_211 = arith.constant 0 : i32
            %dma_wait3A_212 = tpu.memref_slice %arg9[%dma_wait3A_210, %dma_wait3A_211] : memref<2x64xi32, #tpu.memory_space<vmem>> -> memref<1x64xi32, #tpu.memory_space<vmem>>
            %dma_wait3A_213 = tpu.memref_squeeze %dma_wait3A_212 : memref<1x64xi32, #tpu.memory_space<vmem>> -> memref<64xi32, #tpu.memory_space<vmem>>
            %dma_wait3A_214 = arith.constant 0 : i32
            %dma_wait3A_215 = arith.constant 0 : i32
            %dma_wait3A_216 = tpu.memref_slice %arg19[%dma_wait3A_214, %dma_wait3A_215] : memref<10000x128xf32, #tpu.memory_space<vmem_shared>> -> memref<10000x128xf32, #tpu.memory_space<vmem_shared>>
            tpu.wait_indirect_dma semaphore(%arg27 : memref<!tpu.dma_semaphore, #tpu.memory_space<semaphore_mem>>) src(%arg13 : memref<64x128xf32, #tpu.memory_space<vmem>>) dst(%dma_wait3A_216 : memref<10000x128xf32, #tpu.memory_space<vmem_shared>>)
          } else {
          }
          %dma_wait3A_194 = arith.constant 0 : i32
          %dma_wait3A_195 = arith.constant 0 : i32
          %dma_wait3A_196 = arith.constant 0 : i32
          %dma_wait3A_197 = tpu.memref_slice %arg2[%dma_wait3A_195, %dma_wait3A_194, %dma_wait3A_196] : memref<2x5000x64xi32, #tpu.memory_space<hbm>> -> memref<2x1x64xi32, #tpu.memory_space<hbm>>
          %dma_wait3A_198 = tpu.memref_squeeze %dma_wait3A_197 : memref<2x1x64xi32, #tpu.memory_space<hbm>> -> memref<2x64xi32, #tpu.memory_space<hbm>>
          %dma_wait3A_199 = arith.constant 0 : i32
          %dma_wait3A_200 = arith.constant 0 : i32
          %dma_wait3A_201 = tpu.memref_slice %arg2[%dma_wait3A_199, %dma_wait3A_194, %dma_wait3A_200] : memref<2x5000x64xi32, #tpu.memory_space<hbm>> -> memref<2x1x64xi32, #tpu.memory_space<hbm>>
          %dma_wait3A_202 = tpu.memref_squeeze %dma_wait3A_201 : memref<2x1x64xi32, #tpu.memory_space<hbm>> -> memref<2x64xi32, #tpu.memory_space<hbm>>
          tpu.wait_dma2 semaphore(%arg23 : memref<!tpu.dma_semaphore, #tpu.memory_space<semaphore_mem>>) src(%dma_wait3A_202 : memref<2x64xi32, #tpu.memory_space<hbm>>) dst(%arg11 : memref<2x64xi32, #tpu.memory_space<vmem>>)
          %dma_start3A_203 = arith.constant 0 : i32
          %dma_start3A_204 = arith.constant 0 : i32
          %dma_start3A_205 = tpu.memref_slice %arg11[%dma_start3A_203, %dma_start3A_204] : memref<2x64xi32, #tpu.memory_space<vmem>> -> memref<1x64xi32, #tpu.memory_space<vmem>>
          %dma_start3A_206 = tpu.memref_squeeze %dma_start3A_205 : memref<1x64xi32, #tpu.memory_space<vmem>> -> memref<64xi32, #tpu.memory_space<vmem>>
          %dma_start3A_207 = arith.constant 0 : i32
          %dma_start3A_208 = arith.constant 0 : i32
          %dma_start3A_209 = tpu.memref_slice %arg3[%dma_start3A_207, %dma_start3A_208] : memref<10000x128xf32, #tpu.memory_space<hbm>> -> memref<10000x128xf32, #tpu.memory_space<hbm>>
          tpu.enqueue_indirect_dma source(%dma_start3A_209 : memref<10000x128xf32, #tpu.memory_space<hbm>>) target(%arg13 : memref<64x128xf32, #tpu.memory_space<vmem>>) offsets(%dma_start3A_206 : memref<64xi32, #tpu.memory_space<vmem>>) semaphore(%arg25 : memref<!tpu.dma_semaphore, #tpu.memory_space<semaphore_mem>>)
        } else {
        }
      } else {
      }
      %add3A_118 = arith.constant 2 : i32
      %add3A_119 = arith.addi %add3A_105, %add3A_118 : i32
      %lt3A_120 = arith.cmpi slt, %add3A_119, %add3A_20 : i32
      %convert_element_type3A_121 = arith.extui %lt3A_120 : i1 to i32
      %cond3A_122 = arith.constant 0 : i32
      %cond3A_123 = arith.cmpi ne, %convert_element_type3A_121, %cond3A_122 : i32
      scf.if %cond3A_123 {
        %add3A_130 = arith.constant 2 : i32
        %add3A_131 = arith.addi %add3A_119, %add3A_130 : i32
        %lt3A_132 = arith.cmpi slt, %add3A_131, %add3A_20 : i32
        %convert_element_type3A_133 = arith.extui %lt3A_132 : i1 to i32
        %cond3A_134 = arith.constant 0 : i32
        %cond3A_135 = arith.cmpi ne, %convert_element_type3A_133, %cond3A_134 : i32
        scf.if %cond3A_135 {
          %add3A_190 = arith.constant 2 : i32
          %add3A_191 = arith.addi %add3A_119, %add3A_190 : i32
          %mul3A_192 = arith.constant 32 : i32
          %mul3A_193 = arith.muli %add3A_191, %mul3A_192 : i32
          %add3A_194 = arith.addi %add3A, %mul3A_193 : i32
          %dma_start3A_195 = arith.constant 0 : i32
          %dma_start3A_196 = arith.constant 0 : i32
          %dma_start3A_197 = tpu.memref_slice %arg2[%dma_start3A_195, %add3A_194, %dma_start3A_196] : memref<2x5000x64xi32, #tpu.memory_space<hbm>> -> memref<2x1x64xi32, #tpu.memory_space<hbm>>
          %dma_start3A_198 = tpu.memref_squeeze %dma_start3A_197 : memref<2x1x64xi32, #tpu.memory_space<hbm>> -> memref<2x64xi32, #tpu.memory_space<hbm>>
          %dma_start3A_199 = arith.constant 0 : i32
          %dma_start3A_200 = arith.constant 0 : i32
          %dma_start3A_201 = tpu.memref_slice %arg2[%dma_start3A_199, %add3A_194, %dma_start3A_200] : memref<2x5000x64xi32, #tpu.memory_space<hbm>> -> memref<2x1x64xi32, #tpu.memory_space<hbm>>
          %dma_start3A_202 = tpu.memref_squeeze %dma_start3A_201 : memref<2x1x64xi32, #tpu.memory_space<hbm>> -> memref<2x64xi32, #tpu.memory_space<hbm>>
          tpu.enqueue_dma source(%dma_start3A_202 : memref<2x64xi32, #tpu.memory_space<hbm>>) target(%arg9 : memref<2x64xi32, #tpu.memory_space<vmem>>) target_semaphore(%arg21 : memref<!tpu.dma_semaphore, #tpu.memory_space<semaphore_mem>>)
        } else {
        }
        %get3A = arith.constant 1 : i32
        %get3A_136 = arith.index_cast %get3A : i32 to index
        %get3A_137 = arith.constant 0 : index
        %get3A_138 = tpu.vector_load %arg11[%get3A_136, %get3A_137] {strides = array<i32>} : memref<2x64xi32, #tpu.memory_space<vmem>>, vector<16xi32>,
        %gather3A = tpu.vector_load_idx %arg15[%get3A_138] : memref<10000xf32, #tpu.memory_space<vmem>>[vector<16xi32>], vector<16xf32>,
        %get3A_139 = arith.constant 0 : i32
        %get3A_140 = arith.index_cast %get3A_139 : i32 to index
        %get3A_141 = arith.constant 0 : index
        %get3A_142 = tpu.vector_load %arg11[%get3A_140, %get3A_141] {strides = array<i32>} : memref<2x64xi32, #tpu.memory_space<vmem>>, vector<16xi32>,
        tpu.vector_store_idx %arg16[%get3A_142], %gather3A {add = true} : memref<10000xf32, #tpu.memory_space<vmem>>[vector<16xi32>], vector<16xf32>,
        %get3A_143 = arith.constant 1 : i32
        %get3A_144 = arith.index_cast %get3A_143 : i32 to index
        %get3A_145 = arith.constant 16 : index
        %get3A_146 = tpu.vector_load %arg11[%get3A_144, %get3A_145] {strides = array<i32>} : memref<2x64xi32, #tpu.memory_space<vmem>>, vector<16xi32>,
        %gather3A_147 = tpu.vector_load_idx %arg15[%get3A_146] : memref<10000xf32, #tpu.memory_space<vmem>>[vector<16xi32>], vector<16xf32>,
        %get3A_148 = arith.constant 0 : i32
        %get3A_149 = arith.index_cast %get3A_148 : i32 to index
        %get3A_150 = arith.constant 16 : index
        %get3A_151 = tpu.vector_load %arg11[%get3A_149, %get3A_150] {strides = array<i32>} : memref<2x64xi32, #tpu.memory_space<vmem>>, vector<16xi32>,
        tpu.vector_store_idx %arg16[%get3A_151], %gather3A_147 {add = true} : memref<10000xf32, #tpu.memory_space<vmem>>[vector<16xi32>], vector<16xf32>,
        %get3A_152 = arith.constant 1 : i32
        %get3A_153 = arith.index_cast %get3A_152 : i32 to index
        %get3A_154 = arith.constant 32 : index
        %get3A_155 = tpu.vector_load %arg11[%get3A_153, %get3A_154] {strides = array<i32>} : memref<2x64xi32, #tpu.memory_space<vmem>>, vector<16xi32>,
        %gather3A_156 = tpu.vector_load_idx %arg15[%get3A_155] : memref<10000xf32, #tpu.memory_space<vmem>>[vector<16xi32>], vector<16xf32>,
        %get3A_157 = arith.constant 0 : i32
        %get3A_158 = arith.index_cast %get3A_157 : i32 to index
        %get3A_159 = arith.constant 32 : index
        %get3A_160 = tpu.vector_load %arg11[%get3A_158, %get3A_159] {strides = array<i32>} : memref<2x64xi32, #tpu.memory_space<vmem>>, vector<16xi32>,
        tpu.vector_store_idx %arg16[%get3A_160], %gather3A_156 {add = true} : memref<10000xf32, #tpu.memory_space<vmem>>[vector<16xi32>], vector<16xf32>,
        %get3A_161 = arith.constant 1 : i32
        %get3A_162 = arith.index_cast %get3A_161 : i32 to index
        %get3A_163 = arith.constant 48 : index
        %get3A_164 = tpu.vector_load %arg11[%get3A_162, %get3A_163] {strides = array<i32>} : memref<2x64xi32, #tpu.memory_space<vmem>>, vector<16xi32>,
        %gather3A_165 = tpu.vector_load_idx %arg15[%get3A_164] : memref<10000xf32, #tpu.memory_space<vmem>>[vector<16xi32>], vector<16xf32>,
        %get3A_166 = arith.constant 0 : i32
        %get3A_167 = arith.index_cast %get3A_166 : i32 to index
        %get3A_168 = arith.constant 48 : index
        %get3A_169 = tpu.vector_load %arg11[%get3A_167, %get3A_168] {strides = array<i32>} : memref<2x64xi32, #tpu.memory_space<vmem>>, vector<16xi32>,
        tpu.vector_store_idx %arg16[%get3A_169], %gather3A_165 {add = true} : memref<10000xf32, #tpu.memory_space<vmem>>[vector<16xi32>], vector<16xf32>,
        %dma_wait3A_170 = arith.constant 0 : i32
        %dma_wait3A_171 = arith.constant 0 : i32
        %dma_wait3A_172 = tpu.memref_slice %arg11[%dma_wait3A_170, %dma_wait3A_171] : memref<2x64xi32, #tpu.memory_space<vmem>> -> memref<1x64xi32, #tpu.memory_space<vmem>>
        %dma_wait3A_173 = tpu.memref_squeeze %dma_wait3A_172 : memref<1x64xi32, #tpu.memory_space<vmem>> -> memref<64xi32, #tpu.memory_space<vmem>>
        %dma_wait3A_174 = arith.constant 0 : i32
        %dma_wait3A_175 = arith.constant 0 : i32
        %dma_wait3A_176 = tpu.memref_slice %arg3[%dma_wait3A_174, %dma_wait3A_175] : memref<10000x128xf32, #tpu.memory_space<hbm>> -> memref<10000x128xf32, #tpu.memory_space<hbm>>
        tpu.wait_indirect_dma semaphore(%arg25 : memref<!tpu.dma_semaphore, #tpu.memory_space<semaphore_mem>>) src(%dma_wait3A_176 : memref<10000x128xf32, #tpu.memory_space<hbm>>) dst(%arg13 : memref<64x128xf32, #tpu.memory_space<vmem>>)
        %dma_start3A_177 = arith.constant 1 : i32
        %dma_start3A_178 = arith.constant 0 : i32
        %dma_start3A_179 = tpu.memref_slice %arg11[%dma_start3A_177, %dma_start3A_178] : memref<2x64xi32, #tpu.memory_space<vmem>> -> memref<1x64xi32, #tpu.memory_space<vmem>>
        %dma_start3A_180 = tpu.memref_squeeze %dma_start3A_179 : memref<1x64xi32, #tpu.memory_space<vmem>> -> memref<64xi32, #tpu.memory_space<vmem>>
        %dma_start3A_181 = arith.constant 0 : i32
        %dma_start3A_182 = arith.constant 0 : i32
        %dma_start3A_183 = tpu.memref_slice %arg19[%dma_start3A_181, %dma_start3A_182] : memref<10000x128xf32, #tpu.memory_space<vmem_shared>> -> memref<10000x128xf32, #tpu.memory_space<vmem_shared>>
        tpu.enqueue_indirect_dma source(%arg13 : memref<64x128xf32, #tpu.memory_space<vmem>>) target(%dma_start3A_183 : memref<10000x128xf32, #tpu.memory_space<vmem_shared>>) offsets(%dma_start3A_180 : memref<64xi32, #tpu.memory_space<vmem>>) semaphore(%arg27 : memref<!tpu.dma_semaphore, #tpu.memory_space<semaphore_mem>>) {add = true}
        %add3A_184 = arith.constant 1 : i32
        %add3A_185 = arith.addi %add3A_119, %add3A_184 : i32
        %lt3A_186 = arith.cmpi slt, %add3A_185, %add3A_20 : i32
        %convert_element_type3A_187 = arith.extui %lt3A_186 : i1 to i32
        %cond3A_188 = arith.constant 0 : i32
        %cond3A_189 = arith.cmpi ne, %convert_element_type3A_187, %cond3A_188 : i32
        scf.if %cond3A_189 {
          %ge3A = arith.constant 1 : i32
          %ge3A_190 = arith.cmpi sge, %add3A_119, %ge3A : i32
          %convert_element_type3A_191 = arith.extui %ge3A_190 : i1 to i32
          %cond3A_192 = arith.constant 0 : i32
          %cond3A_193 = arith.cmpi ne, %convert_element_type3A_191, %cond3A_192 : i32
          scf.if %cond3A_193 {
            %dma_wait3A_210 = arith.constant 1 : i32
            %dma_wait3A_211 = arith.constant 0 : i32
            %dma_wait3A_212 = tpu.memref_slice %arg10[%dma_wait3A_210, %dma_wait3A_211] : memref<2x64xi32, #tpu.memory_space<vmem>> -> memref<1x64xi32, #tpu.memory_space<vmem>>
            %dma_wait3A_213 = tpu.memref_squeeze %dma_wait3A_212 : memref<1x64xi32, #tpu.memory_space<vmem>> -> memref<64xi32, #tpu.memory_space<vmem>>
            %dma_wait3A_214 = arith.constant 0 : i32
            %dma_wait3A_215 = arith.constant 0 : i32
            %dma_wait3A_216 = tpu.memref_slice %arg19[%dma_wait3A_214, %dma_wait3A_215] : memref<10000x128xf32, #tpu.memory_space<vmem_shared>> -> memref<10000x128xf32, #tpu.memory_space<vmem_shared>>
            tpu.wait_indirect_dma semaphore(%arg28 : memref<!tpu.dma_semaphore, #tpu.memory_space<semaphore_mem>>) src(%arg14 : memref<64x128xf32, #tpu.memory_space<vmem>>) dst(%dma_wait3A_216 : memref<10000x128xf32, #tpu.memory_space<vmem_shared>>)
          } else {
          }
          %dma_wait3A_194 = arith.constant 0 : i32
          %dma_wait3A_195 = arith.constant 0 : i32
          %dma_wait3A_196 = arith.constant 0 : i32
          %dma_wait3A_197 = tpu.memref_slice %arg2[%dma_wait3A_195, %dma_wait3A_194, %dma_wait3A_196] : memref<2x5000x64xi32, #tpu.memory_space<hbm>> -> memref<2x1x64xi32, #tpu.memory_space<hbm>>
          %dma_wait3A_198 = tpu.memref_squeeze %dma_wait3A_197 : memref<2x1x64xi32, #tpu.memory_space<hbm>> -> memref<2x64xi32, #tpu.memory_space<hbm>>
          %dma_wait3A_199 = arith.constant 0 : i32
          %dma_wait3A_200 = arith.constant 0 : i32
          %dma_wait3A_201 = tpu.memref_slice %arg2[%dma_wait3A_199, %dma_wait3A_194, %dma_wait3A_200] : memref<2x5000x64xi32, #tpu.memory_space<hbm>> -> memref<2x1x64xi32, #tpu.memory_space<hbm>>
          %dma_wait3A_202 = tpu.memref_squeeze %dma_wait3A_201 : memref<2x1x64xi32, #tpu.memory_space<hbm>> -> memref<2x64xi32, #tpu.memory_space<hbm>>
          tpu.wait_dma2 semaphore(%arg24 : memref<!tpu.dma_semaphore, #tpu.memory_space<semaphore_mem>>) src(%dma_wait3A_202 : memref<2x64xi32, #tpu.memory_space<hbm>>) dst(%arg12 : memref<2x64xi32, #tpu.memory_space<vmem>>)
          %dma_start3A_203 = arith.constant 0 : i32
          %dma_start3A_204 = arith.constant 0 : i32
          %dma_start3A_205 = tpu.memref_slice %arg12[%dma_start3A_203, %dma_start3A_204] : memref<2x64xi32, #tpu.memory_space<vmem>> -> memref<1x64xi32, #tpu.memory_space<vmem>>
          %dma_start3A_206 = tpu.memref_squeeze %dma_start3A_205 : memref<1x64xi32, #tpu.memory_space<vmem>> -> memref<64xi32, #tpu.memory_space<vmem>>
          %dma_start3A_207 = arith.constant 0 : i32
          %dma_start3A_208 = arith.constant 0 : i32
          %dma_start3A_209 = tpu.memref_slice %arg3[%dma_start3A_207, %dma_start3A_208] : memref<10000x128xf32, #tpu.memory_space<hbm>> -> memref<10000x128xf32, #tpu.memory_space<hbm>>
          tpu.enqueue_indirect_dma source(%dma_start3A_209 : memref<10000x128xf32, #tpu.memory_space<hbm>>) target(%arg14 : memref<64x128xf32, #tpu.memory_space<vmem>>) offsets(%dma_start3A_206 : memref<64xi32, #tpu.memory_space<vmem>>) semaphore(%arg26 : memref<!tpu.dma_semaphore, #tpu.memory_space<semaphore_mem>>)
        } else {
        }
      } else {
      }
      %add3A_124 = arith.constant 3 : i32
      %add3A_125 = arith.addi %add3A_105, %add3A_124 : i32
      %lt3A_126 = arith.cmpi slt, %add3A_125, %add3A_20 : i32
      %convert_element_type3A_127 = arith.extui %lt3A_126 : i1 to i32
      %cond3A_128 = arith.constant 0 : i32
      %cond3A_129 = arith.cmpi ne, %convert_element_type3A_127, %cond3A_128 : i32
      scf.if %cond3A_129 {
        %add3A_130 = arith.constant 2 : i32
        %add3A_131 = arith.addi %add3A_125, %add3A_130 : i32
        %lt3A_132 = arith.cmpi slt, %add3A_131, %add3A_20 : i32
        %convert_element_type3A_133 = arith.extui %lt3A_132 : i1 to i32
        %cond3A_134 = arith.constant 0 : i32
        %cond3A_135 = arith.cmpi ne, %convert_element_type3A_133, %cond3A_134 : i32
        scf.if %cond3A_135 {
          %add3A_190 = arith.constant 2 : i32
          %add3A_191 = arith.addi %add3A_125, %add3A_190 : i32
          %mul3A_192 = arith.constant 32 : i32
          %mul3A_193 = arith.muli %add3A_191, %mul3A_192 : i32
          %add3A_194 = arith.addi %add3A, %mul3A_193 : i32
          %dma_start3A_195 = arith.constant 0 : i32
          %dma_start3A_196 = arith.constant 0 : i32
          %dma_start3A_197 = tpu.memref_slice %arg2[%dma_start3A_195, %add3A_194, %dma_start3A_196] : memref<2x5000x64xi32, #tpu.memory_space<hbm>> -> memref<2x1x64xi32, #tpu.memory_space<hbm>>
          %dma_start3A_198 = tpu.memref_squeeze %dma_start3A_197 : memref<2x1x64xi32, #tpu.memory_space<hbm>> -> memref<2x64xi32, #tpu.memory_space<hbm>>
          %dma_start3A_199 = arith.constant 0 : i32
          %dma_start3A_200 = arith.constant 0 : i32
          %dma_start3A_201 = tpu.memref_slice %arg2[%dma_start3A_199, %add3A_194, %dma_start3A_200] : memref<2x5000x64xi32, #tpu.memory_space<hbm>> -> memref<2x1x64xi32, #tpu.memory_space<hbm>>
          %dma_start3A_202 = tpu.memref_squeeze %dma_start3A_201 : memref<2x1x64xi32, #tpu.memory_space<hbm>> -> memref<2x64xi32, #tpu.memory_space<hbm>>
          tpu.enqueue_dma source(%dma_start3A_202 : memref<2x64xi32, #tpu.memory_space<hbm>>) target(%arg10 : memref<2x64xi32, #tpu.memory_space<vmem>>) target_semaphore(%arg22 : memref<!tpu.dma_semaphore, #tpu.memory_space<semaphore_mem>>)
        } else {
        }
        %get3A = arith.constant 1 : i32
        %get3A_136 = arith.index_cast %get3A : i32 to index
        %get3A_137 = arith.constant 0 : index
        %get3A_138 = tpu.vector_load %arg12[%get3A_136, %get3A_137] {strides = array<i32>} : memref<2x64xi32, #tpu.memory_space<vmem>>, vector<16xi32>,
        %gather3A = tpu.vector_load_idx %arg15[%get3A_138] : memref<10000xf32, #tpu.memory_space<vmem>>[vector<16xi32>], vector<16xf32>,
        %get3A_139 = arith.constant 0 : i32
        %get3A_140 = arith.index_cast %get3A_139 : i32 to index
        %get3A_141 = arith.constant 0 : index
        %get3A_142 = tpu.vector_load %arg12[%get3A_140, %get3A_141] {strides = array<i32>} : memref<2x64xi32, #tpu.memory_space<vmem>>, vector<16xi32>,
        tpu.vector_store_idx %arg16[%get3A_142], %gather3A {add = true} : memref<10000xf32, #tpu.memory_space<vmem>>[vector<16xi32>], vector<16xf32>,
        %get3A_143 = arith.constant 1 : i32
        %get3A_144 = arith.index_cast %get3A_143 : i32 to index
        %get3A_145 = arith.constant 16 : index
        %get3A_146 = tpu.vector_load %arg12[%get3A_144, %get3A_145] {strides = array<i32>} : memref<2x64xi32, #tpu.memory_space<vmem>>, vector<16xi32>,
        %gather3A_147 = tpu.vector_load_idx %arg15[%get3A_146] : memref<10000xf32, #tpu.memory_space<vmem>>[vector<16xi32>], vector<16xf32>,
        %get3A_148 = arith.constant 0 : i32
        %get3A_149 = arith.index_cast %get3A_148 : i32 to index
        %get3A_150 = arith.constant 16 : index
        %get3A_151 = tpu.vector_load %arg12[%get3A_149, %get3A_150] {strides = array<i32>} : memref<2x64xi32, #tpu.memory_space<vmem>>, vector<16xi32>,
        tpu.vector_store_idx %arg16[%get3A_151], %gather3A_147 {add = true} : memref<10000xf32, #tpu.memory_space<vmem>>[vector<16xi32>], vector<16xf32>,
        %get3A_152 = arith.constant 1 : i32
        %get3A_153 = arith.index_cast %get3A_152 : i32 to index
        %get3A_154 = arith.constant 32 : index
        %get3A_155 = tpu.vector_load %arg12[%get3A_153, %get3A_154] {strides = array<i32>} : memref<2x64xi32, #tpu.memory_space<vmem>>, vector<16xi32>,
        %gather3A_156 = tpu.vector_load_idx %arg15[%get3A_155] : memref<10000xf32, #tpu.memory_space<vmem>>[vector<16xi32>], vector<16xf32>,
        %get3A_157 = arith.constant 0 : i32
        %get3A_158 = arith.index_cast %get3A_157 : i32 to index
        %get3A_159 = arith.constant 32 : index
        %get3A_160 = tpu.vector_load %arg12[%get3A_158, %get3A_159] {strides = array<i32>} : memref<2x64xi32, #tpu.memory_space<vmem>>, vector<16xi32>,
        tpu.vector_store_idx %arg16[%get3A_160], %gather3A_156 {add = true} : memref<10000xf32, #tpu.memory_space<vmem>>[vector<16xi32>], vector<16xf32>,
        %get3A_161 = arith.constant 1 : i32
        %get3A_162 = arith.index_cast %get3A_161 : i32 to index
        %get3A_163 = arith.constant 48 : index
        %get3A_164 = tpu.vector_load %arg12[%get3A_162, %get3A_163] {strides = array<i32>} : memref<2x64xi32, #tpu.memory_space<vmem>>, vector<16xi32>,
        %gather3A_165 = tpu.vector_load_idx %arg15[%get3A_164] : memref<10000xf32, #tpu.memory_space<vmem>>[vector<16xi32>], vector<16xf32>,
        %get3A_166 = arith.constant 0 : i32
        %get3A_167 = arith.index_cast %get3A_166 : i32 to index
        %get3A_168 = arith.constant 48 : index
        %get3A_169 = tpu.vector_load %arg12[%get3A_167, %get3A_168] {strides = array<i32>} : memref<2x64xi32, #tpu.memory_space<vmem>>, vector<16xi32>,
        tpu.vector_store_idx %arg16[%get3A_169], %gather3A_165 {add = true} : memref<10000xf32, #tpu.memory_space<vmem>>[vector<16xi32>], vector<16xf32>,
        %dma_wait3A_170 = arith.constant 0 : i32
        %dma_wait3A_171 = arith.constant 0 : i32
        %dma_wait3A_172 = tpu.memref_slice %arg12[%dma_wait3A_170, %dma_wait3A_171] : memref<2x64xi32, #tpu.memory_space<vmem>> -> memref<1x64xi32, #tpu.memory_space<vmem>>
        %dma_wait3A_173 = tpu.memref_squeeze %dma_wait3A_172 : memref<1x64xi32, #tpu.memory_space<vmem>> -> memref<64xi32, #tpu.memory_space<vmem>>
        %dma_wait3A_174 = arith.constant 0 : i32
        %dma_wait3A_175 = arith.constant 0 : i32
        %dma_wait3A_176 = tpu.memref_slice %arg3[%dma_wait3A_174, %dma_wait3A_175] : memref<10000x128xf32, #tpu.memory_space<hbm>> -> memref<10000x128xf32, #tpu.memory_space<hbm>>
        tpu.wait_indirect_dma semaphore(%arg26 : memref<!tpu.dma_semaphore, #tpu.memory_space<semaphore_mem>>) src(%dma_wait3A_176 : memref<10000x128xf32, #tpu.memory_space<hbm>>) dst(%arg14 : memref<64x128xf32, #tpu.memory_space<vmem>>)
        %dma_start3A_177 = arith.constant 1 : i32
        %dma_start3A_178 = arith.constant 0 : i32
        %dma_start3A_179 = tpu.memref_slice %arg12[%dma_start3A_177, %dma_start3A_178] : memref<2x64xi32, #tpu.memory_space<vmem>> -> memref<1x64xi32, #tpu.memory_space<vmem>>
        %dma_start3A_180 = tpu.memref_squeeze %dma_start3A_179 : memref<1x64xi32, #tpu.memory_space<vmem>> -> memref<64xi32, #tpu.memory_space<vmem>>
        %dma_start3A_181 = arith.constant 0 : i32
        %dma_start3A_182 = arith.constant 0 : i32
        %dma_start3A_183 = tpu.memref_slice %arg19[%dma_start3A_181, %dma_start3A_182] : memref<10000x128xf32, #tpu.memory_space<vmem_shared>> -> memref<10000x128xf32, #tpu.memory_space<vmem_shared>>
        tpu.enqueue_indirect_dma source(%arg14 : memref<64x128xf32, #tpu.memory_space<vmem>>) target(%dma_start3A_183 : memref<10000x128xf32, #tpu.memory_space<vmem_shared>>) offsets(%dma_start3A_180 : memref<64xi32, #tpu.memory_space<vmem>>) semaphore(%arg28 : memref<!tpu.dma_semaphore, #tpu.memory_space<semaphore_mem>>) {add = true}
        %add3A_184 = arith.constant 1 : i32
        %add3A_185 = arith.addi %add3A_125, %add3A_184 : i32
        %lt3A_186 = arith.cmpi slt, %add3A_185, %add3A_20 : i32
        %convert_element_type3A_187 = arith.extui %lt3A_186 : i1 to i32
        %cond3A_188 = arith.constant 0 : i32
        %cond3A_189 = arith.cmpi ne, %convert_element_type3A_187, %cond3A_188 : i32
        scf.if %cond3A_189 {
          %ge3A = arith.constant 1 : i32
          %ge3A_190 = arith.cmpi sge, %add3A_125, %ge3A : i32
          %convert_element_type3A_191 = arith.extui %ge3A_190 : i1 to i32
          %cond3A_192 = arith.constant 0 : i32
          %cond3A_193 = arith.cmpi ne, %convert_element_type3A_191, %cond3A_192 : i32
          scf.if %cond3A_193 {
            %dma_wait3A_210 = arith.constant 1 : i32
            %dma_wait3A_211 = arith.constant 0 : i32
            %dma_wait3A_212 = tpu.memref_slice %arg9[%dma_wait3A_210, %dma_wait3A_211] : memref<2x64xi32, #tpu.memory_space<vmem>> -> memref<1x64xi32, #tpu.memory_space<vmem>>
            %dma_wait3A_213 = tpu.memref_squeeze %dma_wait3A_212 : memref<1x64xi32, #tpu.memory_space<vmem>> -> memref<64xi32, #tpu.memory_space<vmem>>
            %dma_wait3A_214 = arith.constant 0 : i32
            %dma_wait3A_215 = arith.constant 0 : i32
            %dma_wait3A_216 = tpu.memref_slice %arg19[%dma_wait3A_214, %dma_wait3A_215] : memref<10000x128xf32, #tpu.memory_space<vmem_shared>> -> memref<10000x128xf32, #tpu.memory_space<vmem_shared>>
            tpu.wait_indirect_dma semaphore(%arg27 : memref<!tpu.dma_semaphore, #tpu.memory_space<semaphore_mem>>) src(%arg13 : memref<64x128xf32, #tpu.memory_space<vmem>>) dst(%dma_wait3A_216 : memref<10000x128xf32, #tpu.memory_space<vmem_shared>>)
          } else {
          }
          %dma_wait3A_194 = arith.constant 0 : i32
          %dma_wait3A_195 = arith.constant 0 : i32
          %dma_wait3A_196 = arith.constant 0 : i32
          %dma_wait3A_197 = tpu.memref_slice %arg2[%dma_wait3A_195, %dma_wait3A_194, %dma_wait3A_196] : memref<2x5000x64xi32, #tpu.memory_space<hbm>> -> memref<2x1x64xi32, #tpu.memory_space<hbm>>
          %dma_wait3A_198 = tpu.memref_squeeze %dma_wait3A_197 : memref<2x1x64xi32, #tpu.memory_space<hbm>> -> memref<2x64xi32, #tpu.memory_space<hbm>>
          %dma_wait3A_199 = arith.constant 0 : i32
          %dma_wait3A_200 = arith.constant 0 : i32
          %dma_wait3A_201 = tpu.memref_slice %arg2[%dma_wait3A_199, %dma_wait3A_194, %dma_wait3A_200] : memref<2x5000x64xi32, #tpu.memory_space<hbm>> -> memref<2x1x64xi32, #tpu.memory_space<hbm>>
          %dma_wait3A_202 = tpu.memref_squeeze %dma_wait3A_201 : memref<2x1x64xi32, #tpu.memory_space<hbm>> -> memref<2x64xi32, #tpu.memory_space<hbm>>
          tpu.wait_dma2 semaphore(%arg21 : memref<!tpu.dma_semaphore, #tpu.memory_space<semaphore_mem>>) src(%dma_wait3A_202 : memref<2x64xi32, #tpu.memory_space<hbm>>) dst(%arg9 : memref<2x64xi32, #tpu.memory_space<vmem>>)
          %dma_start3A_203 = arith.constant 0 : i32
          %dma_start3A_204 = arith.constant 0 : i32
          %dma_start3A_205 = tpu.memref_slice %arg9[%dma_start3A_203, %dma_start3A_204] : memref<2x64xi32, #tpu.memory_space<vmem>> -> memref<1x64xi32, #tpu.memory_space<vmem>>
          %dma_start3A_206 = tpu.memref_squeeze %dma_start3A_205 : memref<1x64xi32, #tpu.memory_space<vmem>> -> memref<64xi32, #tpu.memory_space<vmem>>
          %dma_start3A_207 = arith.constant 0 : i32
          %dma_start3A_208 = arith.constant 0 : i32
          %dma_start3A_209 = tpu.memref_slice %arg3[%dma_start3A_207, %dma_start3A_208] : memref<10000x128xf32, #tpu.memory_space<hbm>> -> memref<10000x128xf32, #tpu.memory_space<hbm>>
          tpu.enqueue_indirect_dma source(%dma_start3A_209 : memref<10000x128xf32, #tpu.memory_space<hbm>>) target(%arg13 : memref<64x128xf32, #tpu.memory_space<vmem>>) offsets(%dma_start3A_206 : memref<64xi32, #tpu.memory_space<vmem>>) semaphore(%arg25 : memref<!tpu.dma_semaphore, #tpu.memory_space<semaphore_mem>>)
        } else {
        }
      } else {
      }
    }
    %dma_wait3A_75 = arith.constant 1 : i32
    %dma_wait3A_76 = arith.constant 0 : i32
    %dma_wait3A_77 = tpu.memref_slice %arg9[%dma_wait3A_75, %dma_wait3A_76] : memref<2x64xi32, #tpu.memory_space<vmem>> -> memref<1x64xi32, #tpu.memory_space<vmem>>
    %dma_wait3A_78 = tpu.memref_squeeze %dma_wait3A_77 : memref<1x64xi32, #tpu.memory_space<vmem>> -> memref<64xi32, #tpu.memory_space<vmem>>
    %dma_wait3A_79 = arith.constant 0 : i32
    %dma_wait3A_80 = arith.constant 0 : i32
    %dma_wait3A_81 = tpu.memref_slice %arg19[%dma_wait3A_79, %dma_wait3A_80] : memref<10000x128xf32, #tpu.memory_space<vmem_shared>> -> memref<10000x128xf32, #tpu.memory_space<vmem_shared>>
    tpu.wait_indirect_dma semaphore(%arg27 : memref<!tpu.dma_semaphore, #tpu.memory_space<semaphore_mem>>) src(%arg13 : memref<64x128xf32, #tpu.memory_space<vmem>>) dst(%dma_wait3A_81 : memref<10000x128xf32, #tpu.memory_space<vmem_shared>>)
    %dma_wait3A_82 = arith.constant 1 : i32
    %dma_wait3A_83 = arith.constant 0 : i32
    %dma_wait3A_84 = tpu.memref_slice %arg10[%dma_wait3A_82, %dma_wait3A_83] : memref<2x64xi32, #tpu.memory_space<vmem>> -> memref<1x64xi32, #tpu.memory_space<vmem>>
    %dma_wait3A_85 = tpu.memref_squeeze %dma_wait3A_84 : memref<1x64xi32, #tpu.memory_space<vmem>> -> memref<64xi32, #tpu.memory_space<vmem>>
    %dma_wait3A_86 = arith.constant 0 : i32
    %dma_wait3A_87 = arith.constant 0 : i32
    %dma_wait3A_88 = tpu.memref_slice %arg19[%dma_wait3A_86, %dma_wait3A_87] : memref<10000x128xf32, #tpu.memory_space<vmem_shared>> -> memref<10000x128xf32, #tpu.memory_space<vmem_shared>>
    tpu.wait_indirect_dma semaphore(%arg28 : memref<!tpu.dma_semaphore, #tpu.memory_space<semaphore_mem>>) src(%arg14 : memref<64x128xf32, #tpu.memory_space<vmem>>) dst(%dma_wait3A_88 : memref<10000x128xf32, #tpu.memory_space<vmem_shared>>)
    %barrier3A_89 = arith.constant 0 : index
    tpu.barrier barrier_id(%barrier3A_89)
    %lt3A_90 = arith.constant 10 : i32
    %lt3A_91 = arith.cmpi slt, %arg1, %lt3A_90 : i32
    %convert_element_type3A_92 = arith.extui %lt3A_91 : i1 to i32
    %cond3A_93 = arith.constant 0 : i32
    %cond3A_94 = arith.cmpi ne, %convert_element_type3A_92, %cond3A_93 : i32
    scf.if %cond3A_94 {
      %mul3A_103 = arith.constant 1000 : i32
      %mul3A_104 = arith.muli %arg1, %mul3A_103 : i32
      %mul3A_105 = arith.constant 1000 : i32
      %mul3A_106 = arith.muli %arg1, %mul3A_105 : i32
      "tpu.region"() ({
        %run_scoped3A = tpu.sem_alloc : memref<!tpu.dma_semaphore, #tpu.memory_space<semaphore_mem>>
        %dma_start3A_107 = arith.constant 0 : i32
        %dma_start3A_108 = tpu.memref_slice %arg7[%arg0, %mul3A_106, %dma_start3A_107] : memref<2x10000x128xf32, #tpu.memory_space<hbm>> -> memref<1x1000x128xf32, #tpu.memory_space<hbm>>
        %dma_start3A_109 = tpu.memref_squeeze %dma_start3A_108 : memref<1x1000x128xf32, #tpu.memory_space<hbm>> -> memref<1000x128xf32, #tpu.memory_space<hbm>>
        %dma_start3A_110 = arith.constant 0 : i32
        %dma_start3A_111 = tpu.memref_slice %arg19[%mul3A_104, %dma_start3A_110] : memref<10000x128xf32, #tpu.memory_space<vmem_shared>> -> memref<1000x128xf32, #tpu.memory_space<vmem_shared>>
        tpu.enqueue_dma source(%dma_start3A_111 : memref<1000x128xf32, #tpu.memory_space<vmem_shared>>) target(%dma_start3A_109 : memref<1000x128xf32, #tpu.memory_space<hbm>>) target_semaphore(%run_scoped3A : memref<!tpu.dma_semaphore, #tpu.memory_space<semaphore_mem>>)
        %dma_wait3A_112 = arith.constant 0 : i32
        %dma_wait3A_113 = tpu.memref_slice %arg7[%arg0, %mul3A_106, %dma_wait3A_112] : memref<2x10000x128xf32, #tpu.memory_space<hbm>> -> memref<1x1000x128xf32, #tpu.memory_space<hbm>>
        %dma_wait3A_114 = tpu.memref_squeeze %dma_wait3A_113 : memref<1x1000x128xf32, #tpu.memory_space<hbm>> -> memref<1000x128xf32, #tpu.memory_space<hbm>>
        %dma_wait3A_115 = arith.constant 0 : i32
        %dma_wait3A_116 = tpu.memref_slice %arg19[%mul3A_104, %dma_wait3A_115] : memref<10000x128xf32, #tpu.memory_space<vmem_shared>> -> memref<1000x128xf32, #tpu.memory_space<vmem_shared>>
        tpu.wait_dma2 semaphore(%run_scoped3A : memref<!tpu.dma_semaphore, #tpu.memory_space<semaphore_mem>>) src(%dma_wait3A_116 : memref<1000x128xf32, #tpu.memory_space<vmem_shared>>) dst(%dma_wait3A_114 : memref<1000x128xf32, #tpu.memory_space<hbm>>)
        tpu.yield
      }) : () -> ()
    } else {
    }
    %mul3A_95 = arith.constant 10000 : i32
    %mul3A_96 = arith.muli %arg1, %mul3A_95 : i32
    "tpu.region"() ({
      %run_scoped3A = tpu.sem_alloc : memref<!tpu.dma_semaphore, #tpu.memory_space<semaphore_mem>>
      %dma_start3A_103 = tpu.memref_slice %arg20[%mul3A_96] : memref<160000xf32, #tpu.memory_space<vmem_shared>> -> memref<10000xf32, #tpu.memory_space<vmem_shared>>
      %dma_start3A_104 = tpu.memref_slice %arg20[%mul3A_96] : memref<160000xf32, #tpu.memory_space<vmem_shared>> -> memref<10000xf32, #tpu.memory_space<vmem_shared>>
      tpu.enqueue_dma source(%arg16 : memref<10000xf32, #tpu.memory_space<vmem>>) target(%dma_start3A_104 : memref<10000xf32, #tpu.memory_space<vmem_shared>>) target_semaphore(%run_scoped3A : memref<!tpu.dma_semaphore, #tpu.memory_space<semaphore_mem>>)
      %dma_wait3A_105 = tpu.memref_slice %arg20[%mul3A_96] : memref<160000xf32, #tpu.memory_space<vmem_shared>> -> memref<10000xf32, #tpu.memory_space<vmem_shared>>
      %dma_wait3A_106 = tpu.memref_slice %arg20[%mul3A_96] : memref<160000xf32, #tpu.memory_space<vmem_shared>> -> memref<10000xf32, #tpu.memory_space<vmem_shared>>
      tpu.wait_dma2 semaphore(%run_scoped3A : memref<!tpu.dma_semaphore, #tpu.memory_space<semaphore_mem>>) src(%arg16 : memref<10000xf32, #tpu.memory_space<vmem>>) dst(%dma_wait3A_106 : memref<10000xf32, #tpu.memory_space<vmem_shared>>)
      tpu.yield
    }) : () -> ()
    %barrier3A_97 = arith.constant 0 : index
    tpu.barrier barrier_id(%barrier3A_97)
    %lt3A_98 = arith.constant 10 : i32
    %lt3A_99 = arith.cmpi slt, %arg1, %lt3A_98 : i32
    %convert_element_type3A_100 = arith.extui %lt3A_99 : i1 to i32
    %cond3A_101 = arith.constant 0 : i32
    %cond3A_102 = arith.cmpi ne, %convert_element_type3A_100, %cond3A_101 : i32
    scf.if %cond3A_102 {
      %mul3A_103 = arith.constant 1000 : i32
      %mul3A_104 = arith.muli %arg1, %mul3A_103 : i32
      %broadcast_in_dim3A = arith.constant 0.000000e+00 : f32
      %broadcast_in_dim3A_105 = vector.broadcast %broadcast_in_dim3A : f32 to vector<16xf32>
      %swap3A = arith.constant 992 : index
      %swap3A_106 = tpu.vector_load %arg17[%swap3A] {strides = array<i32>} : memref<1008xf32, #tpu.memory_space<vmem>>, vector<16xf32>,
      tpu.vector_store %arg17[%swap3A], %broadcast_in_dim3A_105 {strides = array<i32>} : memref<1008xf32, #tpu.memory_space<vmem>>, vector<16xf32>,
      %swap3A_107 = arith.constant 992 : index
      %swap3A_108 = tpu.vector_load %arg18[%swap3A_107] {strides = array<i32>} : memref<1008xf32, #tpu.memory_space<vmem>>, vector<16xf32>,
      tpu.vector_store %arg18[%swap3A_107], %broadcast_in_dim3A_105 {strides = array<i32>} : memref<1008xf32, #tpu.memory_space<vmem>>, vector<16xf32>,
      "tpu.region"() ({
        %run_scoped3A = tpu.sem_alloc : memref<!tpu.dma_semaphore, #tpu.memory_space<semaphore_mem>>
        %dma_start3A_116 = arith.constant 0 : i32
        %dma_start3A_117 = tpu.memref_slice %arg18[%dma_start3A_116] : memref<1008xf32, #tpu.memory_space<vmem>> -> memref<1000xf32, #tpu.memory_space<vmem>>
        %dma_start3A_118 = tpu.memref_slice %arg20[%mul3A_104] : memref<160000xf32, #tpu.memory_space<vmem_shared>> -> memref<1000xf32, #tpu.memory_space<vmem_shared>>
        %dma_start3A_119 = arith.constant 0 : i32
        %dma_start3A_120 = tpu.memref_slice %arg18[%dma_start3A_119] : memref<1008xf32, #tpu.memory_space<vmem>> -> memref<1000xf32, #tpu.memory_space<vmem>>
        %dma_start3A_121 = tpu.memref_slice %arg20[%mul3A_104] : memref<160000xf32, #tpu.memory_space<vmem_shared>> -> memref<1000xf32, #tpu.memory_space<vmem_shared>>
        tpu.enqueue_dma source(%dma_start3A_121 : memref<1000xf32, #tpu.memory_space<vmem_shared>>) target(%dma_start3A_120 : memref<1000xf32, #tpu.memory_space<vmem>>) target_semaphore(%run_scoped3A : memref<!tpu.dma_semaphore, #tpu.memory_space<semaphore_mem>>)
        %dma_wait3A_122 = arith.constant 0 : i32
        %dma_wait3A_123 = tpu.memref_slice %arg18[%dma_wait3A_122] : memref<1008xf32, #tpu.memory_space<vmem>> -> memref<1000xf32, #tpu.memory_space<vmem>>
        %dma_wait3A_124 = tpu.memref_slice %arg20[%mul3A_104] : memref<160000xf32, #tpu.memory_space<vmem_shared>> -> memref<1000xf32, #tpu.memory_space<vmem_shared>>
        %dma_wait3A_125 = arith.constant 0 : i32
        %dma_wait3A_126 = tpu.memref_slice %arg18[%dma_wait3A_125] : memref<1008xf32, #tpu.memory_space<vmem>> -> memref<1000xf32, #tpu.memory_space<vmem>>
        %dma_wait3A_127 = tpu.memref_slice %arg20[%mul3A_104] : memref<160000xf32, #tpu.memory_space<vmem_shared>> -> memref<1000xf32, #tpu.memory_space<vmem_shared>>
        tpu.wait_dma2 semaphore(%run_scoped3A : memref<!tpu.dma_semaphore, #tpu.memory_space<semaphore_mem>>) src(%dma_wait3A_127 : memref<1000xf32, #tpu.memory_space<vmem_shared>>) dst(%dma_wait3A_126 : memref<1000xf32, #tpu.memory_space<vmem>>)
        tpu.yield
      }) : () -> ()
      %scan3A = arith.constant 0 : i32
      %scan3A_109 = arith.constant 15 : i32
      %scan3A_110 = arith.addi %scan3A, %scan3A_109 : i32
      %scan3A_111 = arith.constant 1 : i32
      scf.for %scan3A_116 = %scan3A to %scan3A_110 step %scan3A_111  : i32 {
        %mul3A_117 = arith.constant 1 : i32
        %mul3A_118 = arith.muli %scan3A_116, %mul3A_117 : i32
        %add3A_119 = arith.constant 1 : i32
        %add3A_120 = arith.addi %add3A_119, %mul3A_118 : i32
        %mul3A_121 = arith.constant 10000 : i32
        %mul3A_122 = arith.muli %add3A_120, %mul3A_121 : i32
        %add3A_123 = arith.addi %mul3A_122, %mul3A_104 : i32
        "tpu.region"() ({
          %run_scoped3A = tpu.sem_alloc : memref<!tpu.dma_semaphore, #tpu.memory_space<semaphore_mem>>
          %dma_start3A_129 = arith.constant 0 : i32
          %dma_start3A_130 = tpu.memref_slice %arg17[%dma_start3A_129] : memref<1008xf32, #tpu.memory_space<vmem>> -> memref<1000xf32, #tpu.memory_space<vmem>>
          %dma_start3A_131 = tpu.memref_slice %arg20[%add3A_123] : memref<160000xf32, #tpu.memory_space<vmem_shared>> -> memref<1000xf32, #tpu.memory_space<vmem_shared>>
          %dma_start3A_132 = arith.constant 0 : i32
          %dma_start3A_133 = tpu.memref_slice %arg17[%dma_start3A_132] : memref<1008xf32, #tpu.memory_space<vmem>> -> memref<1000xf32, #tpu.memory_space<vmem>>
          %dma_start3A_134 = tpu.memref_slice %arg20[%add3A_123] : memref<160000xf32, #tpu.memory_space<vmem_shared>> -> memref<1000xf32, #tpu.memory_space<vmem_shared>>
          tpu.enqueue_dma source(%dma_start3A_134 : memref<1000xf32, #tpu.memory_space<vmem_shared>>) target(%dma_start3A_133 : memref<1000xf32, #tpu.memory_space<vmem>>) target_semaphore(%run_scoped3A : memref<!tpu.dma_semaphore, #tpu.memory_space<semaphore_mem>>)
          %dma_wait3A_135 = arith.constant 0 : i32
          %dma_wait3A_136 = tpu.memref_slice %arg17[%dma_wait3A_135] : memref<1008xf32, #tpu.memory_space<vmem>> -> memref<1000xf32, #tpu.memory_space<vmem>>
          %dma_wait3A_137 = tpu.memref_slice %arg20[%add3A_123] : memref<160000xf32, #tpu.memory_space<vmem_shared>> -> memref<1000xf32, #tpu.memory_space<vmem_shared>>
          %dma_wait3A_138 = arith.constant 0 : i32
          %dma_wait3A_139 = tpu.memref_slice %arg17[%dma_wait3A_138] : memref<1008xf32, #tpu.memory_space<vmem>> -> memref<1000xf32, #tpu.memory_space<vmem>>
          %dma_wait3A_140 = tpu.memref_slice %arg20[%add3A_123] : memref<160000xf32, #tpu.memory_space<vmem_shared>> -> memref<1000xf32, #tpu.memory_space<vmem_shared>>
          tpu.wait_dma2 semaphore(%run_scoped3A : memref<!tpu.dma_semaphore, #tpu.memory_space<semaphore_mem>>) src(%dma_wait3A_140 : memref<1000xf32, #tpu.memory_space<vmem_shared>>) dst(%dma_wait3A_139 : memref<1000xf32, #tpu.memory_space<vmem>>)
          tpu.yield
        }) : () -> ()
        %scan3A_124 = arith.constant 0 : i32
        %scan3A_125 = arith.constant 63 : i32
        %scan3A_126 = arith.addi %scan3A_124, %scan3A_125 : i32
        %scan3A_127 = arith.constant 1 : i32
        scf.for %scan3A_129 = %scan3A_124 to %scan3A_126 step %scan3A_127  : i32 {
          %mul3A_130 = arith.constant 1 : i32
          %mul3A_131 = arith.muli %scan3A_129, %mul3A_130 : i32
          %add3A_132 = arith.constant 0 : i32
          %add3A_133 = arith.addi %add3A_132, %mul3A_131 : i32
          %mul3A_134 = arith.constant 16 : i32
          %mul3A_135 = arith.muli %add3A_133, %mul3A_134 : i32
          %get3A = arith.index_cast %mul3A_135 : i32 to index
          %get3A_136 = tpu.vector_load %arg18[%get3A] {strides = array<i32>} : memref<1008xf32, #tpu.memory_space<vmem>>, vector<16xf32>,
          %get3A_137 = arith.index_cast %mul3A_135 : i32 to index
          %get3A_138 = tpu.vector_load %arg17[%get3A_137] {strides = array<i32>} : memref<1008xf32, #tpu.memory_space<vmem>>, vector<16xf32>,
          %add3A_139 = arith.addf %get3A_136, %get3A_138 : vector<16xf32>
          %swap3A_140 = arith.index_cast %mul3A_135 : i32 to index
          %swap3A_141 = tpu.vector_load %arg18[%swap3A_140] {strides = array<i32>} : memref<1008xf32, #tpu.memory_space<vmem>>, vector<16xf32>,
          tpu.vector_store %arg18[%swap3A_140], %add3A_139 {strides = array<i32>} : memref<1008xf32, #tpu.memory_space<vmem>>, vector<16xf32>,
        }
        %scan3A_128 = arith.constant 63 : i32
      }
      %scan3A_112 = arith.constant 15 : i32
      %mul3A_113 = arith.constant 10000 : i32
      %mul3A_114 = arith.muli %arg0, %mul3A_113 : i32
      %add3A_115 = arith.addi %mul3A_114, %mul3A_104 : i32
      "tpu.region"() ({
        %run_scoped3A = tpu.sem_alloc : memref<!tpu.dma_semaphore, #tpu.memory_space<semaphore_mem>>
        %dma_start3A_116 = arith.constant 0 : i32
        %dma_start3A_117 = tpu.memref_slice %arg18[%dma_start3A_116] : memref<1008xf32, #tpu.memory_space<vmem>> -> memref<1000xf32, #tpu.memory_space<vmem>>
        %dma_start3A_118 = tpu.memref_slice %arg8[%add3A_115] : memref<20000xf32, #tpu.memory_space<hbm>> -> memref<1000xf32, #tpu.memory_space<hbm>>
        %dma_start3A_119 = tpu.memref_slice %arg8[%add3A_115] : memref<20000xf32, #tpu.memory_space<hbm>> -> memref<1000xf32, #tpu.memory_space<hbm>>
        %dma_start3A_120 = arith.constant 0 : i32
        %dma_start3A_121 = tpu.memref_slice %arg18[%dma_start3A_120] : memref<1008xf32, #tpu.memory_space<vmem>> -> memref<1000xf32, #tpu.memory_space<vmem>>
        tpu.enqueue_dma source(%dma_start3A_121 : memref<1000xf32, #tpu.memory_space<vmem>>) target(%dma_start3A_119 : memref<1000xf32, #tpu.memory_space<hbm>>) target_semaphore(%run_scoped3A : memref<!tpu.dma_semaphore, #tpu.memory_space<semaphore_mem>>)
        %dma_wait3A_122 = arith.constant 0 : i32
        %dma_wait3A_123 = tpu.memref_slice %arg18[%dma_wait3A_122] : memref<1008xf32, #tpu.memory_space<vmem>> -> memref<1000xf32, #tpu.memory_space<vmem>>
        %dma_wait3A_124 = tpu.memref_slice %arg8[%add3A_115] : memref<20000xf32, #tpu.memory_space<hbm>> -> memref<1000xf32, #tpu.memory_space<hbm>>
        %dma_wait3A_125 = tpu.memref_slice %arg8[%add3A_115] : memref<20000xf32, #tpu.memory_space<hbm>> -> memref<1000xf32, #tpu.memory_space<hbm>>
        %dma_wait3A_126 = arith.constant 0 : i32
        %dma_wait3A_127 = tpu.memref_slice %arg18[%dma_wait3A_126] : memref<1008xf32, #tpu.memory_space<vmem>> -> memref<1000xf32, #tpu.memory_space<vmem>>
        tpu.wait_dma2 semaphore(%run_scoped3A : memref<!tpu.dma_semaphore, #tpu.memory_space<semaphore_mem>>) src(%dma_wait3A_127 : memref<1000xf32, #tpu.memory_space<vmem>>) dst(%dma_wait3A_125 : memref<1000xf32, #tpu.memory_space<hbm>>)
        tpu.yield
      }) : () -> ()
    } else {
    }
    return
  }
}

module attributes {stable_mosaic.version = 14 : i64} {
  func.func @_mm_body(%arg0: i32, %arg1: memref<1000x128xf32, #tpu.memory_space<vmem>>, %arg2: memref<128x128xf32, #tpu.memory_space<vmem>>, %arg3: memref<1000x1xf32, #tpu.memory_space<vmem>>, %arg4: memref<1000x128xf32, #tpu.memory_space<vmem>>) attributes {dimension_semantics = [#tpu.dimension_semantics<arbitrary>], iteration_bounds = array<i64: 10>, scalar_prefetch = 0 : i64, scratch_operands = 0 : i64, tpu.core_type = #tpu.core_type<tc>, window_params = [{transform_indices = @transform_0, window_bounds = array<i64: 1000, 128>}, {pipeline_mode = #tpu.pipeline_mode<synchronous>, transform_indices = @transform_1, window_bounds = array<i64: 128, 128>}, {transform_indices = @transform_2, window_bounds = array<i64: 1000, 1>}, {transform_indices = @transform_3, window_bounds = array<i64: 1000, 128>}]} {
    %get3A = arith.constant 0 : index
    %get3A_0 = arith.constant 0 : index
    %get3A_1 = vector.load %arg1[%get3A, %get3A_0] : memref<1000x128xf32, #tpu.memory_space<vmem>>, vector<1000x128xf32>
    %get3A_2 = arith.constant 0 : index
    %get3A_3 = arith.constant 0 : index
    %get3A_4 = vector.load %arg2[%get3A_2, %get3A_3] : memref<128x128xf32, #tpu.memory_space<vmem>>, vector<128x128xf32>
    %dot_general3A = arith.constant dense<0.000000e+00> : vector<1000x128xf32>
    %dot_general3A_5 = tpu.matmul %get3A_1, %get3A_4, %dot_general3A {dimension_numbers = #tpu.dot_dimension_numbers<[1], [0], [0], [1], [0, 0, 1, 1], [], []>, transpose_lhs_hint = false} : vector<1000x128xf32>, vector<128x128xf32>, vector<1000x128xf32> -> vector<1000x128xf32>
    %get3A_6 = arith.constant 0 : index
    %get3A_7 = arith.constant 0 : index
    %get3A_8 = vector.load %arg3[%get3A_6, %get3A_7] : memref<1000x1xf32, #tpu.memory_space<vmem>>, vector<1000x1xf32>
    %mul3A = vector.broadcast %get3A_8 : vector<1000x1xf32> to vector<1000x128xf32>
    %mul3A_9 = arith.mulf %dot_general3A_5, %mul3A : vector<1000x128xf32>
    %swap3A = arith.constant 0 : index
    %swap3A_10 = arith.constant 0 : index
    %swap3A_11 = vector.load %arg4[%swap3A, %swap3A_10] : memref<1000x128xf32, #tpu.memory_space<vmem>>, vector<1000x128xf32>
    tpu.vector_store %arg4[%swap3A, %swap3A_10], %mul3A_9 {strides = array<i32>} : memref<1000x128xf32, #tpu.memory_space<vmem>>, vector<1000x128xf32>,
    return
  }
  func.func @transform_0(%arg0: i32) -> (i32, i32) {
    %c0_i32 = arith.constant 0 : i32
    %c0_i32_0 = arith.constant 0 : i32
    return %arg0, %c0_i32 : i32, i32
  }
  func.func @transform_1(%arg0: i32) -> (i32, i32) {
    %c0_i32 = arith.constant 0 : i32
    %c0_i32_0 = arith.constant 0 : i32
    %c0_i32_1 = arith.constant 0 : i32
    return %c0_i32, %c0_i32_0 : i32, i32
  }
  func.func @transform_2(%arg0: i32) -> (i32, i32) {
    %c0_i32 = arith.constant 0 : i32
    %c0_i32_0 = arith.constant 0 : i32
    return %arg0, %c0_i32 : i32, i32
  }
  func.func @transform_3(%arg0: i32) -> (i32, i32) {
    %c0_i32 = arith.constant 0 : i32
    %c0_i32_0 = arith.constant 0 : i32
    return %arg0, %c0_i32 : i32, i32
  }
}

module attributes {stable_mosaic.version = 14 : i64} {
  func.func @_final_body(%arg0: i32, %arg1: memref<1000x128xf32, #tpu.memory_space<vmem>>, %arg2: memref<1000x128xf32, #tpu.memory_space<vmem>>, %arg3: memref<1000x128xf32, #tpu.memory_space<vmem>>, %arg4: memref<1000x1xf32, #tpu.memory_space<vmem>>, %arg5: memref<1000x1xf32, #tpu.memory_space<vmem>>, %arg6: memref<1000x1xf32, #tpu.memory_space<vmem>>, %arg7: memref<1x128xf32, #tpu.memory_space<vmem>>, %arg8: memref<128x128xf32, #tpu.memory_space<vmem>>, %arg9: memref<1x128xf32, #tpu.memory_space<vmem>>, %arg10: memref<1x128xf32, #tpu.memory_space<vmem>>, %arg11: memref<1x128xf32, #tpu.memory_space<vmem>>) attributes {dimension_semantics = [#tpu.dimension_semantics<arbitrary>], iteration_bounds = array<i64: 10>, scalar_prefetch = 0 : i64, scratch_operands = 1 : i64, tpu.core_type = #tpu.core_type<tc>, window_params = [{transform_indices = @transform_0, window_bounds = array<i64: 1000, 128>}, {transform_indices = @transform_1, window_bounds = array<i64: 1000, 128>}, {transform_indices = @transform_2, window_bounds = array<i64: 1000, 128>}, {transform_indices = @transform_3, window_bounds = array<i64: 1000, 1>}, {transform_indices = @transform_4, window_bounds = array<i64: 1000, 1>}, {transform_indices = @transform_5, window_bounds = array<i64: 1000, 1>}, {pipeline_mode = #tpu.pipeline_mode<synchronous>, transform_indices = @transform_6, window_bounds = array<i64: 1, 128>}, {pipeline_mode = #tpu.pipeline_mode<synchronous>, transform_indices = @transform_7, window_bounds = array<i64: 128, 128>}, {pipeline_mode = #tpu.pipeline_mode<synchronous>, transform_indices = @transform_8, window_bounds = array<i64: 1, 128>}, {pipeline_mode = #tpu.pipeline_mode<synchronous>, transform_indices = @transform_9, window_bounds = array<i64: 1, 128>}]} {
    %eq3A = arith.constant 0 : i32
    %eq3A_0 = arith.cmpi eq, %arg0, %eq3A : i32
    %convert_element_type3A = arith.extui %eq3A_0 : i1 to i32
    %cond3A = arith.constant 0 : i32
    %cond3A_1 = arith.cmpi ne, %convert_element_type3A, %cond3A : i32
    scf.if %cond3A_1 {
      %broadcast_in_dim3A_46 = arith.constant 0.000000e+00 : f32
      %broadcast_in_dim3A_47 = vector.broadcast %broadcast_in_dim3A_46 : f32 to vector<1x128xf32>
      %swap3A_48 = arith.constant 0 : index
      %swap3A_49 = arith.constant 0 : index
      %swap3A_50 = vector.load %arg11[%swap3A_48, %swap3A_49] : memref<1x128xf32, #tpu.memory_space<vmem>>, vector<1x128xf32>
      tpu.vector_store %arg11[%swap3A_48, %swap3A_49], %broadcast_in_dim3A_47 {strides = array<i32>} : memref<1x128xf32, #tpu.memory_space<vmem>>, vector<1x128xf32>,
    } else {
    }
    %get3A = arith.constant 0 : index
    %get3A_2 = arith.constant 0 : index
    %get3A_3 = vector.load %arg4[%get3A, %get3A_2] : memref<1000x1xf32, #tpu.memory_space<vmem>>, vector<1000x1xf32>
    %get3A_4 = arith.constant 0 : index
    %get3A_5 = arith.constant 0 : index
    %get3A_6 = vector.load %arg1[%get3A_4, %get3A_5] : memref<1000x128xf32, #tpu.memory_space<vmem>>, vector<1000x128xf32>
    %get3A_7 = arith.constant 0 : index
    %get3A_8 = arith.constant 0 : index
    %get3A_9 = vector.load %arg2[%get3A_7, %get3A_8] : memref<1000x128xf32, #tpu.memory_space<vmem>>, vector<1000x128xf32>
    %add3A = arith.addf %get3A_6, %get3A_9 : vector<1000x128xf32>
    %get3A_10 = arith.constant 0 : index
    %get3A_11 = arith.constant 0 : index
    %get3A_12 = vector.load %arg3[%get3A_10, %get3A_11] : memref<1000x128xf32, #tpu.memory_space<vmem>>, vector<1000x128xf32>
    %add3A_13 = arith.addf %add3A, %get3A_12 : vector<1000x128xf32>
    %mul3A = vector.broadcast %get3A_3 : vector<1000x1xf32> to vector<1000x128xf32>
    %mul3A_14 = arith.mulf %add3A_13, %mul3A : vector<1000x128xf32>
    %get3A_15 = arith.constant 0 : index
    %get3A_16 = arith.constant 0 : index
    %get3A_17 = vector.load %arg7[%get3A_15, %get3A_16] : memref<1x128xf32, #tpu.memory_space<vmem>>, vector<1x128xf32>
    %add3A_18 = vector.broadcast %get3A_17 : vector<1x128xf32> to vector<1000x128xf32>
    %add3A_19 = arith.addf %mul3A_14, %add3A_18 : vector<1000x128xf32>
    %max3A = arith.constant 0.000000e+00 : f32
    %max3A_20 = vector.broadcast %max3A : f32 to vector<1000x128xf32>
    %max3A_21 = arith.maximumf %add3A_19, %max3A_20 : vector<1000x128xf32>
    %get3A_22 = arith.constant 0 : index
    %get3A_23 = arith.constant 0 : index
    %get3A_24 = vector.load %arg5[%get3A_22, %get3A_23] : memref<1000x1xf32, #tpu.memory_space<vmem>>, vector<1000x1xf32>
    %get3A_25 = arith.constant 0 : index
    %get3A_26 = arith.constant 0 : index
    %get3A_27 = vector.load %arg6[%get3A_25, %get3A_26] : memref<1000x1xf32, #tpu.memory_space<vmem>>, vector<1000x1xf32>
    %add3A_28 = arith.addf %get3A_24, %get3A_27 : vector<1000x1xf32>
    %mul3A_29 = arith.mulf %get3A_3, %add3A_28 : vector<1000x1xf32>
    %mul3A_30 = arith.mulf %get3A_3, %get3A_3 : vector<1000x1xf32>
    %add3A_31 = arith.addf %mul3A_29, %mul3A_30 : vector<1000x1xf32>
    %get3A_32 = arith.constant 0 : index
    %get3A_33 = arith.constant 0 : index
    %get3A_34 = vector.load %arg11[%get3A_32, %get3A_33] : memref<1x128xf32, #tpu.memory_space<vmem>>, vector<1x128xf32>
    %mul3A_35 = vector.broadcast %add3A_31 : vector<1000x1xf32> to vector<1000x128xf32>
    %mul3A_36 = arith.mulf %mul3A_35, %max3A_21 : vector<1000x128xf32>
    %reduce_sum3A = arith.constant dense<0.000000e+00> : vector<128xf32>
    %reduce_sum3A_37 = vector.multi_reduction <add>, %mul3A_36, %reduce_sum3A [0] : vector<1000x128xf32> to vector<128xf32>
    %broadcast_in_dim3A = vector.shape_cast %reduce_sum3A_37 : vector<128xf32> to vector<1x128xf32>
    %add3A_38 = arith.addf %get3A_34, %broadcast_in_dim3A : vector<1x128xf32>
    %swap3A = arith.constant 0 : index
    %swap3A_39 = arith.constant 0 : index
    %swap3A_40 = vector.load %arg11[%swap3A, %swap3A_39] : memref<1x128xf32, #tpu.memory_space<vmem>>, vector<1x128xf32>
    tpu.vector_store %arg11[%swap3A, %swap3A_39], %add3A_38 {strides = array<i32>} : memref<1x128xf32, #tpu.memory_space<vmem>>, vector<1x128xf32>,
    %eq3A_41 = arith.constant 9 : i32
    %eq3A_42 = arith.cmpi eq, %arg0, %eq3A_41 : i32
    %convert_element_type3A_43 = arith.extui %eq3A_42 : i1 to i32
    %cond3A_44 = arith.constant 0 : i32
    %cond3A_45 = arith.cmpi ne, %convert_element_type3A_43, %cond3A_44 : i32
    scf.if %cond3A_45 {
      %get3A_46 = arith.constant 0 : index
      %get3A_47 = arith.constant 0 : index
      %get3A_48 = vector.load %arg11[%get3A_46, %get3A_47] : memref<1x128xf32, #tpu.memory_space<vmem>>, vector<1x128xf32>
      %mul3A_49 = arith.constant 9.99999974E-5 : f32
      %mul3A_50 = vector.broadcast %mul3A_49 : f32 to vector<1x128xf32>
      %mul3A_51 = arith.mulf %get3A_48, %mul3A_50 : vector<1x128xf32>
      %get3A_52 = arith.constant 0 : index
      %get3A_53 = arith.constant 0 : index
      %get3A_54 = vector.load %arg8[%get3A_52, %get3A_53] : memref<128x128xf32, #tpu.memory_space<vmem>>, vector<128x128xf32>
      %dot_general3A = arith.constant dense<0.000000e+00> : vector<1x128xf32>
      %dot_general3A_55 = tpu.matmul %mul3A_51, %get3A_54, %dot_general3A {dimension_numbers = #tpu.dot_dimension_numbers<[1], [0], [0], [1], [0, 0, 1, 1], [], []>, precision = #tpu.contract_precision<fp32>, transpose_lhs_hint = false} : vector<1x128xf32>, vector<128x128xf32>, vector<1x128xf32> -> vector<1x128xf32>
      %get3A_56 = arith.constant 0 : index
      %get3A_57 = arith.constant 0 : index
      %get3A_58 = vector.load %arg9[%get3A_56, %get3A_57] : memref<1x128xf32, #tpu.memory_space<vmem>>, vector<1x128xf32>
      %add3A_59 = arith.addf %dot_general3A_55, %get3A_58 : vector<1x128xf32>
      %reduce_max3A = arith.constant dense<0xFF800000> : vector<1xf32>
      %reduce_max3A_60 = vector.multi_reduction <maximumf>, %add3A_59, %reduce_max3A [1] : vector<1x128xf32> to vector<1xf32>
      %broadcast_in_dim3A_61 = vector.shape_cast %reduce_max3A_60 : vector<1xf32> to vector<1x1xf32>
      %sub3A = vector.broadcast %broadcast_in_dim3A_61 : vector<1x1xf32> to vector<1x128xf32>
      %sub3A_62 = arith.subf %add3A_59, %sub3A : vector<1x128xf32>
      %exp3A = math.exp %sub3A_62 : vector<1x128xf32>
      %reduce_sum3A_63 = arith.constant dense<0.000000e+00> : vector<1xf32>
      %reduce_sum3A_64 = vector.multi_reduction <add>, %exp3A, %reduce_sum3A_63 [1] : vector<1x128xf32> to vector<1xf32>
      %broadcast_in_dim3A_65 = vector.shape_cast %reduce_sum3A_64 : vector<1xf32> to vector<1x1xf32>
      %log3A = math.log %broadcast_in_dim3A_65 : vector<1x1xf32>
      %add3A_66 = arith.addf %log3A, %broadcast_in_dim3A_61 : vector<1x1xf32>
      %sub3A_67 = vector.broadcast %add3A_66 : vector<1x1xf32> to vector<1x128xf32>
      %sub3A_68 = arith.subf %add3A_59, %sub3A_67 : vector<1x128xf32>
      %swap3A_69 = arith.constant 0 : index
      %swap3A_70 = arith.constant 0 : index
      %swap3A_71 = vector.load %arg10[%swap3A_69, %swap3A_70] : memref<1x128xf32, #tpu.memory_space<vmem>>, vector<1x128xf32>
      tpu.vector_store %arg10[%swap3A_69, %swap3A_70], %sub3A_68 {strides = array<i32>} : memref<1x128xf32, #tpu.memory_space<vmem>>, vector<1x128xf32>,
    } else {
    }
    return
  }
  func.func @transform_0(%arg0: i32) -> (i32, i32) {
    %c0_i32 = arith.constant 0 : i32
    %c0_i32_0 = arith.constant 0 : i32
    return %arg0, %c0_i32 : i32, i32
  }
  func.func @transform_1(%arg0: i32) -> (i32, i32) {
    %c0_i32 = arith.constant 0 : i32
    %c0_i32_0 = arith.constant 0 : i32
    return %arg0, %c0_i32 : i32, i32
  }
  func.func @transform_2(%arg0: i32) -> (i32, i32) {
    %c0_i32 = arith.constant 0 : i32
    %c0_i32_0 = arith.constant 0 : i32
    return %arg0, %c0_i32 : i32, i32
  }
  func.func @transform_3(%arg0: i32) -> (i32, i32) {
    %c0_i32 = arith.constant 0 : i32
    %c0_i32_0 = arith.constant 0 : i32
    return %arg0, %c0_i32 : i32, i32
  }
  func.func @transform_4(%arg0: i32) -> (i32, i32) {
    %c0_i32 = arith.constant 0 : i32
    %c0_i32_0 = arith.constant 0 : i32
    return %arg0, %c0_i32 : i32, i32
  }
  func.func @transform_5(%arg0: i32) -> (i32, i32) {
    %c0_i32 = arith.constant 0 : i32
    %c0_i32_0 = arith.constant 0 : i32
    return %arg0, %c0_i32 : i32, i32
  }
  func.func @transform_6(%arg0: i32) -> (i32, i32) {
    %c0_i32 = arith.constant 0 : i32
    %c0_i32_0 = arith.constant 0 : i32
    %c0_i32_1 = arith.constant 0 : i32
    return %c0_i32, %c0_i32_0 : i32, i32
  }
  func.func @transform_7(%arg0: i32) -> (i32, i32) {
    %c0_i32 = arith.constant 0 : i32
    %c0_i32_0 = arith.constant 0 : i32
    %c0_i32_1 = arith.constant 0 : i32
    return %c0_i32, %c0_i32_0 : i32, i32
  }
  func.func @transform_8(%arg0: i32) -> (i32, i32) {
    %c0_i32 = arith.constant 0 : i32
    %c0_i32_0 = arith.constant 0 : i32
    %c0_i32_1 = arith.constant 0 : i32
    return %c0_i32, %c0_i32_0 : i32, i32
  }
  func.func @transform_9(%arg0: i32) -> (i32, i32) {
    %c0_i32 = arith.constant 0 : i32
    %c0_i32_0 = arith.constant 0 : i32
    %c0_i32_1 = arith.constant 0 : i32
    return %c0_i32, %c0_i32_0 : i32, i32
  }
}

</mosaic_0001>

<sc_bundles>
// kernel: kernel.6.cloned.1.call-start
scs
__scs_entry_jumppad:
0x0: {  	(pc) =	sbr.rel $0x88, $3  }
0x1: {  	(tag) =	ssettag $0x0;
	lr =	simm.s32 $0x1  }
0x2: {  	[smem:$0x3F9B] =	sst lr;
	_ =	strace $0xD0000000  }
0x3: {  	_ = 	snop  }
0x4: {  	_ = 	snop  }
0x5: {  	_ = 	snop  }
0x6: {  	_ = 	snop  }
0x7: {  	_ = 	snop  }
__scs_overlays_trampoline_lowered:
0x8: {  	[smem:$0x3FAA] =	sst s0  }
0x9: {  	[smem:$0x3FAB] =	sst s1  }
0xa: {  	[smem:$0x3FAC] =	sst s2  }
0xb: {  	[smem:$0x3FAD] =	sst s3  }
0xc: {  	[smem:$0x3FAE] =	sst s4  }
0xd: {  	[smem:$0x3FAF] =	sst s5  }
0xe: {  	[smem:$0x3FB0] =	sst s6  }
0xf: {  	[smem:$0x3FB1] =	sst s7  }
0x10: {  	[smem:$0x3FB2] =	sst s8  }
0x11: {  	[smem:$0x3FB3] =	sst s9;
	s0 =	simm.s32 @!p0 $0x0  }
0x12: {  	s1 =	sld [smem:$0x3F99];
	s0 =	simm.s32 @p0 $0x1  }
0x13: {  	[smem:$0x3FB4] =	sst s0;
	s0 =	simm.s32 @!p1 $0x0  }
0x14: {  	s2 =	sld [smem:$0x3F98];
	s0 =	simm.s32 @p1 $0x1  }
0x15: {  	[smem:$0x3FB5] =	sst s0;
	s0 =	simm.s32 @!p2 $0x0  }
0x16: {  	s3 =	sld [smem:$0x3FDB];
	s0 =	simm.s32 @p2 $0x1  }
0x17: {  	s4 =	simm.s32 $0x1BF5;
	[smem:$0x3FB7] =	sst s0  }
0x18: {  	s0 =	sld [smem:$0x3F9A];
	_ =	swait.ge [sflag:s4], $0x0  }
0x19: {  	s7 =	sld [smem:$0x3F9B]  }
0x1a: {  	s8 =	sadd.s32 $0xFFFFE003, lr  }
0x1b: {  	s9 =	sadd.s32 $0xFFFFFEF7, lr;
	s5 =	simm.s32 $0xFFFFFFFF;
	p2 =	slt.u32 s8, $0xFFFFF086  }
0x1c: {  	p1 =	slt.u32 s9, $0xF7A;
	s5 =	simm.s32 @!p2 $0x0  }
0x1d: {  	s5 =	simm.s32 @p1 $0x1;
	p0 =	seq.s32 s7, s2  }
0x1e: {  	s7 =	smul.u32 @!p0 $0xF7A, s2;
	p2 =	seq.s32 @!p0 s5, $0x0  }
0x1f: {  	s9 =	smul.u32 $0xF7A, s1;
	s8 =	simm.s32 @!p0 $0x1BF5;
	p2 =	por !p2, p0  }
0x20: {  	[sflag:s8] =	ssyncset.s32 @!p0 $0xFFFFF086;
	s6 =	sadd.s32 @!p0 s3, s7;
	s7 =	simm.s32 @!p0 $0x108  }
0x21: {  	s3 =	sadd.s32 s3, s9;
	s6 =	sadd.s32 @!p0 $0x88, s6;
	s7 =	simm.s32 @p2 $0x1082  }
0x22: {  	[simem:s7], [sflag:s8] =	dma.local @!p0 [hbm:s6], $0xF7A  }
0x23: {  	s9 =	sor.u32 $0xD0000000, s2;
	s6 =	simm.s32 $0x108;
	_ =	swait.ge @!p0 [sflag:s8], $0x0  }
0x24: {  	s3 =	sadd.s32 $0x88, s3;
	s6 =	simm.s32 @!p1 $0x1082;
	[sflag:s4] =	ssyncset.s32 $0xFFFFF086  }
0x25: {  	[simem:s6], [sflag:s4] =	dma.local [hbm:s3], $0xF7A  }
0x26: {  	[smem:$0x3F9B] =	sst s1;
	(tag) =	ssettag s2;
	_ =	strace s9  }
0x27: {  	s1 =	sld [smem:$0x3FAB]  }
0x28: {  	s2 =	sld [smem:$0x3FAC]  }
0x29: {  	s4 =	sld [smem:$0x3FAE]  }
0x2a: {  	p0 =	seq.s32 s5, $0x0;
	s5 =	sld [smem:$0x3FAF]  }
0x2b: {  	s6 =	sld [smem:$0x3FB0]  }
0x2c: {  	s7 =	sld [smem:$0x3FB1]  }
0x2d: {  	s3 =	simm.s32 $0x108;
	s8 =	sld [smem:$0x3FB2]  }
0x2e: {  	s3 =	simm.s32 @!p0 $0x1082;
	s9 =	sld [smem:$0x3FB3]  }
0x2f: {  	lr =	sadd.s32 s0, s3;
	s0 =	sld [smem:$0x3FAA]  }
0x30: {  	s3 =	sld [smem:$0x3FAD]  }
0x31: {  	[smem:$0x3FB6] =	sst s10  }
0x32: {  	s10 =	sld [smem:$0x3FB4];
	_ =	sdelay $0x3  }
0x33: {  	p0 =	seq.s32 s10, $0x1;
	s10 =	sld [smem:$0x3FB6];
	_ =	sdelay $0x3  }
0x34: {  	[smem:$0x3FB6] =	sst s10  }
0x35: {  	s10 =	sld [smem:$0x3FB5];
	_ =	sdelay $0x3  }
0x36: {  	p1 =	seq.s32 s10, $0x1;
	s10 =	sld [smem:$0x3FB6];
	_ =	sdelay $0x3  }
0x37: {  	[smem:$0x3FB6] =	sst s10  }
0x38: {  	s10 =	sld [smem:$0x3FB7]  }
0x39: {  	_ = 	snop;
	(pc) =	sbr.ind lr, $3  }
0x3a: {  	_ = 	snop  }
0x3b: {  	_ = 	snop  }
0x3c: {  	p2 =	seq.s32 s10, $0x1;
	s10 =	sld [smem:$0x3FB6]  }
0x3d: {  	_ =	shalt  }
0x3e: {  	_ =	shalt  }
0x3f: {  	_ =	shalt  }
0x40: {  	_ =	shalt  }
0x41: {  	_ =	shalt  }
0x42: {  	_ =	shalt  }
0x43: {  	_ =	shalt  }
0x44: {  	_ =	shalt  }
0x45: {  	_ =	shalt  }
0x46: {  	_ =	shalt  }
0x47: {  	_ =	shalt  }
0x48: {  	_ =	shalt  }
0x49: {  	_ =	shalt  }
0x4a: {  	_ =	shalt  }
0x4b: {  	_ =	shalt  }
0x4c: {  	_ =	shalt  }
0x4d: {  	_ =	shalt  }
0x4e: {  	_ =	shalt  }
0x4f: {  	_ =	shalt  }
0x50: {  	_ =	shalt  }
0x51: {  	_ =	shalt  }
0x52: {  	_ =	shalt  }
0x53: {  	_ =	shalt  }
0x54: {  	_ =	shalt  }
0x55: {  	_ =	shalt  }
0x56: {  	_ =	shalt  }
0x57: {  	_ =	shalt  }
0x58: {  	_ =	shalt  }
0x59: {  	_ =	shalt  }
0x5a: {  	_ =	shalt  }
0x5b: {  	_ =	shalt  }
0x5c: {  	_ =	shalt  }
0x5d: {  	_ =	shalt  }
0x5e: {  	_ =	shalt  }
0x5f: {  	_ =	shalt  }
0x60: {  	_ =	shalt  }
0x61: {  	_ =	shalt  }
0x62: {  	_ =	shalt  }
0x63: {  	_ =	shalt  }
0x64: {  	_ =	shalt  }
0x65: {  	_ =	shalt  }
0x66: {  	_ =	shalt  }
0x67: {  	_ =	shalt  }
0x68: {  	_ =	shalt  }
0x69: {  	_ =	shalt  }
0x6a: {  	_ =	shalt  }
0x6b: {  	_ =	shalt  }
0x6c: {  	_ =	shalt  }
0x6d: {  	_ =	shalt  }
0x6e: {  	_ =	shalt  }
0x6f: {  	_ =	shalt  }
0x70: {  	_ =	shalt  }
0x71: {  	_ =	shalt  }
0x72: {  	_ =	shalt  }
0x73: {  	_ =	shalt  }
0x74: {  	_ =	shalt  }
0x75: {  	_ =	shalt  }
0x76: {  	_ =	shalt  }
0x77: {  	_ =	shalt  }
0x78: {  	_ =	shalt  }
0x79: {  	_ =	shalt  }
0x7a: {  	_ =	shalt  }
0x7b: {  	_ =	shalt  }
0x7c: {  	_ =	shalt  }
0x7d: {  	_ =	shalt  }
0x7e: {  	_ =	shalt  }
0x7f: {  	_ =	shalt  }
0x80: {  	_ =	shalt  }
0x81: {  	_ =	shalt  }
0x82: {  	_ =	shalt  }
0x83: {  	_ =	shalt  }
0x84: {  	_ =	shalt  }
0x85: {  	_ =	shalt  }
0x86: {  	_ =	shalt  }
0x87: {  	_ =	shalt  }
.Lfunc_end0:
.L_simem_size_0:
called_computation_lowered:
.L_overlay_start_0:
0x88: {  	s2 =	sld [smem:$0x3FD9]  }
0x89: {  	s3 =	sld [smem:$0x3FFE];
	_ =	sdelay $0x1  }
0x8a: {  	s1 =	srdreg.scid  }
0x8b: {  	s0 =	sand.u32 $0x1, s1  }
0x8c: {  	s16 =	sshll.u32 s0, $0xA;
	s2 =	sadd.s32 s3, s2  }
0x8d: {  	s2 =	sadd.s32 s2, s16  }
0x8e: {  	[smem:$0x3FC2] =	sst s2  }
0x8f: {  	_ = 	snop  }
0x90: {  	(tm) =	ssettm $0x1  }
0x91: {  	s17 =	sld [smem:$0x3FFB];
	_ =	sdelay $0x3  }
0x92: {  	_ =	strace s17  }
0x93: {  	s2 =	sld [smem:$0x3FFC];
	_ =	sdelay $0x3  }
0x94: {  	_ =	strace s2  }
0x95: {  	s2 =	sld [smem:$0x3FFD];
	_ =	sdelay $0x3  }
0x96: {  	_ =	strace s2  }
0x97: {  	_ =	strace $0x8FFFFFFF  }
0x98: {  	s18 =	sld [smem:$0x3FDB];
	_ =	sdelay $0x1  }
0x99: {  	s19 =	simm.s32 $_scs_section_size  }
0x9a: {  	s4 =	simm.s32 $_size__tile_overlayer_lowered;
	s5 =	simm.s32 $_tile_overlayer_lowered  }
0x9b: {  	s22 =	simm.s32 $0x1BFF;
	s21 =	sshll.u32 s5, $0x1;
	s2 =	sadd.s32 s19, s18  }
0x9c: {  	s6 =	simm.s32 $0x0;
	s20 =	sshll.u32 s4, $0x1;
	s4 =	sadd.s32 s21, s2  }
0x9d: {  	[timem:s6], [sflag:s22] =	dma.local [hbm:s4], s20  }
0x9e: {  	_ =	swait.ge [sflag:s22], s20  }
0x9f: {  	s3 =	ssub.s32 $0x0, s20;
	[sflag:s22] =	ssyncset.done $0x0  }
0xa0: {  	[sflag:s22] =	ssyncadd.s32 s3;
	_ =	sdelay $0x1  }
0xa1: {  	s23 =	simm.s32 $0x1B8B  }
0xa2: {  	_ =	swait.ge [sflag:s23], $0x1  }
0xa3: {  	[sflag:s23] =	ssyncset.done $0x0  }
0xa4: {  	s25 =	simm.s32 $0x1B8E;
	s24 =	sld [smem:$0x3FFE];
	[sflag:s23] =	ssyncadd.s32 $0xFFFFFFFF  }
0xa5: {  	s26 =	simm.s32 $execute0_lowered;
	[smem:$0x3FD2] =	sst s25  }
0xa6: {  	s4 =	sshll.u32 s26, $0x1;
	_ =	strace $0x80000046;
	[dreg:$0x1] =	wrdreg $0xFFFFFFFF  }
0xa7: {  	s28 =	simm.s32 $_size_execute0_lowered;
	s2 =	sadd.s32 s2, s4;
	[dreg:$0x0] =	wrdreg $0x0  }
0xa8: {  	s4 =	sshll.u32 s28, $0x1;
	[dreg:$0x2] =	wrdreg s2  }
0xa9: {  	[dreg:$0x3] =	wrdreg s4  }
0xaa: {  	[dreg:$0x4] =	wrdreg $0xC0  }
0xab: {  	_ =	task [dreg:s6], $0x5FFFF  }
0xac: {  	[dreg:$0x1] =	wrdreg $0xFFFFFFFF  }
0xad: {  	[dreg:$0x0] =	wrdreg $0x60  }
0xae: {  	[dreg:$0x2] =	wrdreg s24  }
0xaf: {  	[dreg:$0x3] =	wrdreg $0x3F800  }
0xb0: {  	[dreg:$0x4] =	wrdreg $0x9  }
0xb1: {  	_ =	task.clear_ibuf [dreg:s6], $0x5FFFF;
	_ =	strace $0x90000046  }
0xb2: {  	s29 =	simm.s32 $0x9;
	_ =	strace $0x80000048  }
0xb3: {  	_ =	swait.ge [sflag:s29], $0x1  }
0xb4: {  	[sflag:s29] =	ssyncadd.s32 $0xFFFFFFFF  }
0xb5: {  	_ =	strace $0x90000048  }
0xb6: {  	_ =	sfence  }
0xb7: {  	s30 =	sld [smem:$0x0];
	_ =	sdelay $0x2  }
0xb8: {  	s31 =	sshll.u32 s1, $0xD;
	s1 =	sshrl.u32 s1, $0x2  }
0xb9: {  	s3 =	sand.u32 $0x4000, s31;
	s1 =	sadd.s32 s1, s30  }
0xba: {  	s0 =	sor.u32 s3, s0;
	s1 =	sshll.u32 s1, $0x11  }
0xbb: {  	s0 =	sor.u32 s1, s0  }
0xbc: {  	s0 =	sadd.s32 $0x8F2B, s0  }
0xbd: {  	[sflag:s0] =	ssyncadd.remote.s32 $0x1  }
0xbe: {  	_ =	sfence.sel $0xFFFF  }
0xbf: {  	[dreg:$0x0] =	wrdreg $0xFFFFFFFF;
	(pc) =	sbr.abs _section_cstart, $3  }
0xc0: {  	[dreg:$0x1] =	wrdreg $0xFFFFFFFF  }
0xc1: {  	_ =	task.clear_ibuf [dreg:s6], $0x2FFFF;
	_ =	strace $0x9FFFFFFF  }
0xc2: {  	(tm) =	ssettm $0x7FFFFFFF  }
0xc3: {  	_ =	shalt  }
tec
execute0_lowered:
.L_overlay_start_1:
0x0: {  	(tag) =	ssettag $0x1  }
0x1: {  	s1 =	srdreg.scid;
	s5 =	rddreg [dreg:$0x0]  }
0x2: {  	s0 =	stileid.u32;
	s10 =	rddreg [dreg:$0x1];
	s2 =	simm.s32 $0x0  }
0x3: {  	s14 =	simm.s32 $0x3;
	s15 =	simm.s32 $0x800;
	s16 =	simm.s32 $0x1  }
0x4: {  	s17 =	simm.s32 $0x2;
	s18 =	simm.s32 $0x3B80;
	s19 =	simm.s32 $0x3780  }
0x5: {  	s20 =	simm.s32 $0x0;
	s4 =	sand.u32 $0x1, s1;
	s11 =	smul.u32 $0x3E8, s0  }
0x6: {  	s31 =	sshll.u32 s0, $0x1;
	[smem:$0x7FF] =	sst s2;
	s9 =	smul.u32 $0x9C40, s0  }
0x7: {  	p0 =	sgt.u32 s0, $0x9;
	s1 =	sor.u32 s4, s31;
	s6 =	smul.u32 $0x2710, s4  }
0x8: {  	s4 =	ssub.s32 $0x2, s4;
	s3 =	smul.u32 $0x2710, s1;
	s1 =	rddreg [dreg:$0x2]  }
0x9: {  	_ =	strace $0x80000047;
	s7 =	sshrl.u32 s4, $0x1;
	s9 =	sshrl.u32 s9, $0x2  }
0xa: {  	s6 =	sadd.s32 s11, s6;
	s13 =	ssub.s32 s4, s7;
	s9 =	sadd.s32 s9, s10  }
.Ltmp0:
0xb: {  	s10 =	sadd.s32 s11, s10;
	s3 =	sshrl.u32 s3, $0x3;
	(pc) =	sbr.rel .LBB2_1-.Ltmp0, $4  }
0xc: {  	s6 =	sshrl.u32 s6, $0x3;
	s8 =	sadd.s32 s3, s5;
	s3 =	sadd.s32 $0xCA00, s5  }
0xd: {  	s12 =	sadd.s32 s6, s5;
	s4 =	sadd.s32 $0x2C00, s8;
	s5 =	sadd.s32 $0x2CFA, s8  }
0xe: {  	s6 =	sadd.s32 $0x2DF4, s8;
	s7 =	sadd.s32 $0x2EEE, s8;
	s8 =	sadd.s32 $0x2FE8, s8  }
0xf: {  	v0 =	vimm.f32 $1.000000000e+00;
	v1 =	vimm.f32 $0.0e+00;
	s11 =	sadd.s32 $0xD000, s12;
	s12 =	smax.u32 s13, $0x1;
	s13 =	simm.s32 $0x1000  }
.LBB2_18:
0x10: {  	s20 =	sadd.s32 $0x1, s20  }
0x11: {  	p1 =	sne.s32 s20, s12  }
.Ltmp1:
0x12: {  	_ = 	snop;
	(pc) =	sbr.rel @!p1 .LBB2_19-.Ltmp1, $1  }
0x13: {  	_ =	sdelay $0x3  }
.LBB2_1:
0x14: {  	[tilespmem:s13], [sflag:$0x3] =	stream.linear.gather [hbm4b:s3+s2], $0x2780, $0x38;
	[tilespmem:$0x6690] =	vst v63  }
0x15: {  	_ =	swait.ge [sflag:s14], $0x2780  }
0x16: {  	[sflag:s14] =	ssyncset.done $0x0  }
0x17: {  	[sflag:s14] =	ssyncadd.s32 $0xFFFFD880  }
0x18: {  	[tilespmem:s2], [sflag:$0x1] =	stream.linear.gather [hbm4b:s4+s2], $0x7D0, $0x38;
	[tilespmem:$0x6690] =	vst v63  }
0x19: {  	_ = 	snop  }
0x1a: {  	[tilespmem:s15], [sflag:$0x2] =	stream.linear.gather [hbm4b:s5+s2], $0x7D0, $0x38;
	[tilespmem:$0x6690] =	vst v63  }
0x1b: {  	_ =	swait.ge [sflag:s16], $0x7D0  }
0x1c: {  	[sflag:s16] =	ssyncset.done $0x0  }
0x1d: {  	s22 =	simm.s32 $0x0;
	s21 =	simm.s32 $0x40;
	[sflag:s16] =	ssyncadd.s32 $0xFFFFF830  }
.LBB2_2:
0x1e: {  	p1 =	sne.s32 s21, $0x1F00;
	v2 =	vld [tilespmem:s22+$0x0];
	_ =	sdelay $0x3  }
.Ltmp2:
0x1f: {  	(pc) =	sbr.rel @p1 .LBB2_2-.Ltmp2, $2  }
0x20: {  	_ =	sdelay $0x2  }
0x21: {  	s22 =	sshra.s32 s21, $0x2;
	s21 =	sadd.s32 $0x40, s21;
	[tilespmem:v2+s13+$0x0] =	vst.idx.add.f32.msk $0xffff, v0  }
0x22: {  	v2 =	vld [tilespmem:s22+$0x0];
	_ =	sdelay $0x7  }
0x23: {  	s21 =	simm.s32 $0x0;
	[tilespmem:v2+s13+$0x0] =	vst.idx.add.f32.msk $0xffff, v0  }
0x24: {  	[tilespmem:s21], [sflag:$0x1] =	stream.linear.gather [hbm4b:s6+s21], $0x7D0, $0x38;
	[tilespmem:$0x6690] =	vst v63  }
0x25: {  	_ =	swait.ge [sflag:s17], $0x7D0  }
0x26: {  	[sflag:s17] =	ssyncset.done $0x0  }
0x27: {  	s22 =	simm.s32 $0x0;
	s21 =	simm.s32 $0x40;
	[sflag:s17] =	ssyncadd.s32 $0xFFFFF830  }
.LBB2_4:
0x28: {  	p1 =	sne.s32 s21, $0x1F00;
	v2 =	vld [tilespmem:s22+$0x800];
	_ =	sdelay $0x3  }
.Ltmp3:
0x29: {  	(pc) =	sbr.rel @p1 .LBB2_4-.Ltmp3, $2  }
0x2a: {  	_ =	sdelay $0x2  }
0x2b: {  	s22 =	sshra.s32 s21, $0x2;
	s21 =	sadd.s32 $0x40, s21;
	[tilespmem:v2+s13+$0x0] =	vst.idx.add.f32.msk $0xffff, v0  }
0x2c: {  	v2 =	vld [tilespmem:s22+$0x800];
	_ =	sdelay $0x7  }
0x2d: {  	s21 =	simm.s32 $0x0;
	[tilespmem:v2+s13+$0x0] =	vst.idx.add.f32.msk $0xffff, v0  }
0x2e: {  	[tilespmem:s15], [sflag:$0x2] =	stream.linear.gather [hbm4b:s7+s21], $0x7D0, $0x38;
	[tilespmem:$0x6690] =	vst v63  }
0x2f: {  	_ =	swait.ge [sflag:s16], $0x7D0  }
0x30: {  	[sflag:s16] =	ssyncset.done $0x0  }
0x31: {  	s22 =	simm.s32 $0x0;
	s21 =	simm.s32 $0x40;
	[sflag:s16] =	ssyncadd.s32 $0xFFFFF830  }
.LBB2_6:
0x32: {  	p1 =	sne.s32 s21, $0x1F00;
	v2 =	vld [tilespmem:s22+$0x0];
	_ =	sdelay $0x3  }
.Ltmp4:
0x33: {  	(pc) =	sbr.rel @p1 .LBB2_6-.Ltmp4, $2  }
0x34: {  	_ =	sdelay $0x2  }
0x35: {  	s22 =	sshra.s32 s21, $0x2;
	s21 =	sadd.s32 $0x40, s21;
	[tilespmem:v2+s13+$0x0] =	vst.idx.add.f32.msk $0xffff, v0  }
0x36: {  	v2 =	vld [tilespmem:s22+$0x0];
	_ =	sdelay $0x7  }
0x37: {  	s21 =	simm.s32 $0x0;
	[tilespmem:v2+s13+$0x0] =	vst.idx.add.f32.msk $0xffff, v0  }
0x38: {  	[tilespmem:s21], [sflag:$0x1] =	stream.linear.gather [hbm4b:s8+s21], $0x7D0, $0x38;
	[tilespmem:$0x6690] =	vst v63  }
0x39: {  	_ =	swait.ge [sflag:s17], $0x7D0  }
0x3a: {  	[sflag:s17] =	ssyncset.done $0x0  }
0x3b: {  	s22 =	simm.s32 $0x0;
	s21 =	simm.s32 $0x40;
	[sflag:s17] =	ssyncadd.s32 $0xFFFFF830  }
.LBB2_8:
0x3c: {  	p1 =	sne.s32 s21, $0x1F00;
	v2 =	vld [tilespmem:s22+$0x800];
	_ =	sdelay $0x3  }
.Ltmp5:
0x3d: {  	(pc) =	sbr.rel @p1 .LBB2_8-.Ltmp5, $2  }
0x3e: {  	_ =	sdelay $0x2  }
0x3f: {  	s22 =	sshra.s32 s21, $0x2;
	s21 =	sadd.s32 $0x40, s21;
	[tilespmem:v2+s13+$0x0] =	vst.idx.add.f32.msk $0xffff, v0  }
0x40: {  	v2 =	vld [tilespmem:s22+$0x800];
	_ =	sdelay $0x7  }
0x41: {  	[tilespmem:v2+s13+$0x0] =	vst.idx.add.f32.msk $0xffff, v0  }
0x42: {  	_ =	swait.ge [sflag:s16], $0x7D0  }
0x43: {  	[sflag:s16] =	ssyncset.done $0x0  }
0x44: {  	s22 =	simm.s32 $0x0;
	s21 =	simm.s32 $0x40;
	[sflag:s16] =	ssyncadd.s32 $0xFFFFF830  }
.LBB2_10:
0x45: {  	p1 =	sne.s32 s21, $0x1F00;
	v2 =	vld [tilespmem:s22+$0x0];
	_ =	sdelay $0x3  }
.Ltmp6:
0x46: {  	(pc) =	sbr.rel @p1 .LBB2_10-.Ltmp6, $2  }
0x47: {  	_ =	sdelay $0x2  }
0x48: {  	s22 =	sshra.s32 s21, $0x2;
	s21 =	sadd.s32 $0x40, s21;
	[tilespmem:v2+s13+$0x0] =	vst.idx.add.f32.msk $0xffff, v0  }
0x49: {  	v2 =	vld [tilespmem:s22+$0x0];
	_ =	sdelay $0x7  }
0x4a: {  	[tilespmem:v2+s13+$0x0] =	vst.idx.add.f32.msk $0xffff, v0  }
0x4b: {  	[spmem:s9] =	stream.linear.scatter [tilespmem:s13], [sflag:$0x3], $0x2710, $0x38;
	[tilespmem:$0x6690] =	vst v63  }
.Ltmp7:
0x4c: {  	_ =	swait.ge [sflag:s14], $0x2710;
	(pc) =	sbr.rel @p0 .LBB2_18-.Ltmp7, $3  }
0x4d: {  	[sflag:s14] =	ssyncset.done $0x0  }
0x4e: {  	[sflag:s14] =	ssyncadd.s32 $0xFFFFD8F0  }
0x4f: {  	[bflag:$0x0] =	sbarrier.arrive $0xFFFF;
	_ =	sdelay $0x1  }
0x50: {  	[tilespmem:$0x3B60] =	vst v1  }
0x51: {  	[tilespmem:$0x3F60] =	vst v1  }
0x52: {  	[tilespmem:s18], [sflag:$0x3] =	stream.linear.gather [spmem:s10], $0x3E8, $0x38;
	[tilespmem:$0x6690] =	vst v63  }
0x53: {  	_ =	swait.ge [sflag:s14], $0x3E8  }
0x54: {  	[sflag:s14] =	ssyncset.done $0x0  }
0x55: {  	s21 =	simm.s32 $0x0;
	[sflag:s14] =	ssyncadd.s32 $0xFFFFFC18  }
.LBB2_14:
0x56: {  	s21 =	sadd.s32 $0x1, s21  }
0x57: {  	s22 =	smul.u32 $0x9C40, s21;
	_ =	sdelay $0x1  }
0x58: {  	s22 =	sshra.s32 s22, $0x2  }
0x59: {  	s22 =	sadd.s32 s22, s10  }
0x5a: {  	[tilespmem:s19], [sflag:$0x3] =	stream.linear.gather [spmem:s22], $0x3E8, $0x38;
	[tilespmem:$0x6690] =	vst v63  }
0x5b: {  	_ =	swait.ge [sflag:s14], $0x3E8  }
0x5c: {  	[sflag:s14] =	ssyncset.done $0x0  }
0x5d: {  	s22 =	simm.s32 $0x0;
	[sflag:s14] =	ssyncadd.s32 $0xFFFFFC18  }
0x5e: {  	s23 =	simm.s32 $0x40;
	v2 =	vld [tilespmem:s22+$0x3780]  }
.LBB2_15:
0x5f: {  	p1 =	seq.s32 s23, $0xF80;
	v3 =	vld [tilespmem:s22+$0x3B80];
	_ =	sdelay $0x2  }
.Ltmp8:
0x60: {  	(pc) =	sbr.rel @!p1 .LBB2_15-.Ltmp8, $4  }
0x61: {  	_ = 	snop  }
0x62: {  	v3 =	vadd.f32 v2, v3  }
0x63: {  	s24 =	sshra.s32 s23, $0x2  }
0x64: {  	s23 =	sadd.s32 $0x40, s23;
	v2 =	vld [tilespmem:s24+$0x3780];
	[tilespmem:s22+$0x3B80] =	vst v3;
	s22 =	smov.u32 s24  }
0x65: {  	v3 =	vld [tilespmem:s22+$0x3B80];
	_ =	sdelay $0x4  }
0x66: {  	v2 =	vadd.f32 v2, v3;
	_ =	sdelay $0x1  }
0x67: {  	[tilespmem:s22+$0x3B80] =	vst v2  }
0x68: {  	p1 =	seq.s32 s21, $0xF  }
.Ltmp9:
0x69: {  	_ = 	snop;
	(pc) =	sbr.rel @!p1 .LBB2_14-.Ltmp9, $1  }
0x6a: {  	_ =	sdelay $0x3  }
.Ltmp10:
0x6b: {  	(pc) =	sbr.rel .LBB2_18-.Ltmp10, $4  }
0x6c: {  	[hbm4b:s11+s2] =	stream.linear.scatter [tilespmem:s18], [sflag:$0x3], $0x3E8, $0x38;
	[tilespmem:$0x6690] =	vst v63  }
0x6d: {  	_ =	swait.ge [sflag:s14], $0x3E8  }
0x6e: {  	[sflag:s14] =	ssyncset.done $0x0  }
0x6f: {  	[sflag:s14] =	ssyncadd.s32 $0xFFFFFC18  }
.LBB2_19:
0x70: {  	_ =	sfence.sel $0x180000  }
0x71: {  	[bflag:$0x0] =	sbarrier.arrive $0xFFFF  }
0x72: {  	p0 =	sne.s32 s0, $0x0;
	_ =	strace $0x90000047  }
0x73: {  	s0 =	sadd.s32 @!p0 $0x100000, s1;
	[bflag:$0x2] =	sbarrier.arrive $0xFFFF  }
0x74: {  	[sflag:s0] =	ssyncadd.tile.s32 @!p0 $0x1;
	_ =	shalt  }
.Lfunc_end2:
_tile_overlayer_lowered:
.L_overlay_start_2:
0x75: {  	(tag) =	ssettag $0x2  }
0x76: {  	s0 =	rddreg [dreg:$0x0];
	s2 =	stileid.u32  }
0x77: {  	s1 =	rddreg [dreg:$0x1];
	p0 =	sne.s32 s2, $0x0  }
0x78: {  	s3 =	rddreg [dreg:$0x2];
	[bflag:$0x3] =	sbarrier.arrive $0xFFFF;
	s2 =	simm.s32 @!p0 $0x1C03  }
0x79: {  	[timem:s3], [sflag:s2] =	dma.local @!p0 [hbm:s0], s1  }
0x7a: {  	s0 =	simm.s32 @!p0 $0x3  }
0x7b: {  	_ =	swait.ge @!p0 [sflag:s0], s1  }
0x7c: {  	s1 =	ssub.s32 @!p0 $0x0, s1;
	[sflag:s0] =	ssyncset.done @!p0 $0x0  }
0x7d: {  	[sflag:s0] =	ssyncadd.s32 @!p0 s1  }
0x7e: {  	[bflag:$0x3] =	sbarrier.arrive $0xFFFF  }
0x7f: {  	_ =	shalt  }

// kernel: kernel.9.cloned.1.call-start
scs
__scs_entry_jumppad:
0x0: {  	(pc) =	sbr.rel $0x88, $3  }
0x1: {  	(tag) =	ssettag $0x0;
	lr =	simm.s32 $0x1  }
0x2: {  	[smem:$0x3F9B] =	sst lr;
	_ =	strace $0xD0000000  }
0x3: {  	_ = 	snop  }
0x4: {  	_ = 	snop  }
0x5: {  	_ = 	snop  }
0x6: {  	_ = 	snop  }
0x7: {  	_ = 	snop  }
__scs_overlays_trampoline_lowered:
0x8: {  	[smem:$0x3FAA] =	sst s0  }
0x9: {  	[smem:$0x3FAB] =	sst s1  }
0xa: {  	[smem:$0x3FAC] =	sst s2  }
0xb: {  	[smem:$0x3FAD] =	sst s3  }
0xc: {  	[smem:$0x3FAE] =	sst s4  }
0xd: {  	[smem:$0x3FAF] =	sst s5  }
0xe: {  	[smem:$0x3FB0] =	sst s6  }
0xf: {  	[smem:$0x3FB1] =	sst s7  }
0x10: {  	[smem:$0x3FB2] =	sst s8  }
0x11: {  	[smem:$0x3FB3] =	sst s9;
	s0 =	simm.s32 @!p0 $0x0  }
0x12: {  	s1 =	sld [smem:$0x3F99];
	s0 =	simm.s32 @p0 $0x1  }
0x13: {  	[smem:$0x3FB4] =	sst s0;
	s0 =	simm.s32 @!p1 $0x0  }
0x14: {  	s2 =	sld [smem:$0x3F98];
	s0 =	simm.s32 @p1 $0x1  }
0x15: {  	[smem:$0x3FB5] =	sst s0;
	s0 =	simm.s32 @!p2 $0x0  }
0x16: {  	s3 =	sld [smem:$0x3FDB];
	s0 =	simm.s32 @p2 $0x1  }
0x17: {  	s4 =	simm.s32 $0x1BF5;
	[smem:$0x3FB7] =	sst s0  }
0x18: {  	s0 =	sld [smem:$0x3F9A];
	_ =	swait.ge [sflag:s4], $0x0  }
0x19: {  	s7 =	sld [smem:$0x3F9B]  }
0x1a: {  	s8 =	sadd.s32 $0xFFFFE003, lr  }
0x1b: {  	s9 =	sadd.s32 $0xFFFFFEF7, lr;
	s5 =	simm.s32 $0xFFFFFFFF;
	p2 =	slt.u32 s8, $0xFFFFF086  }
0x1c: {  	p1 =	slt.u32 s9, $0xF7A;
	s5 =	simm.s32 @!p2 $0x0  }
0x1d: {  	s5 =	simm.s32 @p1 $0x1;
	p0 =	seq.s32 s7, s2  }
0x1e: {  	s7 =	smul.u32 @!p0 $0xF7A, s2;
	p2 =	seq.s32 @!p0 s5, $0x0  }
0x1f: {  	s9 =	smul.u32 $0xF7A, s1;
	s8 =	simm.s32 @!p0 $0x1BF5;
	p2 =	por !p2, p0  }
0x20: {  	[sflag:s8] =	ssyncset.s32 @!p0 $0xFFFFF086;
	s6 =	sadd.s32 @!p0 s3, s7;
	s7 =	simm.s32 @!p0 $0x108  }
0x21: {  	s3 =	sadd.s32 s3, s9;
	s6 =	sadd.s32 @!p0 $0x88, s6;
	s7 =	simm.s32 @p2 $0x1082  }
0x22: {  	[simem:s7], [sflag:s8] =	dma.local @!p0 [hbm:s6], $0xF7A  }
0x23: {  	s9 =	sor.u32 $0xD0000000, s2;
	s6 =	simm.s32 $0x108;
	_ =	swait.ge @!p0 [sflag:s8], $0x0  }
0x24: {  	s3 =	sadd.s32 $0x88, s3;
	s6 =	simm.s32 @!p1 $0x1082;
	[sflag:s4] =	ssyncset.s32 $0xFFFFF086  }
0x25: {  	[simem:s6], [sflag:s4] =	dma.local [hbm:s3], $0xF7A  }
0x26: {  	[smem:$0x3F9B] =	sst s1;
	(tag) =	ssettag s2;
	_ =	strace s9  }
0x27: {  	s1 =	sld [smem:$0x3FAB]  }
0x28: {  	s2 =	sld [smem:$0x3FAC]  }
0x29: {  	s4 =	sld [smem:$0x3FAE]  }
0x2a: {  	p0 =	seq.s32 s5, $0x0;
	s5 =	sld [smem:$0x3FAF]  }
0x2b: {  	s6 =	sld [smem:$0x3FB0]  }
0x2c: {  	s7 =	sld [smem:$0x3FB1]  }
0x2d: {  	s3 =	simm.s32 $0x108;
	s8 =	sld [smem:$0x3FB2]  }
0x2e: {  	s3 =	simm.s32 @!p0 $0x1082;
	s9 =	sld [smem:$0x3FB3]  }
0x2f: {  	lr =	sadd.s32 s0, s3;
	s0 =	sld [smem:$0x3FAA]  }
0x30: {  	s3 =	sld [smem:$0x3FAD]  }
0x31: {  	[smem:$0x3FB6] =	sst s10  }
0x32: {  	s10 =	sld [smem:$0x3FB4];
	_ =	sdelay $0x3  }
0x33: {  	p0 =	seq.s32 s10, $0x1;
	s10 =	sld [smem:$0x3FB6];
	_ =	sdelay $0x3  }
0x34: {  	[smem:$0x3FB6] =	sst s10  }
0x35: {  	s10 =	sld [smem:$0x3FB5];
	_ =	sdelay $0x3  }
0x36: {  	p1 =	seq.s32 s10, $0x1;
	s10 =	sld [smem:$0x3FB6];
	_ =	sdelay $0x3  }
0x37: {  	[smem:$0x3FB6] =	sst s10  }
0x38: {  	s10 =	sld [smem:$0x3FB7]  }
0x39: {  	_ = 	snop;
	(pc) =	sbr.ind lr, $3  }
0x3a: {  	_ = 	snop  }
0x3b: {  	_ = 	snop  }
0x3c: {  	p2 =	seq.s32 s10, $0x1;
	s10 =	sld [smem:$0x3FB6]  }
0x3d: {  	_ =	shalt  }
0x3e: {  	_ =	shalt  }
0x3f: {  	_ =	shalt  }
0x40: {  	_ =	shalt  }
0x41: {  	_ =	shalt  }
0x42: {  	_ =	shalt  }
0x43: {  	_ =	shalt  }
0x44: {  	_ =	shalt  }
0x45: {  	_ =	shalt  }
0x46: {  	_ =	shalt  }
0x47: {  	_ =	shalt  }
0x48: {  	_ =	shalt  }
0x49: {  	_ =	shalt  }
0x4a: {  	_ =	shalt  }
0x4b: {  	_ =	shalt  }
0x4c: {  	_ =	shalt  }
0x4d: {  	_ =	shalt  }
0x4e: {  	_ =	shalt  }
0x4f: {  	_ =	shalt  }
0x50: {  	_ =	shalt  }
0x51: {  	_ =	shalt  }
0x52: {  	_ =	shalt  }
0x53: {  	_ =	shalt  }
0x54: {  	_ =	shalt  }
0x55: {  	_ =	shalt  }
0x56: {  	_ =	shalt  }
0x57: {  	_ =	shalt  }
0x58: {  	_ =	shalt  }
0x59: {  	_ =	shalt  }
0x5a: {  	_ =	shalt  }
0x5b: {  	_ =	shalt  }
0x5c: {  	_ =	shalt  }
0x5d: {  	_ =	shalt  }
0x5e: {  	_ =	shalt  }
0x5f: {  	_ =	shalt  }
0x60: {  	_ =	shalt  }
0x61: {  	_ =	shalt  }
0x62: {  	_ =	shalt  }
0x63: {  	_ =	shalt  }
0x64: {  	_ =	shalt  }
0x65: {  	_ =	shalt  }
0x66: {  	_ =	shalt  }
0x67: {  	_ =	shalt  }
0x68: {  	_ =	shalt  }
0x69: {  	_ =	shalt  }
0x6a: {  	_ =	shalt  }
0x6b: {  	_ =	shalt  }
0x6c: {  	_ =	shalt  }
0x6d: {  	_ =	shalt  }
0x6e: {  	_ =	shalt  }
0x6f: {  	_ =	shalt  }
0x70: {  	_ =	shalt  }
0x71: {  	_ =	shalt  }
0x72: {  	_ =	shalt  }
0x73: {  	_ =	shalt  }
0x74: {  	_ =	shalt  }
0x75: {  	_ =	shalt  }
0x76: {  	_ =	shalt  }
0x77: {  	_ =	shalt  }
0x78: {  	_ =	shalt  }
0x79: {  	_ =	shalt  }
0x7a: {  	_ =	shalt  }
0x7b: {  	_ =	shalt  }
0x7c: {  	_ =	shalt  }
0x7d: {  	_ =	shalt  }
0x7e: {  	_ =	shalt  }
0x7f: {  	_ =	shalt  }
0x80: {  	_ =	shalt  }
0x81: {  	_ =	shalt  }
0x82: {  	_ =	shalt  }
0x83: {  	_ =	shalt  }
0x84: {  	_ =	shalt  }
0x85: {  	_ =	shalt  }
0x86: {  	_ =	shalt  }
0x87: {  	_ =	shalt  }
.Lfunc_end0:
.L_simem_size_0:
called_computation.1_lowered:
.L_overlay_start_0:
0x88: {  	s2 =	sld [smem:$0x3FD9]  }
0x89: {  	s3 =	sld [smem:$0x3FFE];
	_ =	sdelay $0x1  }
0x8a: {  	s1 =	srdreg.scid  }
0x8b: {  	s0 =	sand.u32 $0x1, s1  }
0x8c: {  	s16 =	sshll.u32 s0, $0xA;
	s2 =	sadd.s32 s3, s2  }
0x8d: {  	s2 =	sadd.s32 s2, s16  }
0x8e: {  	[smem:$0x3FC2] =	sst s2  }
0x8f: {  	_ = 	snop  }
0x90: {  	(tm) =	ssettm $0x1  }
0x91: {  	s17 =	sld [smem:$0x3FFB];
	_ =	sdelay $0x3  }
0x92: {  	_ =	strace s17  }
0x93: {  	s2 =	sld [smem:$0x3FFC];
	_ =	sdelay $0x3  }
0x94: {  	_ =	strace s2  }
0x95: {  	s2 =	sld [smem:$0x3FFD];
	_ =	sdelay $0x3  }
0x96: {  	_ =	strace s2  }
0x97: {  	_ =	strace $0x8FFFFFFF  }
0x98: {  	s18 =	sld [smem:$0x3FDB];
	_ =	sdelay $0x1  }
0x99: {  	s19 =	simm.s32 $_scs_section_size  }
0x9a: {  	s4 =	simm.s32 $_size__tile_overlayer_lowered;
	s5 =	simm.s32 $_tile_overlayer_lowered  }
0x9b: {  	s22 =	simm.s32 $0x1BFF;
	s21 =	sshll.u32 s5, $0x1;
	s2 =	sadd.s32 s19, s18  }
0x9c: {  	s6 =	simm.s32 $0x0;
	s20 =	sshll.u32 s4, $0x1;
	s4 =	sadd.s32 s21, s2  }
0x9d: {  	[timem:s6], [sflag:s22] =	dma.local [hbm:s4], s20  }
0x9e: {  	_ =	swait.ge [sflag:s22], s20  }
0x9f: {  	s3 =	ssub.s32 $0x0, s20;
	[sflag:s22] =	ssyncset.done $0x0  }
0xa0: {  	[sflag:s22] =	ssyncadd.s32 s3;
	_ =	sdelay $0x1  }
0xa1: {  	s23 =	simm.s32 $0x1B8B  }
0xa2: {  	_ =	swait.ge [sflag:s23], $0x1  }
0xa3: {  	[sflag:s23] =	ssyncset.done $0x0  }
0xa4: {  	s25 =	simm.s32 $0x1B8E;
	s24 =	sld [smem:$0x3FFE];
	[sflag:s23] =	ssyncadd.s32 $0xFFFFFFFF  }
0xa5: {  	s26 =	simm.s32 $execute0_lowered;
	[smem:$0x3FD2] =	sst s25  }
0xa6: {  	s4 =	sshll.u32 s26, $0x1;
	_ =	strace $0x80000049;
	[dreg:$0x1] =	wrdreg $0xFFFFFFFF  }
0xa7: {  	s28 =	simm.s32 $_size_execute0_lowered;
	s2 =	sadd.s32 s2, s4;
	[dreg:$0x0] =	wrdreg $0x0  }
0xa8: {  	s4 =	sshll.u32 s28, $0x1;
	[dreg:$0x2] =	wrdreg s2  }
0xa9: {  	[dreg:$0x3] =	wrdreg s4  }
0xaa: {  	[dreg:$0x4] =	wrdreg $0xC0  }
0xab: {  	_ =	task [dreg:s6], $0x5FFFF  }
0xac: {  	[dreg:$0x1] =	wrdreg $0xFFFFFFFF  }
0xad: {  	[dreg:$0x0] =	wrdreg $0x60  }
0xae: {  	[dreg:$0x2] =	wrdreg s24  }
0xaf: {  	[dreg:$0x3] =	wrdreg $0x9B000  }
0xb0: {  	[dreg:$0x4] =	wrdreg $0x1D3800  }
0xb1: {  	[dreg:$0x5] =	wrdreg $0x9  }
0xb2: {  	_ =	task.clear_ibuf [dreg:s6], $0x6FFFF;
	_ =	strace $0x90000049  }
0xb3: {  	s29 =	simm.s32 $0x9;
	_ =	strace $0x8000004B  }
0xb4: {  	_ =	swait.ge [sflag:s29], $0x1  }
0xb5: {  	[sflag:s29] =	ssyncadd.s32 $0xFFFFFFFF  }
0xb6: {  	_ =	strace $0x9000004B  }
0xb7: {  	_ =	sfence  }
0xb8: {  	s30 =	sld [smem:$0x0];
	_ =	sdelay $0x2  }
0xb9: {  	s31 =	sshll.u32 s1, $0xD;
	s1 =	sshrl.u32 s1, $0x2  }
0xba: {  	s3 =	sand.u32 $0x4000, s31;
	s1 =	sadd.s32 s1, s30  }
0xbb: {  	s0 =	sor.u32 s3, s0;
	s1 =	sshll.u32 s1, $0x11  }
0xbc: {  	s0 =	sor.u32 s1, s0  }
0xbd: {  	s0 =	sadd.s32 $0x8F2B, s0  }
0xbe: {  	[sflag:s0] =	ssyncadd.remote.s32 $0x1  }
0xbf: {  	_ =	sfence.sel $0xFFFF  }
0xc0: {  	[dreg:$0x0] =	wrdreg $0xFFFFFFFF;
	(pc) =	sbr.abs _section_cstart, $3  }
0xc1: {  	[dreg:$0x1] =	wrdreg $0xFFFFFFFF  }
0xc2: {  	_ =	task.clear_ibuf [dreg:s6], $0x2FFFF;
	_ =	strace $0x9FFFFFFF  }
0xc3: {  	(tm) =	ssettm $0x7FFFFFFF  }
tec
execute0_lowered:
.L_overlay_start_1:
0x0: {  	(tag) =	ssettag $0x1  }
0x1: {  	s0 =	rddreg [dreg:$0x0]  }
0x2: {  	s2 =	rddreg [dreg:$0x1]  }
0x3: {  	s1 =	rddreg [dreg:$0x2];
	s6 =	stileid.u32  }
0x4: {  	s4 =	srdreg.scid;
	s3 =	simm.s32 $0x0;
	s28 =	simm.s32 $0x9C400  }
0x5: {  	s30 =	simm.s32 $0x1;
	s29 =	simm.s32 $0x0;
	s7 =	smul.u32 $0x3E80, s6  }
0x6: {  	s9 =	sand.u32 $0x1, s4;
	[smem:$0x7FF] =	sst s3;
	s10 =	smul.u32 $0x1F400, s6  }
0x7: {  	s4 =	sadd.s32 $0xDA00, s0;
	s5 =	sadd.s32 $0x34C00, s0;
	s16 =	smul.u32 $0x3E8, s6  }
0x8: {  	s11 =	sadd.s32 $0xD000, s0;
	s18 =	sadd.s32 $0xCA00, s0;
	s15 =	smul.u32 $0x7D000, s6  }
0x9: {  	s20 =	sshll.u32 s6, $0x1;
	s23 =	smul.u32 $0x9C40, s6;
	p0 =	sgt.u32 s6, $0x9  }
0xa: {  	s8 =	smul.u32 $0x138800, s9;
	_ =	strace $0x8000004A;
	[dreg:$0x6] =	wrdreg s11  }
0xb: {  	s26 =	smul.u32 $0x2710, s9;
	[dreg:$0x7] =	wrdreg s18;
	s12 =	ssub.s32 $0x2, s9  }
0xc: {  	s31 =	sadd.s32 s7, s0;
	s13 =	sshrl.u32 s12, $0x1;
	s21 =	sshrl.u32 s15, $0x2  }
0xd: {  	s24 =	sshrl.u32 s23, $0x2;
	s23 =	simm.s32 $0x9300;
	s8 =	sadd.s32 s10, s8  }
0xe: {  	s19 =	sadd.s32 s16, s26;
	s10 =	sor.u32 s9, s20;
	s18 =	ssub.s32 s12, s13  }
0xf: {  	s7 =	sadd.s32 s21, s2;
	s20 =	sshll.u32 s6, $0x8;
	s15 =	sadd.s32 s24, s1  }
0x10: {  	s26 =	sshll.u32 s9, $0x7;
	s24 =	simm.s32 $0x9;
	s8 =	sshrl.u32 s8, $0x3  }
0x11: {  	s14 =	ssub.s32 $0x1387, s10;
	s22 =	sshll.u32 s10, $0x4;
	s10 =	sadd.s32 $0x5BE00, s31  }
0x12: {  	[dreg:$0x8] =	wrdreg s7;
	s17 =	sadd.s32 s8, s0;
	s8 =	sshrl.u32 s19, $0x3  }
0x13: {  	s11 =	sadd.s32 s4, s22;
	s19 =	smax.u32 s18, $0x1;
	s22 =	sshrl.u32 @!p0 s7, $0x3  }
0x14: {  	s0 =	sadd.s32 s8, s0;
	s8 =	sshrl.u32 s14, $0x5;
	s12 =	sadd.s32 $0x200, s11  }
0x15: {  	s17 =	sadd.s32 $0x83000, s17;
	s13 =	sadd.s32 $0xFFFFFFFE, s8;
	s14 =	sadd.s32 $0xFFFFFFFD, s8  }
0x16: {  	[dreg:$0x9] =	wrdreg s17;
	s17 =	sadd.s32 s16, s1;
	s0 =	sadd.s32 $0x2C00, s0  }
.Ltmp0:
0x17: {  	s25 =	sadd.s32 $0xFFFFFFFC, s8;
	[dreg:$0xa] =	wrdreg s0;
	(pc) =	sbr.rel .LBB2_1-.Ltmp0, $4  }
0x18: {  	s31 =	sadd.s32 $0x4, s8;
	s16 =	sshll.u32 @!p0 s6, $0x6;
	[dreg:$0x4] =	wrdreg s25  }
0x19: {  	s0 =	sor.u32 s26, s20;
	s1 =	sand.u32 $0xBC, s31;
	s21 =	sor.u32 @!p0 $0x1C09, s16  }
0x1a: {  	s25 =	simm.s32 $0x6B80;
	s26 =	simm.s32 $0x80;
	s16 =	simm.s32 $0x8  }
0x1b: {  	v0 =	vimm.f32 $0.0e+00;
	s9 =	sor.u32 $0x3000, s0;
	[dreg:$0x5] =	wrdreg s1;
	s1 =	simm.s32 $0x7  }
.LBB2_10:
0x1c: {  	[spmem:s15] =	stream.linear.scatter [tilespmem:s25], [sflag:$0x9], $0x2710, $0x38;
	[tilespmem:$0x1FA90] =	vst v63  }
0x1d: {  	_ =	swait.ge [sflag:s24], $0x2710  }
0x1e: {  	[sflag:s24] =	ssyncset.done $0x0  }
0x1f: {  	[sflag:s24] =	ssyncadd.s32 $0xFFFFD8F0  }
0x20: {  	[bflag:$0x0] =	sbarrier.arrive $0xFFFF  }
.LBB2_11:
0x21: {  	s29 =	sadd.s32 $0x1, s29  }
0x22: {  	p1 =	sne.s32 s29, s19  }
.Ltmp1:
0x23: {  	_ = 	snop;
	(pc) =	sbr.rel @!p1 .LBB2_12-.Ltmp1, $1  }
0x24: {  	_ =	sdelay $0x3  }
.LBB2_1:
0x25: {  	[spmem:s22], [sflag:s21] =	dma.local @!p0 [hbm:s10], $0x3E80  }
0x26: {  	s0 =	simm.s32 @!p0 $0x9  }
0x27: {  	_ =	swait.ge @!p0 [sflag:s0], $0x3E80  }
0x28: {  	[sflag:s0] =	ssyncset.done @!p0 $0x0  }
0x29: {  	s6 =	simm.s32 $0x4400;
	s20 =	rddreg [dreg:$0x6];
	[sflag:s0] =	ssyncadd.s32 @!p0 $0xFFFFC180  }
0x2a: {  	[tilespmem:s6], [sflag:$0x9] =	stream.linear.gather [hbm4b:s20+s3], $0x2780, $0x38;
	[tilespmem:$0x1FA90] =	vst v63  }
0x2b: {  	_ =	swait.ge [sflag:s24], $0x2780  }
0x2c: {  	[sflag:s24] =	ssyncset.done $0x0  }
0x2d: {  	s6 =	rddreg [dreg:$0x7];
	[sflag:s24] =	ssyncadd.s32 $0xFFFFD880  }
0x2e: {  	[tilespmem:s25], [sflag:$0x9] =	stream.linear.gather [hbm4b:s6+s3], $0x2780, $0x38;
	[tilespmem:$0x1FA90] =	vst v63  }
0x2f: {  	_ =	swait.ge [sflag:s24], $0x2780  }
0x30: {  	[sflag:s24] =	ssyncset.done $0x0  }
0x31: {  	[sflag:s24] =	ssyncadd.s32 $0xFFFFD880  }
0x32: {  	[tilespmem:s3], [sflag:$0x1] =	stream.strided.gather [hbm4b:s11+s26], $0x100, s28, s26, $0x38;
	[tilespmem:$0x1FA90] =	vst v63  }
0x33: {  	s7 =	simm.s32 $0x100  }
0x34: {  	[tilespmem:s7], [sflag:$0x2] =	stream.strided.gather [hbm4b:s12+s26], $0x100, s28, s26, $0x38;
	[tilespmem:$0x1FA90] =	vst v63  }
0x35: {  	_ =	swait.ge [sflag:s30], $0x100  }
0x36: {  	[sflag:s30] =	ssyncset.done $0x0  }
0x37: {  	s18 =	simm.s32 $0x40;
	s20 =	simm.s32 $0x400;
	[sflag:s30] =	ssyncadd.s32 $0xFFFFFF00  }
0x38: {  	[tilespmem:s20], [sflag:$0x5] =	stream.indirect.gather [hbm4b:s5+s18], $0x80, s3, s18, $0xb8;
	[tilespmem:$0x1FA90] =	vst v63  }
0x39: {  	s31 =	simm.s32 $0x0;
	s20 =	smov.u32 s9;
	[bflag:$0x0] =	sbarrier.arrive $0xFFFF  }
.LBB2_2:
0x3a: {  	p1 =	sgt.u32 s31, s8  }
0x3b: {  	s0 =	sadd.s32 @!p1 $0x2, s31  }
0x3c: {  	p2 =	sgt.u32 @!p1 s0, s8  }
0x3d: {  	p2 =	por p2, p1  }
0x3e: {  	s0 =	sadd.s32 @!p2 $0xFFFFF000, s20  }
0x3f: {  	s18 =	simm.s32 @!p2 $0x80;
	s0 =	sshrl.u32 @!p2 s0, $0x3  }
0x40: {  	s6 =	simm.s32 @!p2 $0x9C400;
	s7 =	simm.s32 @!p2 $0x200;
	s0 =	sadd.s32 @!p2 s4, s0  }
0x41: {  	[tilespmem:s7], [sflag:$0x3] =	stream.strided.gather @!p2 [hbm4b:s0+s18], $0x100, s6, s18, $0x38;
	[tilespmem:$0x1FA90] =	vst v63  }
0x42: {  	v1 =	vld @!p1 [tilespmem:$0x80];
	_ =	sdelay $0x4  }
0x43: {  	v2 =	vld @!p1 [tilespmem:$0x0];
	_ =	sdelay $0x1  }
0x44: {  	s0 =	simm.s32 @!p1 $0x4400  }
0x45: {  	v1 =	vld.idx.msk @!p1 [tilespmem:v1+s0+$0x0], $0xffff;
	_ =	sdelay $0x3  }
0x46: {  	s6 =	simm.s32 @!p1 $0x6B80  }
0x47: {  	[tilespmem:v2+s6+$0x0] =	vst.idx.add.f32.msk @!p1 $0xffff, v1  }
0x48: {  	v1 =	vld @!p1 [tilespmem:$0x90];
	_ =	sdelay $0x4  }
0x49: {  	v2 =	vld @!p1 [tilespmem:$0x10];
	_ =	sdelay $0x2  }
0x4a: {  	v1 =	vld.idx.msk @!p1 [tilespmem:v1+s0+$0x0], $0xffff;
	_ =	sdelay $0x4  }
0x4b: {  	[tilespmem:v2+s6+$0x0] =	vst.idx.add.f32.msk @!p1 $0xffff, v1  }
0x4c: {  	v1 =	vld @!p1 [tilespmem:$0xA0];
	_ =	sdelay $0x4  }
0x4d: {  	v2 =	vld @!p1 [tilespmem:$0x20];
	_ =	sdelay $0x2  }
0x4e: {  	v1 =	vld.idx.msk @!p1 [tilespmem:v1+s0+$0x0], $0xffff;
	_ =	sdelay $0x4  }
0x4f: {  	[tilespmem:v2+s6+$0x0] =	vst.idx.add.f32.msk @!p1 $0xffff, v1  }
0x50: {  	v1 =	vld @!p1 [tilespmem:$0xB0];
	_ =	sdelay $0x4  }
0x51: {  	v2 =	vld @!p1 [tilespmem:$0x30];
	_ =	sdelay $0x2  }
0x52: {  	v1 =	vld.idx.msk @!p1 [tilespmem:v1+s0+$0x0], $0xffff;
	_ =	sdelay $0x3  }
0x53: {  	p3 =	sge.u32 @!p1 s31, s8  }
0x54: {  	p2 =	por p3, p1;
	s0 =	simm.s32 @!p1 $0x5;
	[tilespmem:v2+s6+$0x0] =	vst.idx.add.f32.msk @!p1 $0xffff, v1  }
0x55: {  	p4 =	seq.s32 @!p2 s31, $0x0;
	_ =	swait.ge @!p1 [sflag:s0], $0x2000  }
0x56: {  	s7 =	simm.s32 @!p1 $0x400;
	p3 =	por @!p1 p4, p3;
	[sflag:s0] =	ssyncset.done @!p1 $0x0  }
0x57: {  	s6 =	simm.s32 @!p1 $0x80;
	[sflag:s0] =	ssyncadd.s32 @!p1 $0xFFFFE000;
	s0 =	simm.s32 @!p1 $0x40  }
0x58: {  	[spmem:s2] =	stream.indirect.scatter.add.f32 @!p1 [tilespmem:s7], [sflag:$0x7], $0x80, s6, s0, $0xb8;
	[tilespmem:$0x1FA90] =	vst v63  }
0x59: {  	p1 =	por p3, p1  }
0x5a: {  	s0 =	simm.s32 @!p1 $0x8  }
0x5b: {  	_ =	swait.ge @!p1 [sflag:s0], $0x2000  }
0x5c: {  	[sflag:s0] =	ssyncset.done @!p1 $0x0  }
0x5d: {  	[sflag:s0] =	ssyncadd.s32 @!p1 $0xFFFFE000;
	s0 =	simm.s32 @!p2 $0x2  }
0x5e: {  	_ =	swait.ge @!p2 [sflag:s0], $0x100  }
0x5f: {  	s6 =	simm.s32 @!p2 $0x100;
	s7 =	simm.s32 @!p2 $0x2400;
	[sflag:s0] =	ssyncset.done @!p2 $0x0  }
0x60: {  	p1 =	sge.u32 s31, s8;
	[sflag:s0] =	ssyncadd.s32 @!p2 $0xFFFFFF00;
	s0 =	simm.s32 @!p2 $0x40  }
0x61: {  	[tilespmem:s7], [sflag:$0x6] =	stream.indirect.gather @!p2 [hbm4b:s5+s0], $0x80, s6, s0, $0xb8;
	[tilespmem:$0x1FA90] =	vst v63  }
0x62: {  	s18 =	simm.s32 @!p1 $0x300;
	s0 =	sshrl.u32 @!p1 s20, $0x3  }
0x63: {  	s6 =	simm.s32 @!p1 $0x80;
	s7 =	simm.s32 @!p1 $0x9C400;
	s0 =	sadd.s32 @!p1 s4, s0  }
0x64: {  	[tilespmem:s18], [sflag:$0x4] =	stream.strided.gather @!p1 [hbm4b:s0+s6], $0x100, s7, s6, $0x38;
	[tilespmem:$0x1FA90] =	vst v63  }
0x65: {  	v1 =	vld @!p1 [tilespmem:$0x180];
	_ =	sdelay $0x4  }
0x66: {  	v2 =	vld @!p1 [tilespmem:$0x100];
	_ =	sdelay $0x1  }
0x67: {  	s0 =	simm.s32 @!p1 $0x4400  }
0x68: {  	v1 =	vld.idx.msk @!p1 [tilespmem:v1+s0+$0x0], $0xffff;
	_ =	sdelay $0x3  }
0x69: {  	s6 =	simm.s32 @!p1 $0x6B80  }
0x6a: {  	[tilespmem:v2+s6+$0x0] =	vst.idx.add.f32.msk @!p1 $0xffff, v1  }
0x6b: {  	v1 =	vld @!p1 [tilespmem:$0x190];
	_ =	sdelay $0x4  }
0x6c: {  	v2 =	vld @!p1 [tilespmem:$0x110];
	_ =	sdelay $0x2  }
0x6d: {  	v1 =	vld.idx.msk @!p1 [tilespmem:v1+s0+$0x0], $0xffff;
	_ =	sdelay $0x4  }
0x6e: {  	[tilespmem:v2+s6+$0x0] =	vst.idx.add.f32.msk @!p1 $0xffff, v1  }
0x6f: {  	v1 =	vld @!p1 [tilespmem:$0x1A0];
	_ =	sdelay $0x4  }
0x70: {  	v2 =	vld @!p1 [tilespmem:$0x120];
	_ =	sdelay $0x2  }
0x71: {  	v1 =	vld.idx.msk @!p1 [tilespmem:v1+s0+$0x0], $0xffff;
	_ =	sdelay $0x4  }
0x72: {  	[tilespmem:v2+s6+$0x0] =	vst.idx.add.f32.msk @!p1 $0xffff, v1  }
0x73: {  	v1 =	vld @!p1 [tilespmem:$0x1B0];
	_ =	sdelay $0x4  }
0x74: {  	v2 =	vld @!p1 [tilespmem:$0x130];
	_ =	sdelay $0x2  }
0x75: {  	v1 =	vld.idx.msk @!p1 [tilespmem:v1+s0+$0x0], $0xffff;
	_ =	sdelay $0x4  }
0x76: {  	s0 =	simm.s32 @!p1 $0x6;
	[tilespmem:v2+s6+$0x0] =	vst.idx.add.f32.msk @!p1 $0xffff, v1  }
0x77: {  	_ =	swait.ge @!p1 [sflag:s0], $0x2000  }
0x78: {  	p2 =	sgt.u32 @!p1 s31, s13;
	s7 =	simm.s32 @!p1 $0x2400;
	[sflag:s0] =	ssyncset.done @!p1 $0x0  }
0x79: {  	s6 =	simm.s32 @!p1 $0x180;
	[sflag:s0] =	ssyncadd.s32 @!p1 $0xFFFFE000;
	s0 =	simm.s32 @!p1 $0x40  }
0x7a: {  	[spmem:s2] =	stream.indirect.scatter.add.f32 @!p1 [tilespmem:s7], [sflag:$0x8], $0x80, s6, s0, $0xb8;
	[tilespmem:$0x1FA90] =	vst v63  }
0x7b: {  	p1 =	por p2, p1  }
0x7c: {  	s0 =	simm.s32 @!p1 $0x7  }
0x7d: {  	_ =	swait.ge @!p1 [sflag:s0], $0x2000  }
0x7e: {  	[sflag:s0] =	ssyncset.done @!p1 $0x0  }
0x7f: {  	[sflag:s0] =	ssyncadd.s32 @!p1 $0xFFFFE000;
	s0 =	simm.s32 @!p1 $0x3  }
0x80: {  	_ =	swait.ge @!p1 [sflag:s0], $0x100  }
0x81: {  	s6 =	simm.s32 @!p1 $0x200;
	[sflag:s0] =	ssyncset.done @!p1 $0x0  }
0x82: {  	s7 =	simm.s32 @!p1 $0x400;
	[sflag:s0] =	ssyncadd.s32 @!p1 $0xFFFFFF00;
	s0 =	simm.s32 @!p1 $0x40  }
0x83: {  	[tilespmem:s7], [sflag:$0x5] =	stream.indirect.gather @!p1 [hbm4b:s5+s0], $0x80, s6, s0, $0xb8;
	[tilespmem:$0x1FA90] =	vst v63  }
0x84: {  	p1 =	sgt.u32 s31, s13  }
0x85: {  	s0 =	sadd.s32 @!p1 $0x4, s31  }
0x86: {  	p2 =	sgt.u32 @!p1 s0, s8  }
0x87: {  	p2 =	por p2, p1  }
0x88: {  	s0 =	sadd.s32 @!p2 $0x1000, s20  }
0x89: {  	s6 =	simm.s32 @!p2 $0x80;
	s0 =	sshrl.u32 @!p2 s0, $0x3  }
0x8a: {  	s7 =	simm.s32 @!p2 $0x9C400;
	s18 =	simm.s32 @!p2 $0x0;
	s0 =	sadd.s32 @!p2 s4, s0  }
0x8b: {  	[tilespmem:s18], [sflag:$0x1] =	stream.strided.gather @!p2 [hbm4b:s0+s6], $0x100, s7, s6, $0x38;
	[tilespmem:$0x1FA90] =	vst v63  }
0x8c: {  	v1 =	vld @!p1 [tilespmem:$0x280];
	_ =	sdelay $0x4  }
0x8d: {  	v2 =	vld @!p1 [tilespmem:$0x200];
	_ =	sdelay $0x1  }
0x8e: {  	s0 =	simm.s32 @!p1 $0x4400  }
0x8f: {  	v1 =	vld.idx.msk @!p1 [tilespmem:v1+s0+$0x0], $0xffff;
	_ =	sdelay $0x3  }
0x90: {  	s6 =	simm.s32 @!p1 $0x6B80  }
0x91: {  	[tilespmem:v2+s6+$0x0] =	vst.idx.add.f32.msk @!p1 $0xffff, v1  }
0x92: {  	v1 =	vld @!p1 [tilespmem:$0x290];
	_ =	sdelay $0x4  }
0x93: {  	v2 =	vld @!p1 [tilespmem:$0x210];
	_ =	sdelay $0x2  }
0x94: {  	v1 =	vld.idx.msk @!p1 [tilespmem:v1+s0+$0x0], $0xffff;
	_ =	sdelay $0x4  }
0x95: {  	[tilespmem:v2+s6+$0x0] =	vst.idx.add.f32.msk @!p1 $0xffff, v1  }
0x96: {  	v1 =	vld @!p1 [tilespmem:$0x2A0];
	_ =	sdelay $0x4  }
0x97: {  	v2 =	vld @!p1 [tilespmem:$0x220];
	_ =	sdelay $0x2  }
0x98: {  	v1 =	vld.idx.msk @!p1 [tilespmem:v1+s0+$0x0], $0xffff;
	_ =	sdelay $0x4  }
0x99: {  	[tilespmem:v2+s6+$0x0] =	vst.idx.add.f32.msk @!p1 $0xffff, v1  }
0x9a: {  	v1 =	vld @!p1 [tilespmem:$0x2B0];
	_ =	sdelay $0x4  }
0x9b: {  	v2 =	vld @!p1 [tilespmem:$0x230];
	_ =	sdelay $0x2  }
0x9c: {  	v1 =	vld.idx.msk @!p1 [tilespmem:v1+s0+$0x0], $0xffff;
	_ =	sdelay $0x4  }
0x9d: {  	s0 =	simm.s32 @!p1 $0x5;
	[tilespmem:v2+s6+$0x0] =	vst.idx.add.f32.msk @!p1 $0xffff, v1  }
0x9e: {  	_ =	swait.ge @!p1 [sflag:s0], $0x2000  }
0x9f: {  	s7 =	simm.s32 @!p1 $0x400;
	p2 =	sgt.u32 @!p1 s31, s14;
	[sflag:s0] =	ssyncset.done @!p1 $0x0  }
0xa0: {  	s6 =	simm.s32 @!p1 $0x280;
	[sflag:s0] =	ssyncadd.s32 @!p1 $0xFFFFE000;
	s0 =	simm.s32 @!p1 $0x40  }
0xa1: {  	[spmem:s2] =	stream.indirect.scatter.add.f32 @!p1 [tilespmem:s7], [sflag:$0x7], $0x80, s6, s0, $0xb8;
	[tilespmem:$0x1FA90] =	vst v63  }
0xa2: {  	p1 =	por p2, p1  }
0xa3: {  	s0 =	simm.s32 @!p1 $0x8  }
0xa4: {  	_ =	swait.ge @!p1 [sflag:s0], $0x2000  }
0xa5: {  	[sflag:s0] =	ssyncset.done @!p1 $0x0  }
0xa6: {  	[sflag:s0] =	ssyncadd.s32 @!p1 $0xFFFFE000;
	s0 =	simm.s32 @!p1 $0x4  }
0xa7: {  	_ =	swait.ge @!p1 [sflag:s0], $0x100  }
0xa8: {  	s6 =	simm.s32 @!p1 $0x300;
	[sflag:s0] =	ssyncset.done @!p1 $0x0  }
0xa9: {  	s7 =	simm.s32 @!p1 $0x2400;
	[sflag:s0] =	ssyncadd.s32 @!p1 $0xFFFFFF00;
	s0 =	simm.s32 @!p1 $0x40  }
0xaa: {  	[tilespmem:s7], [sflag:$0x6] =	stream.indirect.gather @!p1 [hbm4b:s5+s0], $0x80, s6, s0, $0xb8;
	[tilespmem:$0x1FA90] =	vst v63  }
0xab: {  	p1 =	sgt.u32 s31, s14  }
0xac: {  	s0 =	sadd.s32 @!p1 $0x5, s31  }
0xad: {  	p2 =	sgt.u32 @!p1 s0, s8  }
0xae: {  	p2 =	por p2, p1  }
0xaf: {  	s0 =	sadd.s32 @!p2 $0x2000, s20  }
0xb0: {  	s6 =	simm.s32 @!p2 $0x80;
	s0 =	sshrl.u32 @!p2 s0, $0x3  }
0xb1: {  	s7 =	simm.s32 @!p2 $0x9C400;
	s18 =	simm.s32 @!p2 $0x100;
	s0 =	sadd.s32 @!p2 s4, s0  }
0xb2: {  	[tilespmem:s18], [sflag:$0x2] =	stream.strided.gather @!p2 [hbm4b:s0+s6], $0x100, s7, s6, $0x38;
	[tilespmem:$0x1FA90] =	vst v63  }
0xb3: {  	v1 =	vld @!p1 [tilespmem:$0x380];
	_ =	sdelay $0x4  }
0xb4: {  	v2 =	vld @!p1 [tilespmem:$0x300];
	_ =	sdelay $0x1  }
0xb5: {  	s0 =	simm.s32 @!p1 $0x4400  }
0xb6: {  	v1 =	vld.idx.msk @!p1 [tilespmem:v1+s0+$0x0], $0xffff;
	_ =	sdelay $0x3  }
0xb7: {  	s6 =	simm.s32 @!p1 $0x6B80  }
0xb8: {  	[tilespmem:v2+s6+$0x0] =	vst.idx.add.f32.msk @!p1 $0xffff, v1  }
0xb9: {  	v1 =	vld @!p1 [tilespmem:$0x390];
	_ =	sdelay $0x4  }
0xba: {  	v2 =	vld @!p1 [tilespmem:$0x310];
	_ =	sdelay $0x2  }
0xbb: {  	v1 =	vld.idx.msk @!p1 [tilespmem:v1+s0+$0x0], $0xffff;
	_ =	sdelay $0x4  }
0xbc: {  	[tilespmem:v2+s6+$0x0] =	vst.idx.add.f32.msk @!p1 $0xffff, v1  }
0xbd: {  	v1 =	vld @!p1 [tilespmem:$0x3A0];
	_ =	sdelay $0x4  }
0xbe: {  	v2 =	vld @!p1 [tilespmem:$0x320];
	_ =	sdelay $0x2  }
0xbf: {  	v1 =	vld.idx.msk @!p1 [tilespmem:v1+s0+$0x0], $0xffff;
	_ =	sdelay $0x4  }
0xc0: {  	[tilespmem:v2+s6+$0x0] =	vst.idx.add.f32.msk @!p1 $0xffff, v1  }
0xc1: {  	v1 =	vld @!p1 [tilespmem:$0x3B0];
	_ =	sdelay $0x4  }
0xc2: {  	v2 =	vld @!p1 [tilespmem:$0x330];
	_ =	sdelay $0x2  }
0xc3: {  	v1 =	vld.idx.msk @!p1 [tilespmem:v1+s0+$0x0], $0xffff;
	_ =	sdelay $0x4  }
0xc4: {  	s0 =	simm.s32 @!p1 $0x6;
	[tilespmem:v2+s6+$0x0] =	vst.idx.add.f32.msk @!p1 $0xffff, v1  }
0xc5: {  	_ =	swait.ge @!p1 [sflag:s0], $0x2000  }
0xc6: {  	s7 =	simm.s32 @!p1 $0x380;
	s18 =	simm.s32 @!p1 $0x2400;
	[sflag:s0] =	ssyncset.done @!p1 $0x0  }
0xc7: {  	s6 =	simm.s32 @!p1 $0x40;
	[sflag:s0] =	ssyncadd.s32 @!p1 $0xFFFFE000;
	s0 =	rddreg [dreg:$0x4]  }
0xc8: {  	[spmem:s2] =	stream.indirect.scatter.add.f32 @!p1 [tilespmem:s18], [sflag:$0x8], $0x80, s7, s6, $0xb8;
	[tilespmem:$0x1FA90] =	vst v63  }
0xc9: {  	p2 =	sgt.u32 @!p1 s31, s0  }
0xca: {  	p1 =	por p2, p1  }
0xcb: {  	s0 =	simm.s32 @!p1 $0x7  }
0xcc: {  	_ =	swait.ge @!p1 [sflag:s0], $0x2000  }
0xcd: {  	[sflag:s0] =	ssyncset.done @!p1 $0x0  }
0xce: {  	[sflag:s0] =	ssyncadd.s32 @!p1 $0xFFFFE000;
	s0 =	simm.s32 @!p1 $0x1  }
0xcf: {  	s31 =	sadd.s32 $0x4, s31;
	_ =	swait.ge @!p1 [sflag:s0], $0x100  }
0xd0: {  	s6 =	simm.s32 @!p1 $0x0;
	s7 =	simm.s32 @!p1 $0x400;
	[sflag:s0] =	ssyncset.done @!p1 $0x0  }
0xd1: {  	s18 =	rddreg [dreg:$0x5];
	[sflag:s0] =	ssyncadd.s32 @!p1 $0xFFFFFF00;
	s0 =	simm.s32 @!p1 $0x40  }
0xd2: {  	[tilespmem:s7], [sflag:$0x5] =	stream.indirect.gather @!p1 [hbm4b:s5+s0], $0x80, s6, s0, $0xb8;
	[tilespmem:$0x1FA90] =	vst v63  }
0xd3: {  	p1 =	sne.s32 s18, s31  }
.Ltmp2:
0xd4: {  	_ = 	snop;
	(pc) =	sbr.rel @p1 .LBB2_2-.Ltmp2, $2  }
0xd5: {  	_ =	sdelay $0x2  }
0xd6: {  	s20 =	sadd.s32 $0x4000, s20  }
0xd7: {  	_ =	swait.ge [sflag:s1], $0x2000  }
0xd8: {  	[sflag:s1] =	ssyncset.done $0x0  }
0xd9: {  	[sflag:s1] =	ssyncadd.s32 $0xFFFFE000  }
.Ltmp3:
0xda: {  	_ =	swait.ge [sflag:s16], $0x2000;
	(pc) =	sbr.rel @p0 .LBB2_10-.Ltmp3, $3  }
0xdb: {  	[sflag:s16] =	ssyncset.done $0x0  }
0xdc: {  	[sflag:s16] =	ssyncadd.s32 $0xFFFFE000  }
0xdd: {  	[bflag:$0x0] =	sbarrier.arrive $0xFFFF;
	_ =	sdelay $0x1  }
0xde: {  	s0 =	stileid.u32  }
0xdf: {  	s6 =	rddreg [dreg:$0x8];
	s0 =	sshll.u32 s0, $0x6  }
0xe0: {  	s7 =	rddreg [dreg:$0x9];
	s6 =	sshrl.u32 s6, $0x3;
	s0 =	sor.u32 $0x1C09, s0  }
0xe1: {  	[hbm:s7], [sflag:s0] =	dma.local [spmem:s6], $0x3E80  }
0xe2: {  	_ =	swait.ge [sflag:s24], $0x3E80  }
0xe3: {  	[sflag:s24] =	ssyncset.done $0x0  }
0xe4: {  	[sflag:s24] =	ssyncadd.s32 $0xFFFFC180  }
0xe5: {  	[spmem:s15] =	stream.linear.scatter [tilespmem:s25], [sflag:$0x9], $0x2710, $0x38;
	[tilespmem:$0x1FA90] =	vst v63  }
0xe6: {  	_ =	swait.ge [sflag:s24], $0x2710  }
0xe7: {  	[sflag:s24] =	ssyncset.done $0x0  }
0xe8: {  	[sflag:s24] =	ssyncadd.s32 $0xFFFFD8F0  }
0xe9: {  	[bflag:$0x0] =	sbarrier.arrive $0xFFFF  }
0xea: {  	[tilespmem:$0x96E0] =	vst v0  }
0xeb: {  	s31 =	simm.s32 $0x9700;
	[tilespmem:$0x9AE0] =	vst v0  }
0xec: {  	[tilespmem:s31], [sflag:$0x9] =	stream.linear.gather [spmem:s17], $0x3E8, $0x38;
	[tilespmem:$0x1FA90] =	vst v63  }
0xed: {  	_ =	swait.ge [sflag:s24], $0x3E8  }
0xee: {  	[sflag:s24] =	ssyncset.done $0x0  }
0xef: {  	s20 =	simm.s32 $0x0;
	[sflag:s24] =	ssyncadd.s32 $0xFFFFFC18  }
.LBB2_6:
0xf0: {  	s20 =	sadd.s32 $0x1, s20  }
0xf1: {  	s0 =	smul.u32 $0x9C40, s20;
	_ =	sdelay $0x1  }
0xf2: {  	s0 =	sshra.s32 s0, $0x2  }
0xf3: {  	s0 =	sadd.s32 s0, s17  }
0xf4: {  	[tilespmem:s23], [sflag:$0x9] =	stream.linear.gather [spmem:s0], $0x3E8, $0x38;
	[tilespmem:$0x1FA90] =	vst v63  }
0xf5: {  	_ =	swait.ge [sflag:s24], $0x3E8  }
0xf6: {  	[sflag:s24] =	ssyncset.done $0x0  }
0xf7: {  	s31 =	simm.s32 $0x0;
	[sflag:s24] =	ssyncadd.s32 $0xFFFFFC18  }
0xf8: {  	s0 =	simm.s32 $0x40;
	v1 =	vld [tilespmem:s31+$0x9300]  }
.LBB2_7:
0xf9: {  	p1 =	seq.s32 s0, $0xF80;
	v2 =	vld [tilespmem:s31+$0x9700];
	_ =	sdelay $0x2  }
.Ltmp4:
0xfa: {  	(pc) =	sbr.rel @!p1 .LBB2_7-.Ltmp4, $4  }
0xfb: {  	_ = 	snop  }
0xfc: {  	v2 =	vadd.f32 v1, v2  }
0xfd: {  	s6 =	sshra.s32 s0, $0x2  }
0xfe: {  	s0 =	sadd.s32 $0x40, s0;
	v1 =	vld [tilespmem:s6+$0x9300];
	[tilespmem:s31+$0x9700] =	vst v2;
	s31 =	smov.u32 s6  }
0xff: {  	v2 =	vld [tilespmem:s31+$0x9700];
	_ =	sdelay $0x4  }
0x100: {  	v1 =	vadd.f32 v1, v2;
	_ =	sdelay $0x1  }
0x101: {  	[tilespmem:s31+$0x9700] =	vst v1  }
0x102: {  	p1 =	seq.s32 s20, $0xF  }
.Ltmp5:
0x103: {  	_ = 	snop;
	(pc) =	sbr.rel @!p1 .LBB2_6-.Ltmp5, $1  }
0x104: {  	_ =	sdelay $0x3  }
.Ltmp6:
0x105: {  	s0 =	rddreg [dreg:$0xa];
	s6 =	simm.s32 $0x9700;
	(pc) =	sbr.rel .LBB2_11-.Ltmp6, $4  }
0x106: {  	[hbm4b:s0+s3] =	stream.linear.scatter [tilespmem:s6], [sflag:$0x9], $0x3E8, $0x38;
	[tilespmem:$0x1FA90] =	vst v63  }
0x107: {  	_ =	swait.ge [sflag:s24], $0x3E8  }
0x108: {  	[sflag:s24] =	ssyncset.done $0x0  }
0x109: {  	[sflag:s24] =	ssyncadd.s32 $0xFFFFFC18  }
.LBB2_12:
0x10a: {  	_ =	sfence.sel $0x180000  }
0x10b: {  	[bflag:$0x0] =	sbarrier.arrive $0xFFFF  }
0x10c: {  	_ =	strace $0x9000004A  }
0x10d: {  	s0 =	stileid.u32;
	[bflag:$0x2] =	sbarrier.arrive $0xFFFF  }
0x10e: {  	p0 =	sne.s32 s0, $0x0;
	s0 =	rddreg [dreg:$0x3]  }
0x10f: {  	s0 =	sadd.s32 @!p0 $0x100000, s0  }
0x110: {  	[sflag:s0] =	ssyncadd.tile.s32 @!p0 $0x1;
	_ =	shalt  }
.Lfunc_end2:
_tile_overlayer_lowered:
.L_overlay_start_2:
0x111: {  	(tag) =	ssettag $0x2  }
0x112: {  	s0 =	rddreg [dreg:$0x0];
	s2 =	stileid.u32  }
0x113: {  	s1 =	rddreg [dreg:$0x1];
	p0 =	sne.s32 s2, $0x0  }
0x114: {  	s3 =	rddreg [dreg:$0x2];
	[bflag:$0x3] =	sbarrier.arrive $0xFFFF;
	s2 =	simm.s32 @!p0 $0x1C09  }
0x115: {  	[timem:s3], [sflag:s2] =	dma.local @!p0 [hbm:s0], s1  }
0x116: {  	s0 =	simm.s32 @!p0 $0x9  }
0x117: {  	_ =	swait.ge @!p0 [sflag:s0], s1  }
0x118: {  	s1 =	ssub.s32 @!p0 $0x0, s1;
	[sflag:s0] =	ssyncset.done @!p0 $0x0  }
0x119: {  	[sflag:s0] =	ssyncadd.s32 @!p0 s1  }
0x11a: {  	[bflag:$0x3] =	sbarrier.arrive $0xFFFF  }
0x11b: {  	_ =	shalt  }

</sc_bundles>
